<compile_context>
chip_gen: v7x
topology: tpu7x:2x2x1
jax: 0.10.2.dev20260603
libtpu: 0.0.44.dev20260713+nightly
codegen_flags: <defaults>
</compile_context>

<pallas_src>
import functools

import jax
import jax.numpy as jnp
from jax import lax
from jax.experimental import pallas as pl
from jax.experimental.pallas import tpu as pltpu
from jax.experimental.pallas import tpu_sc as plsc

_N, _E, _D = 10000, 320000, 128
_NP = 10240
_NC, _NS = 2, 16
_NW = _NC * _NS
_EPW = _E // _NW
_RPT = _NP // _NS

_IC = 80
_IR = 125
_DW = 12

_PC = 80
_PR = 125
_CB = 80
_NB = _RPT // _CB

_mesh = plsc.VectorSubcoreMesh(core_axis_name="c", subcore_axis_name="s")
_sc_params = pltpu.CompilerParams(use_tc_tiling_on_sc=False)


def _fill_const(buf, rows, cols, val):
    ncol = cols // 16

    def body(i, carry):
        r = i // ncol
        c = i % ncol
        buf[r, pl.ds(c * 16, 16)] = jnp.full((16,), val, jnp.float32)
        return carry

    lax.fori_loop(0, rows * ncol, body, 0)


@functools.partial(
    pl.kernel,
    out_type=jax.ShapeDtypeStruct((_NC, _NP, 16), jnp.float32),
    mesh=_mesh,
    scratch_types=[
        pltpu.VMEM((_IR, _IC), jnp.int32),
        pltpu.VMEM((_IC, 16), jnp.float32),
        pltpu.VMEM((_RPT, 16), jnp.float32),
        pltpu.VMEM_SHARED((_NP, 16), jnp.float32),
        pltpu.SemaphoreType.DMA,
    ],
    compiler_params=_sc_params,
)
def _deg_kernel(dst_hbm, deg_out, didx_v, ones_v, buf_v, deg_sp, sem):
    cid = lax.axis_index("c")
    sid = lax.axis_index("s")
    wid = sid * _NC + cid

    pltpu.sync_copy(dst_hbm.at[wid], didx_v)
    _fill_const(ones_v, _IC, 16, 1.0)
    _fill_const(buf_v, _RPT, 16, 0.0)
    pltpu.sync_copy(buf_v, deg_sp.at[pl.ds(sid * _RPT, _RPT)])
    plsc.subcore_barrier()

    def start(i):
        pltpu.async_copy(ones_v, deg_sp.at[didx_v.at[i]], sem, add=True)

    def wait():
        pltpu.make_async_copy(ones_v, deg_sp.at[didx_v.at[0]], sem).wait()

    for k in range(_DW):
        start(k)

    def body(i, carry):
        wait()
        start(i + _DW)
        return carry

    lax.fori_loop(0, _IR - _DW, body, 0)
    for k in range(_DW):
        wait()
    plsc.subcore_barrier()
    pltpu.sync_copy(deg_sp.at[pl.ds(sid * _RPT, _RPT)], buf_v)
    pltpu.sync_copy(buf_v, deg_out.at[cid, pl.ds(sid * _RPT, _RPT)])


_msg_scratch = (
    [pltpu.VMEM((_PR, _PC), jnp.int32)]
    + [pltpu.VMEM((_PC,), jnp.int32) for _ in range(6)]
    + [pltpu.VMEM((_PC, _D), jnp.float32) for _ in range(3)]
    + [pltpu.SemaphoreType.DMA for _ in range(6)]
    + [pltpu.VMEM_SHARED((_NP, _D), jnp.float32)]
)


@functools.partial(
    pl.kernel,
    out_type=jax.ShapeDtypeStruct((_NC, _NP, _D), jnp.float32),
    mesh=_mesh,
    scratch_types=_msg_scratch,
    compiler_params=_sc_params,
)
def _msg_kernel(y_hbm, pidx_hbm, acc_out, *sc):
    pidx_v = sc[0]
    slots = tuple((sc[1 + r], sc[4 + r], sc[7 + r], sc[10 + r], sc[13 + r])
                  for r in range(3))
    acc_sp = sc[16]

    cid = lax.axis_index("c")
    sid = lax.axis_index("s")
    wid = sid * _NC + cid

    pltpu.sync_copy(pidx_hbm.at[wid], pidx_v)

    buf0 = slots[0][2]
    _fill_const(buf0, _CB, _D, 0.0)
    for t in range(_NB):
        pltpu.async_copy(buf0.at[pl.ds(0, _CB)],
                         acc_sp.at[pl.ds(sid * _RPT + t * _CB, _CB)], slots[0][3])
    for t in range(_NB):
        pltpu.make_async_copy(buf0.at[pl.ds(0, _CB)],
                              acc_sp.at[pl.ds(sid * _RPT, _CB)], slots[0][3]).wait()
    plsc.subcore_barrier()

    def unpack(v, sl):
        for c in range(_PC // 16):
            u = pidx_v[v, pl.ds(c * 16, 16)]
            sl[0][pl.ds(c * 16, 16)] = jnp.bitwise_and(u, 0xFFFF)
            sl[1][pl.ds(c * 16, 16)] = lax.shift_right_logical(u, 16)

    def gath(sl):
        pltpu.async_copy(y_hbm.at[sl[0]], sl[2], sl[3])

    def wait_g(sl):
        pltpu.make_async_copy(y_hbm.at[sl[0]], sl[2], sl[3]).wait()

    def scat(sl):
        pltpu.async_copy(sl[2], acc_sp.at[sl[1]], sl[4], add=True)

    def wait_s(sl):
        pltpu.make_async_copy(sl[2], acc_sp.at[sl[1]], sl[4]).wait()

    def step(i, c_sl, n_sl, first=False):
        nxt = slots[n_sl]
        if not first:
            wait_s(nxt)
        unpack(i + 1, nxt)
        gath(nxt)
        cur = slots[c_sl]
        wait_g(cur)
        scat(cur)

    unpack(0, slots[0])
    gath(slots[0])
    step(0, 0, 1, first=True)
    step(1, 1, 2, first=True)

    def body(k, carry):
        for r in range(3):
            step(2 + 3 * k + r, (2 + r) % 3, r)
        return carry

    lax.fori_loop(0, 40, body, 0)

    step(122, 2, 0)
    step(123, 0, 1)
    last = slots[124 % 3]
    wait_g(last)
    scat(last)
    for r in range(3):
        wait_s(slots[r])

    plsc.subcore_barrier()
    cbuf = [slots[0][2], slots[1][2]]
    crd = [slots[0][3], slots[1][3]]
    cwr = [slots[0][4], slots[1][4]]
    for t in range(_NB):
        p = t % 2
        blk = pl.ds(sid * _RPT + t * _CB, _CB)
        if t >= 2:
            pltpu.make_async_copy(cbuf[p].at[pl.ds(0, _CB)],
                                  acc_out.at[cid, pl.ds(sid * _RPT, _CB)],
                                  cwr[p]).wait()
        pltpu.async_copy(acc_sp.at[blk], cbuf[p].at[pl.ds(0, _CB)], crd[p])
        pltpu.make_async_copy(acc_sp.at[pl.ds(sid * _RPT, _CB)],
                              cbuf[p].at[pl.ds(0, _CB)], crd[p]).wait()
        pltpu.async_copy(cbuf[p].at[pl.ds(0, _CB)], acc_out.at[cid, blk], cwr[p])
    for p in range(2):
        pltpu.make_async_copy(cbuf[p].at[pl.ds(0, _CB)],
                              acc_out.at[cid, pl.ds(sid * _RPT, _CB)],
                              cwr[p]).wait()


def _mm_body(x_ref, w_ref, xw_ref):
    xw_ref[...] = jnp.dot(x_ref[...], w_ref[...], preferred_element_type=jnp.float32)


_mm = pl.pallas_call(
    _mm_body,
    out_shape=jax.ShapeDtypeStruct((_N, _D), jnp.float32),
)


def _scale_body(deg_ref, xw_ref, y_ref, dis_ref):
    deg = deg_ref[0][:_N, 0:1] + deg_ref[1][:_N, 0:1] + 1.0
    dis = lax.rsqrt(deg)
    y_ref[...] = xw_ref[...] * dis
    dis_ref[...] = dis


_scale = pl.pallas_call(
    _scale_body,
    out_shape=(
        jax.ShapeDtypeStruct((_N, _D), jnp.float32),
        jax.ShapeDtypeStruct((_N, 1), jnp.float32),
    ),
)


def _out_body(acc_ref, y_ref, dis_ref, b_ref, out_ref):
    out_ref[...] = (acc_ref[0][:_N] + acc_ref[1][:_N] + y_ref[...]) * dis_ref[...] + b_ref[...]


_outk = pl.pallas_call(
    _out_body,
    out_shape=jax.ShapeDtypeStruct((_N, _D), jnp.float32),
)


@jax.jit
def _run(x, edge_index, W, b):
    src = edge_index[0].reshape(_NW, _EPW)
    dst = edge_index[1].reshape(_NW, _EPW)
    dpad = _IR * _IC - _EPW
    dst_deg = jnp.pad(dst, ((0, 0), (0, dpad)), constant_values=_N).reshape(_NW, _IR, _IC)
    packed = jnp.bitwise_or(src, jnp.left_shift(dst, 16))
    ppad = _PR * _PC - _EPW
    packed = jnp.pad(packed, ((0, 0), (0, ppad)),
                     constant_values=_N << 16).reshape(_NW, _PR, _PC)
    degp = _deg_kernel(dst_deg)
    xw = _mm(x, W)
    y, dis = _scale(degp, xw)
    accp = _msg_kernel(y, packed)
    return _outk(accp, y, dis, b.reshape(1, _D))


def kernel(x, edge_index, W, b):
    return _run(x, edge_index, W, b)

# --- scband reference (transcript-rebuilt; emitter-appended) ---
"""Pipeline reference for scband-gnnencoder-3478923510413 (READ-ONLY COPY).

The authoritative reference and input builder live on the scoring server;
editing this copy changes nothing except your own understanding.
"""

import jax, jax.numpy as jnp
import numpy as np

N = 10000
E = 320000
D_IN = 128
D_OUT = 128


def setup_inputs(seed: int = 0) -> dict:
    key = jax.random.key(seed)
    k1, k2, k3, k4 = jax.random.split(key, 4)
    x = jax.random.normal(k1, (N, D_IN), dtype=jnp.float32)
    edge_index = jax.random.randint(k2, (2, E), 0, N, dtype=jnp.int32)
    # GCNConv linear weight (glorot) and bias (zeros), matching torch_geometric defaults
    limit = float(np.sqrt(6.0 / (D_IN + D_OUT)))
    W = jax.random.uniform(k3, (D_IN, D_OUT), dtype=jnp.float32, minval=-limit, maxval=limit)
    b = jnp.zeros((D_OUT,), dtype=jnp.float32)
    return {"x": x, "edge_index": edge_index, "W": W, "b": b}


def reference(x, edge_index, W, b):
    # Faithful GCNConv: add self-loops, symmetric normalization, linear transform,
    # gather messages from source nodes, scatter-add to destination nodes, add bias.
    n = x.shape[0]
    src = edge_index[0]
    dst = edge_index[1]
    loop = jnp.arange(n, dtype=src.dtype)
    src = jnp.concatenate([src, loop])
    dst = jnp.concatenate([dst, loop])
    edge_weight = jnp.ones(src.shape[0], dtype=x.dtype)
    # degree computed on destination (col), as in PyG gcn_norm
    deg = jnp.zeros((n,), dtype=x.dtype).at[dst].add(edge_weight)
    deg_inv_sqrt = jnp.where(deg > 0, jax.lax.rsqrt(jnp.maximum(deg, 1e-12)), 0.0)
    norm = deg_inv_sqrt[src] * edge_weight * deg_inv_sqrt[dst]
    xw = x @ W
    msgs = jnp.take(xw, src, axis=0) * norm[:, None]
    out = jnp.zeros((n, W.shape[1]), dtype=x.dtype).at[dst].add(msgs)
    return out + b

if __name__ == "__main__":
    import jax
    _d = setup_inputs()
    print(jax.jit(kernel)(*tuple(_d.values())))

</pallas_src>

<mosaic_0001>
#map = affine_map<(d0, d1) -> (0, 0, 0)>
module attributes {stable_mosaic.version = 14 : i64} {
  func.func @_deg_kernel(%arg0: i32, %arg1: i32, %arg2: memref<32x125x80xi32, #tpu.memory_space<hbm>>, %arg3: memref<2x10240x16xf32, #tpu.memory_space<hbm>>, %arg4: memref<125x80xi32, #tpu.memory_space<vmem>>, %arg5: memref<80x16xf32, #tpu.memory_space<vmem>>, %arg6: memref<640x16xf32, #tpu.memory_space<vmem>>, %arg7: memref<10240x16xf32, #tpu.memory_space<vmem_shared>>, %arg8: memref<!tpu.dma_semaphore, #tpu.memory_space<semaphore_mem>>) attributes {dimension_semantics = [#tpu.dimension_semantics<core_parallel>, #tpu.dimension_semantics<subcore_parallel>], iteration_bounds = array<i64: 2, 16>, scalar_prefetch = 0 : i64, scratch_operands = 5 : i64, tpu.core_type = #tpu.core_type<sc_vector_subcore>, window_params = [{transform_indices = #map}, {transform_indices = #map}]} {
    %mul3A = arith.constant 2 : i32
    %mul3A_0 = arith.muli %arg1, %mul3A : i32
    %add3A = arith.addi %mul3A_0, %arg0 : i32
    "tpu.region"() ({
      %run_scoped3A = tpu.sem_alloc : memref<!tpu.dma_semaphore, #tpu.memory_space<semaphore_mem>>
      %dma_start3A_191 = arith.constant 0 : i32
      %dma_start3A_192 = arith.constant 0 : i32
      %dma_start3A_193 = tpu.memref_slice %arg2[%add3A, %dma_start3A_191, %dma_start3A_192] : memref<32x125x80xi32, #tpu.memory_space<hbm>> -> memref<1x125x80xi32, #tpu.memory_space<hbm>>
      %dma_start3A_194 = tpu.memref_squeeze %dma_start3A_193 : memref<1x125x80xi32, #tpu.memory_space<hbm>> -> memref<125x80xi32, #tpu.memory_space<hbm>>
      %dma_start3A_195 = arith.constant 0 : i32
      %dma_start3A_196 = arith.constant 0 : i32
      %dma_start3A_197 = tpu.memref_slice %arg2[%add3A, %dma_start3A_195, %dma_start3A_196] : memref<32x125x80xi32, #tpu.memory_space<hbm>> -> memref<1x125x80xi32, #tpu.memory_space<hbm>>
      %dma_start3A_198 = tpu.memref_squeeze %dma_start3A_197 : memref<1x125x80xi32, #tpu.memory_space<hbm>> -> memref<125x80xi32, #tpu.memory_space<hbm>>
      tpu.enqueue_dma source(%dma_start3A_198 : memref<125x80xi32, #tpu.memory_space<hbm>>) target(%arg4 : memref<125x80xi32, #tpu.memory_space<vmem>>) target_semaphore(%run_scoped3A : memref<!tpu.dma_semaphore, #tpu.memory_space<semaphore_mem>>)
      %dma_wait3A_199 = arith.constant 0 : i32
      %dma_wait3A_200 = arith.constant 0 : i32
      %dma_wait3A_201 = tpu.memref_slice %arg2[%add3A, %dma_wait3A_199, %dma_wait3A_200] : memref<32x125x80xi32, #tpu.memory_space<hbm>> -> memref<1x125x80xi32, #tpu.memory_space<hbm>>
      %dma_wait3A_202 = tpu.memref_squeeze %dma_wait3A_201 : memref<1x125x80xi32, #tpu.memory_space<hbm>> -> memref<125x80xi32, #tpu.memory_space<hbm>>
      %dma_wait3A_203 = arith.constant 0 : i32
      %dma_wait3A_204 = arith.constant 0 : i32
      %dma_wait3A_205 = tpu.memref_slice %arg2[%add3A, %dma_wait3A_203, %dma_wait3A_204] : memref<32x125x80xi32, #tpu.memory_space<hbm>> -> memref<1x125x80xi32, #tpu.memory_space<hbm>>
      %dma_wait3A_206 = tpu.memref_squeeze %dma_wait3A_205 : memref<1x125x80xi32, #tpu.memory_space<hbm>> -> memref<125x80xi32, #tpu.memory_space<hbm>>
      tpu.wait_dma2 semaphore(%run_scoped3A : memref<!tpu.dma_semaphore, #tpu.memory_space<semaphore_mem>>) src(%dma_wait3A_206 : memref<125x80xi32, #tpu.memory_space<hbm>>) dst(%arg4 : memref<125x80xi32, #tpu.memory_space<vmem>>)
      tpu.yield
    }) : () -> ()
    %scan3A = arith.constant 0 : i32
    %scan3A_1 = arith.constant 0 : i32
    %scan3A_2 = arith.constant 80 : i32
    %scan3A_3 = arith.addi %scan3A_1, %scan3A_2 : i32
    %scan3A_4 = arith.constant 1 : i32
    scf.for %scan3A_191 = %scan3A_1 to %scan3A_3 step %scan3A_4  : i32 {
      %jit3A = arith.constant 1 : i32
      %div3A = arith.divsi %scan3A_191, %jit3A : i32
      %sign3A = arith.constant 0 : i32
      %sign3A_192 = arith.cmpi sgt, %scan3A_191, %sign3A : i32
      %sign3A_193 = arith.extui %sign3A_192 : i1 to i32
      %sign3A_194 = arith.constant 0 : i32
      %sign3A_195 = arith.cmpi slt, %scan3A_191, %sign3A_194 : i32
      %sign3A_196 = arith.extui %sign3A_195 : i1 to i32
      %sign3A_197 = arith.subi %sign3A_193, %sign3A_196 : i32
      %sign3A_198 = arith.constant 0 : i32
      %sign3A_199 = arith.cmpi sgt, %jit3A, %sign3A_198 : i32
      %sign3A_200 = arith.extui %sign3A_199 : i1 to i32
      %sign3A_201 = arith.constant 0 : i32
      %sign3A_202 = arith.cmpi slt, %jit3A, %sign3A_201 : i32
      %sign3A_203 = arith.extui %sign3A_202 : i1 to i32
      %sign3A_204 = arith.subi %sign3A_200, %sign3A_203 : i32
      %ne3A = arith.cmpi ne, %sign3A_197, %sign3A_204 : i32
      %rem3A = arith.remsi %scan3A_191, %jit3A : i32
      %ne3A_205 = arith.constant 0 : i32
      %ne3A_206 = arith.cmpi ne, %rem3A, %ne3A_205 : i32
      %and3A = arith.andi %ne3A, %ne3A_206 : i1
      %sub3A = arith.constant 1 : i32
      %sub3A_207 = arith.subi %div3A, %sub3A : i32
      %select_n3A = arith.select %and3A, %sub3A_207, %div3A : i32
      %jit3A_208 = arith.constant 1 : i32
      %eq3A = arith.constant 0 : i32
      %eq3A_209 = arith.cmpi eq, %jit3A_208, %eq3A : i32
      %jit3A_210 = arith.constant 1 : i32
      %select_n3A_211 = arith.select %eq3A_209, %jit3A_210, %jit3A_208 : i32
      %rem3A_212 = arith.remsi %scan3A_191, %select_n3A_211 : i32
      %ne3A_213 = arith.constant 0 : i32
      %ne3A_214 = arith.cmpi ne, %rem3A_212, %ne3A_213 : i32
      %lt3A = arith.constant 0 : i32
      %lt3A_215 = arith.cmpi slt, %rem3A_212, %lt3A : i32
      %lt3A_216 = arith.constant 0 : i32
      %lt3A_217 = arith.cmpi slt, %select_n3A_211, %lt3A_216 : i32
      %ne3A_218 = arith.xori %lt3A_215, %lt3A_217 : i1
      %and3A_219 = arith.andi %ne3A_218, %ne3A_214 : i1
      %add3A_220 = arith.addi %rem3A_212, %select_n3A_211 : i32
      %select_n3A_221 = arith.select %and3A_219, %add3A_220, %rem3A_212 : i32
      %broadcast_in_dim3A = arith.constant 1.000000e+00 : f32
      %broadcast_in_dim3A_222 = vector.broadcast %broadcast_in_dim3A : f32 to vector<16xf32>
      %mul3A_223 = arith.constant 16 : i32
      %mul3A_224 = arith.muli %select_n3A_221, %mul3A_223 : i32
      %swap3A = arith.index_cast %select_n3A : i32 to index
      %swap3A_225 = arith.index_cast %mul3A_224 : i32 to index
      %swap3A_226 = tpu.vector_load %arg5[%swap3A, %swap3A_225] {strides = array<i32>} : memref<80x16xf32, #tpu.memory_space<vmem>>, vector<1x16xf32>,
      %swap3A_227 = vector.shape_cast %swap3A_226 : vector<1x16xf32> to vector<16xf32>
      %swap3A_228 = vector.shape_cast %broadcast_in_dim3A_222 : vector<16xf32> to vector<1x16xf32>
      tpu.vector_store %arg5[%swap3A, %swap3A_225], %swap3A_228 {strides = array<i32>} : memref<80x16xf32, #tpu.memory_space<vmem>>, vector<1x16xf32>,
    }
    %scan3A_5 = arith.constant 80 : i32
    %scan3A_6 = arith.constant 0 : i32
    %scan3A_7 = arith.constant 0 : i32
    %scan3A_8 = arith.constant 640 : i32
    %scan3A_9 = arith.addi %scan3A_7, %scan3A_8 : i32
    %scan3A_10 = arith.constant 1 : i32
    scf.for %scan3A_191 = %scan3A_7 to %scan3A_9 step %scan3A_10  : i32 {
      %jit3A = arith.constant 1 : i32
      %div3A = arith.divsi %scan3A_191, %jit3A : i32
      %sign3A = arith.constant 0 : i32
      %sign3A_192 = arith.cmpi sgt, %scan3A_191, %sign3A : i32
      %sign3A_193 = arith.extui %sign3A_192 : i1 to i32
      %sign3A_194 = arith.constant 0 : i32
      %sign3A_195 = arith.cmpi slt, %scan3A_191, %sign3A_194 : i32
      %sign3A_196 = arith.extui %sign3A_195 : i1 to i32
      %sign3A_197 = arith.subi %sign3A_193, %sign3A_196 : i32
      %sign3A_198 = arith.constant 0 : i32
      %sign3A_199 = arith.cmpi sgt, %jit3A, %sign3A_198 : i32
      %sign3A_200 = arith.extui %sign3A_199 : i1 to i32
      %sign3A_201 = arith.constant 0 : i32
      %sign3A_202 = arith.cmpi slt, %jit3A, %sign3A_201 : i32
      %sign3A_203 = arith.extui %sign3A_202 : i1 to i32
      %sign3A_204 = arith.subi %sign3A_200, %sign3A_203 : i32
      %ne3A = arith.cmpi ne, %sign3A_197, %sign3A_204 : i32
      %rem3A = arith.remsi %scan3A_191, %jit3A : i32
      %ne3A_205 = arith.constant 0 : i32
      %ne3A_206 = arith.cmpi ne, %rem3A, %ne3A_205 : i32
      %and3A = arith.andi %ne3A, %ne3A_206 : i1
      %sub3A = arith.constant 1 : i32
      %sub3A_207 = arith.subi %div3A, %sub3A : i32
      %select_n3A = arith.select %and3A, %sub3A_207, %div3A : i32
      %jit3A_208 = arith.constant 1 : i32
      %eq3A = arith.constant 0 : i32
      %eq3A_209 = arith.cmpi eq, %jit3A_208, %eq3A : i32
      %jit3A_210 = arith.constant 1 : i32
      %select_n3A_211 = arith.select %eq3A_209, %jit3A_210, %jit3A_208 : i32
      %rem3A_212 = arith.remsi %scan3A_191, %select_n3A_211 : i32
      %ne3A_213 = arith.constant 0 : i32
      %ne3A_214 = arith.cmpi ne, %rem3A_212, %ne3A_213 : i32
      %lt3A = arith.constant 0 : i32
      %lt3A_215 = arith.cmpi slt, %rem3A_212, %lt3A : i32
      %lt3A_216 = arith.constant 0 : i32
      %lt3A_217 = arith.cmpi slt, %select_n3A_211, %lt3A_216 : i32
      %ne3A_218 = arith.xori %lt3A_215, %lt3A_217 : i1
      %and3A_219 = arith.andi %ne3A_218, %ne3A_214 : i1
      %add3A_220 = arith.addi %rem3A_212, %select_n3A_211 : i32
      %select_n3A_221 = arith.select %and3A_219, %add3A_220, %rem3A_212 : i32
      %broadcast_in_dim3A = arith.constant 0.000000e+00 : f32
      %broadcast_in_dim3A_222 = vector.broadcast %broadcast_in_dim3A : f32 to vector<16xf32>
      %mul3A_223 = arith.constant 16 : i32
      %mul3A_224 = arith.muli %select_n3A_221, %mul3A_223 : i32
      %swap3A = arith.index_cast %select_n3A : i32 to index
      %swap3A_225 = arith.index_cast %mul3A_224 : i32 to index
      %swap3A_226 = tpu.vector_load %arg6[%swap3A, %swap3A_225] {strides = array<i32>} : memref<640x16xf32, #tpu.memory_space<vmem>>, vector<1x16xf32>,
      %swap3A_227 = vector.shape_cast %swap3A_226 : vector<1x16xf32> to vector<16xf32>
      %swap3A_228 = vector.shape_cast %broadcast_in_dim3A_222 : vector<16xf32> to vector<1x16xf32>
      tpu.vector_store %arg6[%swap3A, %swap3A_225], %swap3A_228 {strides = array<i32>} : memref<640x16xf32, #tpu.memory_space<vmem>>, vector<1x16xf32>,
    }
    %scan3A_11 = arith.constant 640 : i32
    %mul3A_12 = arith.constant 640 : i32
    %mul3A_13 = arith.muli %arg1, %mul3A_12 : i32
    "tpu.region"() ({
      %run_scoped3A = tpu.sem_alloc : memref<!tpu.dma_semaphore, #tpu.memory_space<semaphore_mem>>
      %dma_start3A_191 = arith.constant 0 : i32
      %dma_start3A_192 = tpu.memref_slice %arg7[%mul3A_13, %dma_start3A_191] : memref<10240x16xf32, #tpu.memory_space<vmem_shared>> -> memref<640x16xf32, #tpu.memory_space<vmem_shared>>
      %dma_start3A_193 = arith.constant 0 : i32
      %dma_start3A_194 = tpu.memref_slice %arg7[%mul3A_13, %dma_start3A_193] : memref<10240x16xf32, #tpu.memory_space<vmem_shared>> -> memref<640x16xf32, #tpu.memory_space<vmem_shared>>
      tpu.enqueue_dma source(%arg6 : memref<640x16xf32, #tpu.memory_space<vmem>>) target(%dma_start3A_194 : memref<640x16xf32, #tpu.memory_space<vmem_shared>>) target_semaphore(%run_scoped3A : memref<!tpu.dma_semaphore, #tpu.memory_space<semaphore_mem>>)
      %dma_wait3A_195 = arith.constant 0 : i32
      %dma_wait3A_196 = tpu.memref_slice %arg7[%mul3A_13, %dma_wait3A_195] : memref<10240x16xf32, #tpu.memory_space<vmem_shared>> -> memref<640x16xf32, #tpu.memory_space<vmem_shared>>
      %dma_wait3A_197 = arith.constant 0 : i32
      %dma_wait3A_198 = tpu.memref_slice %arg7[%mul3A_13, %dma_wait3A_197] : memref<10240x16xf32, #tpu.memory_space<vmem_shared>> -> memref<640x16xf32, #tpu.memory_space<vmem_shared>>
      tpu.wait_dma2 semaphore(%run_scoped3A : memref<!tpu.dma_semaphore, #tpu.memory_space<semaphore_mem>>) src(%arg6 : memref<640x16xf32, #tpu.memory_space<vmem>>) dst(%dma_wait3A_198 : memref<640x16xf32, #tpu.memory_space<vmem_shared>>)
      tpu.yield
    }) : () -> ()
    %barrier3A = arith.constant 0 : index
    tpu.barrier barrier_id(%barrier3A)
    %dma_start3A = arith.constant 0 : i32
    %dma_start3A_14 = arith.constant 0 : i32
    %dma_start3A_15 = tpu.memref_slice %arg4[%dma_start3A, %dma_start3A_14] : memref<125x80xi32, #tpu.memory_space<vmem>> -> memref<1x80xi32, #tpu.memory_space<vmem>>
    %dma_start3A_16 = tpu.memref_squeeze %dma_start3A_15 : memref<1x80xi32, #tpu.memory_space<vmem>> -> memref<80xi32, #tpu.memory_space<vmem>>
    %dma_start3A_17 = arith.constant 0 : i32
    %dma_start3A_18 = arith.constant 0 : i32
    %dma_start3A_19 = tpu.memref_slice %arg7[%dma_start3A_17, %dma_start3A_18] : memref<10240x16xf32, #tpu.memory_space<vmem_shared>> -> memref<10240x16xf32, #tpu.memory_space<vmem_shared>>
    tpu.enqueue_indirect_dma source(%arg5 : memref<80x16xf32, #tpu.memory_space<vmem>>) target(%dma_start3A_19 : memref<10240x16xf32, #tpu.memory_space<vmem_shared>>) offsets(%dma_start3A_16 : memref<80xi32, #tpu.memory_space<vmem>>) semaphore(%arg8 : memref<!tpu.dma_semaphore, #tpu.memory_space<semaphore_mem>>) {add = true}
    %dma_start3A_20 = arith.constant 1 : i32
    %dma_start3A_21 = arith.constant 0 : i32
    %dma_start3A_22 = tpu.memref_slice %arg4[%dma_start3A_20, %dma_start3A_21] : memref<125x80xi32, #tpu.memory_space<vmem>> -> memref<1x80xi32, #tpu.memory_space<vmem>>
    %dma_start3A_23 = tpu.memref_squeeze %dma_start3A_22 : memref<1x80xi32, #tpu.memory_space<vmem>> -> memref<80xi32, #tpu.memory_space<vmem>>
    %dma_start3A_24 = arith.constant 0 : i32
    %dma_start3A_25 = arith.constant 0 : i32
    %dma_start3A_26 = tpu.memref_slice %arg7[%dma_start3A_24, %dma_start3A_25] : memref<10240x16xf32, #tpu.memory_space<vmem_shared>> -> memref<10240x16xf32, #tpu.memory_space<vmem_shared>>
    tpu.enqueue_indirect_dma source(%arg5 : memref<80x16xf32, #tpu.memory_space<vmem>>) target(%dma_start3A_26 : memref<10240x16xf32, #tpu.memory_space<vmem_shared>>) offsets(%dma_start3A_23 : memref<80xi32, #tpu.memory_space<vmem>>) semaphore(%arg8 : memref<!tpu.dma_semaphore, #tpu.memory_space<semaphore_mem>>) {add = true}
    %dma_start3A_27 = arith.constant 2 : i32
    %dma_start3A_28 = arith.constant 0 : i32
    %dma_start3A_29 = tpu.memref_slice %arg4[%dma_start3A_27, %dma_start3A_28] : memref<125x80xi32, #tpu.memory_space<vmem>> -> memref<1x80xi32, #tpu.memory_space<vmem>>
    %dma_start3A_30 = tpu.memref_squeeze %dma_start3A_29 : memref<1x80xi32, #tpu.memory_space<vmem>> -> memref<80xi32, #tpu.memory_space<vmem>>
    %dma_start3A_31 = arith.constant 0 : i32
    %dma_start3A_32 = arith.constant 0 : i32
    %dma_start3A_33 = tpu.memref_slice %arg7[%dma_start3A_31, %dma_start3A_32] : memref<10240x16xf32, #tpu.memory_space<vmem_shared>> -> memref<10240x16xf32, #tpu.memory_space<vmem_shared>>
    tpu.enqueue_indirect_dma source(%arg5 : memref<80x16xf32, #tpu.memory_space<vmem>>) target(%dma_start3A_33 : memref<10240x16xf32, #tpu.memory_space<vmem_shared>>) offsets(%dma_start3A_30 : memref<80xi32, #tpu.memory_space<vmem>>) semaphore(%arg8 : memref<!tpu.dma_semaphore, #tpu.memory_space<semaphore_mem>>) {add = true}
    %dma_start3A_34 = arith.constant 3 : i32
    %dma_start3A_35 = arith.constant 0 : i32
    %dma_start3A_36 = tpu.memref_slice %arg4[%dma_start3A_34, %dma_start3A_35] : memref<125x80xi32, #tpu.memory_space<vmem>> -> memref<1x80xi32, #tpu.memory_space<vmem>>
    %dma_start3A_37 = tpu.memref_squeeze %dma_start3A_36 : memref<1x80xi32, #tpu.memory_space<vmem>> -> memref<80xi32, #tpu.memory_space<vmem>>
    %dma_start3A_38 = arith.constant 0 : i32
    %dma_start3A_39 = arith.constant 0 : i32
    %dma_start3A_40 = tpu.memref_slice %arg7[%dma_start3A_38, %dma_start3A_39] : memref<10240x16xf32, #tpu.memory_space<vmem_shared>> -> memref<10240x16xf32, #tpu.memory_space<vmem_shared>>
    tpu.enqueue_indirect_dma source(%arg5 : memref<80x16xf32, #tpu.memory_space<vmem>>) target(%dma_start3A_40 : memref<10240x16xf32, #tpu.memory_space<vmem_shared>>) offsets(%dma_start3A_37 : memref<80xi32, #tpu.memory_space<vmem>>) semaphore(%arg8 : memref<!tpu.dma_semaphore, #tpu.memory_space<semaphore_mem>>) {add = true}
    %dma_start3A_41 = arith.constant 4 : i32
    %dma_start3A_42 = arith.constant 0 : i32
    %dma_start3A_43 = tpu.memref_slice %arg4[%dma_start3A_41, %dma_start3A_42] : memref<125x80xi32, #tpu.memory_space<vmem>> -> memref<1x80xi32, #tpu.memory_space<vmem>>
    %dma_start3A_44 = tpu.memref_squeeze %dma_start3A_43 : memref<1x80xi32, #tpu.memory_space<vmem>> -> memref<80xi32, #tpu.memory_space<vmem>>
    %dma_start3A_45 = arith.constant 0 : i32
    %dma_start3A_46 = arith.constant 0 : i32
    %dma_start3A_47 = tpu.memref_slice %arg7[%dma_start3A_45, %dma_start3A_46] : memref<10240x16xf32, #tpu.memory_space<vmem_shared>> -> memref<10240x16xf32, #tpu.memory_space<vmem_shared>>
    tpu.enqueue_indirect_dma source(%arg5 : memref<80x16xf32, #tpu.memory_space<vmem>>) target(%dma_start3A_47 : memref<10240x16xf32, #tpu.memory_space<vmem_shared>>) offsets(%dma_start3A_44 : memref<80xi32, #tpu.memory_space<vmem>>) semaphore(%arg8 : memref<!tpu.dma_semaphore, #tpu.memory_space<semaphore_mem>>) {add = true}
    %dma_start3A_48 = arith.constant 5 : i32
    %dma_start3A_49 = arith.constant 0 : i32
    %dma_start3A_50 = tpu.memref_slice %arg4[%dma_start3A_48, %dma_start3A_49] : memref<125x80xi32, #tpu.memory_space<vmem>> -> memref<1x80xi32, #tpu.memory_space<vmem>>
    %dma_start3A_51 = tpu.memref_squeeze %dma_start3A_50 : memref<1x80xi32, #tpu.memory_space<vmem>> -> memref<80xi32, #tpu.memory_space<vmem>>
    %dma_start3A_52 = arith.constant 0 : i32
    %dma_start3A_53 = arith.constant 0 : i32
    %dma_start3A_54 = tpu.memref_slice %arg7[%dma_start3A_52, %dma_start3A_53] : memref<10240x16xf32, #tpu.memory_space<vmem_shared>> -> memref<10240x16xf32, #tpu.memory_space<vmem_shared>>
    tpu.enqueue_indirect_dma source(%arg5 : memref<80x16xf32, #tpu.memory_space<vmem>>) target(%dma_start3A_54 : memref<10240x16xf32, #tpu.memory_space<vmem_shared>>) offsets(%dma_start3A_51 : memref<80xi32, #tpu.memory_space<vmem>>) semaphore(%arg8 : memref<!tpu.dma_semaphore, #tpu.memory_space<semaphore_mem>>) {add = true}
    %dma_start3A_55 = arith.constant 6 : i32
    %dma_start3A_56 = arith.constant 0 : i32
    %dma_start3A_57 = tpu.memref_slice %arg4[%dma_start3A_55, %dma_start3A_56] : memref<125x80xi32, #tpu.memory_space<vmem>> -> memref<1x80xi32, #tpu.memory_space<vmem>>
    %dma_start3A_58 = tpu.memref_squeeze %dma_start3A_57 : memref<1x80xi32, #tpu.memory_space<vmem>> -> memref<80xi32, #tpu.memory_space<vmem>>
    %dma_start3A_59 = arith.constant 0 : i32
    %dma_start3A_60 = arith.constant 0 : i32
    %dma_start3A_61 = tpu.memref_slice %arg7[%dma_start3A_59, %dma_start3A_60] : memref<10240x16xf32, #tpu.memory_space<vmem_shared>> -> memref<10240x16xf32, #tpu.memory_space<vmem_shared>>
    tpu.enqueue_indirect_dma source(%arg5 : memref<80x16xf32, #tpu.memory_space<vmem>>) target(%dma_start3A_61 : memref<10240x16xf32, #tpu.memory_space<vmem_shared>>) offsets(%dma_start3A_58 : memref<80xi32, #tpu.memory_space<vmem>>) semaphore(%arg8 : memref<!tpu.dma_semaphore, #tpu.memory_space<semaphore_mem>>) {add = true}
    %dma_start3A_62 = arith.constant 7 : i32
    %dma_start3A_63 = arith.constant 0 : i32
    %dma_start3A_64 = tpu.memref_slice %arg4[%dma_start3A_62, %dma_start3A_63] : memref<125x80xi32, #tpu.memory_space<vmem>> -> memref<1x80xi32, #tpu.memory_space<vmem>>
    %dma_start3A_65 = tpu.memref_squeeze %dma_start3A_64 : memref<1x80xi32, #tpu.memory_space<vmem>> -> memref<80xi32, #tpu.memory_space<vmem>>
    %dma_start3A_66 = arith.constant 0 : i32
    %dma_start3A_67 = arith.constant 0 : i32
    %dma_start3A_68 = tpu.memref_slice %arg7[%dma_start3A_66, %dma_start3A_67] : memref<10240x16xf32, #tpu.memory_space<vmem_shared>> -> memref<10240x16xf32, #tpu.memory_space<vmem_shared>>
    tpu.enqueue_indirect_dma source(%arg5 : memref<80x16xf32, #tpu.memory_space<vmem>>) target(%dma_start3A_68 : memref<10240x16xf32, #tpu.memory_space<vmem_shared>>) offsets(%dma_start3A_65 : memref<80xi32, #tpu.memory_space<vmem>>) semaphore(%arg8 : memref<!tpu.dma_semaphore, #tpu.memory_space<semaphore_mem>>) {add = true}
    %dma_start3A_69 = arith.constant 8 : i32
    %dma_start3A_70 = arith.constant 0 : i32
    %dma_start3A_71 = tpu.memref_slice %arg4[%dma_start3A_69, %dma_start3A_70] : memref<125x80xi32, #tpu.memory_space<vmem>> -> memref<1x80xi32, #tpu.memory_space<vmem>>
    %dma_start3A_72 = tpu.memref_squeeze %dma_start3A_71 : memref<1x80xi32, #tpu.memory_space<vmem>> -> memref<80xi32, #tpu.memory_space<vmem>>
    %dma_start3A_73 = arith.constant 0 : i32
    %dma_start3A_74 = arith.constant 0 : i32
    %dma_start3A_75 = tpu.memref_slice %arg7[%dma_start3A_73, %dma_start3A_74] : memref<10240x16xf32, #tpu.memory_space<vmem_shared>> -> memref<10240x16xf32, #tpu.memory_space<vmem_shared>>
    tpu.enqueue_indirect_dma source(%arg5 : memref<80x16xf32, #tpu.memory_space<vmem>>) target(%dma_start3A_75 : memref<10240x16xf32, #tpu.memory_space<vmem_shared>>) offsets(%dma_start3A_72 : memref<80xi32, #tpu.memory_space<vmem>>) semaphore(%arg8 : memref<!tpu.dma_semaphore, #tpu.memory_space<semaphore_mem>>) {add = true}
    %dma_start3A_76 = arith.constant 9 : i32
    %dma_start3A_77 = arith.constant 0 : i32
    %dma_start3A_78 = tpu.memref_slice %arg4[%dma_start3A_76, %dma_start3A_77] : memref<125x80xi32, #tpu.memory_space<vmem>> -> memref<1x80xi32, #tpu.memory_space<vmem>>
    %dma_start3A_79 = tpu.memref_squeeze %dma_start3A_78 : memref<1x80xi32, #tpu.memory_space<vmem>> -> memref<80xi32, #tpu.memory_space<vmem>>
    %dma_start3A_80 = arith.constant 0 : i32
    %dma_start3A_81 = arith.constant 0 : i32
    %dma_start3A_82 = tpu.memref_slice %arg7[%dma_start3A_80, %dma_start3A_81] : memref<10240x16xf32, #tpu.memory_space<vmem_shared>> -> memref<10240x16xf32, #tpu.memory_space<vmem_shared>>
    tpu.enqueue_indirect_dma source(%arg5 : memref<80x16xf32, #tpu.memory_space<vmem>>) target(%dma_start3A_82 : memref<10240x16xf32, #tpu.memory_space<vmem_shared>>) offsets(%dma_start3A_79 : memref<80xi32, #tpu.memory_space<vmem>>) semaphore(%arg8 : memref<!tpu.dma_semaphore, #tpu.memory_space<semaphore_mem>>) {add = true}
    %dma_start3A_83 = arith.constant 10 : i32
    %dma_start3A_84 = arith.constant 0 : i32
    %dma_start3A_85 = tpu.memref_slice %arg4[%dma_start3A_83, %dma_start3A_84] : memref<125x80xi32, #tpu.memory_space<vmem>> -> memref<1x80xi32, #tpu.memory_space<vmem>>
    %dma_start3A_86 = tpu.memref_squeeze %dma_start3A_85 : memref<1x80xi32, #tpu.memory_space<vmem>> -> memref<80xi32, #tpu.memory_space<vmem>>
    %dma_start3A_87 = arith.constant 0 : i32
    %dma_start3A_88 = arith.constant 0 : i32
    %dma_start3A_89 = tpu.memref_slice %arg7[%dma_start3A_87, %dma_start3A_88] : memref<10240x16xf32, #tpu.memory_space<vmem_shared>> -> memref<10240x16xf32, #tpu.memory_space<vmem_shared>>
    tpu.enqueue_indirect_dma source(%arg5 : memref<80x16xf32, #tpu.memory_space<vmem>>) target(%dma_start3A_89 : memref<10240x16xf32, #tpu.memory_space<vmem_shared>>) offsets(%dma_start3A_86 : memref<80xi32, #tpu.memory_space<vmem>>) semaphore(%arg8 : memref<!tpu.dma_semaphore, #tpu.memory_space<semaphore_mem>>) {add = true}
    %dma_start3A_90 = arith.constant 11 : i32
    %dma_start3A_91 = arith.constant 0 : i32
    %dma_start3A_92 = tpu.memref_slice %arg4[%dma_start3A_90, %dma_start3A_91] : memref<125x80xi32, #tpu.memory_space<vmem>> -> memref<1x80xi32, #tpu.memory_space<vmem>>
    %dma_start3A_93 = tpu.memref_squeeze %dma_start3A_92 : memref<1x80xi32, #tpu.memory_space<vmem>> -> memref<80xi32, #tpu.memory_space<vmem>>
    %dma_start3A_94 = arith.constant 0 : i32
    %dma_start3A_95 = arith.constant 0 : i32
    %dma_start3A_96 = tpu.memref_slice %arg7[%dma_start3A_94, %dma_start3A_95] : memref<10240x16xf32, #tpu.memory_space<vmem_shared>> -> memref<10240x16xf32, #tpu.memory_space<vmem_shared>>
    tpu.enqueue_indirect_dma source(%arg5 : memref<80x16xf32, #tpu.memory_space<vmem>>) target(%dma_start3A_96 : memref<10240x16xf32, #tpu.memory_space<vmem_shared>>) offsets(%dma_start3A_93 : memref<80xi32, #tpu.memory_space<vmem>>) semaphore(%arg8 : memref<!tpu.dma_semaphore, #tpu.memory_space<semaphore_mem>>) {add = true}
    %scan3A_97 = arith.constant 0 : i32
    %scan3A_98 = arith.constant 0 : i32
    %scan3A_99 = arith.constant 113 : i32
    %scan3A_100 = arith.addi %scan3A_98, %scan3A_99 : i32
    %scan3A_101 = arith.constant 1 : i32
    scf.for %scan3A_191 = %scan3A_98 to %scan3A_100 step %scan3A_101  : i32 {
      %dma_wait3A_192 = arith.constant 0 : i32
      %dma_wait3A_193 = arith.constant 0 : i32
      %dma_wait3A_194 = tpu.memref_slice %arg4[%dma_wait3A_192, %dma_wait3A_193] : memref<125x80xi32, #tpu.memory_space<vmem>> -> memref<1x80xi32, #tpu.memory_space<vmem>>
      %dma_wait3A_195 = tpu.memref_squeeze %dma_wait3A_194 : memref<1x80xi32, #tpu.memory_space<vmem>> -> memref<80xi32, #tpu.memory_space<vmem>>
      %dma_wait3A_196 = arith.constant 0 : i32
      %dma_wait3A_197 = arith.constant 0 : i32
      %dma_wait3A_198 = tpu.memref_slice %arg7[%dma_wait3A_196, %dma_wait3A_197] : memref<10240x16xf32, #tpu.memory_space<vmem_shared>> -> memref<10240x16xf32, #tpu.memory_space<vmem_shared>>
      tpu.wait_indirect_dma semaphore(%arg8 : memref<!tpu.dma_semaphore, #tpu.memory_space<semaphore_mem>>) src(%arg5 : memref<80x16xf32, #tpu.memory_space<vmem>>) dst(%dma_wait3A_198 : memref<10240x16xf32, #tpu.memory_space<vmem_shared>>)
      %add3A_199 = arith.constant 12 : i32
      %add3A_200 = arith.addi %scan3A_191, %add3A_199 : i32
      %dma_start3A_201 = arith.constant 0 : i32
      %dma_start3A_202 = tpu.memref_slice %arg4[%add3A_200, %dma_start3A_201] : memref<125x80xi32, #tpu.memory_space<vmem>> -> memref<1x80xi32, #tpu.memory_space<vmem>>
      %dma_start3A_203 = tpu.memref_squeeze %dma_start3A_202 : memref<1x80xi32, #tpu.memory_space<vmem>> -> memref<80xi32, #tpu.memory_space<vmem>>
      %dma_start3A_204 = arith.constant 0 : i32
      %dma_start3A_205 = arith.constant 0 : i32
      %dma_start3A_206 = tpu.memref_slice %arg7[%dma_start3A_204, %dma_start3A_205] : memref<10240x16xf32, #tpu.memory_space<vmem_shared>> -> memref<10240x16xf32, #tpu.memory_space<vmem_shared>>
      tpu.enqueue_indirect_dma source(%arg5 : memref<80x16xf32, #tpu.memory_space<vmem>>) target(%dma_start3A_206 : memref<10240x16xf32, #tpu.memory_space<vmem_shared>>) offsets(%dma_start3A_203 : memref<80xi32, #tpu.memory_space<vmem>>) semaphore(%arg8 : memref<!tpu.dma_semaphore, #tpu.memory_space<semaphore_mem>>) {add = true}
    }
    %scan3A_102 = arith.constant 113 : i32
    %dma_wait3A = arith.constant 0 : i32
    %dma_wait3A_103 = arith.constant 0 : i32
    %dma_wait3A_104 = tpu.memref_slice %arg4[%dma_wait3A, %dma_wait3A_103] : memref<125x80xi32, #tpu.memory_space<vmem>> -> memref<1x80xi32, #tpu.memory_space<vmem>>
    %dma_wait3A_105 = tpu.memref_squeeze %dma_wait3A_104 : memref<1x80xi32, #tpu.memory_space<vmem>> -> memref<80xi32, #tpu.memory_space<vmem>>
    %dma_wait3A_106 = arith.constant 0 : i32
    %dma_wait3A_107 = arith.constant 0 : i32
    %dma_wait3A_108 = tpu.memref_slice %arg7[%dma_wait3A_106, %dma_wait3A_107] : memref<10240x16xf32, #tpu.memory_space<vmem_shared>> -> memref<10240x16xf32, #tpu.memory_space<vmem_shared>>
    tpu.wait_indirect_dma semaphore(%arg8 : memref<!tpu.dma_semaphore, #tpu.memory_space<semaphore_mem>>) src(%arg5 : memref<80x16xf32, #tpu.memory_space<vmem>>) dst(%dma_wait3A_108 : memref<10240x16xf32, #tpu.memory_space<vmem_shared>>)
    %dma_wait3A_109 = arith.constant 0 : i32
    %dma_wait3A_110 = arith.constant 0 : i32
    %dma_wait3A_111 = tpu.memref_slice %arg4[%dma_wait3A_109, %dma_wait3A_110] : memref<125x80xi32, #tpu.memory_space<vmem>> -> memref<1x80xi32, #tpu.memory_space<vmem>>
    %dma_wait3A_112 = tpu.memref_squeeze %dma_wait3A_111 : memref<1x80xi32, #tpu.memory_space<vmem>> -> memref<80xi32, #tpu.memory_space<vmem>>
    %dma_wait3A_113 = arith.constant 0 : i32
    %dma_wait3A_114 = arith.constant 0 : i32
    %dma_wait3A_115 = tpu.memref_slice %arg7[%dma_wait3A_113, %dma_wait3A_114] : memref<10240x16xf32, #tpu.memory_space<vmem_shared>> -> memref<10240x16xf32, #tpu.memory_space<vmem_shared>>
    tpu.wait_indirect_dma semaphore(%arg8 : memref<!tpu.dma_semaphore, #tpu.memory_space<semaphore_mem>>) src(%arg5 : memref<80x16xf32, #tpu.memory_space<vmem>>) dst(%dma_wait3A_115 : memref<10240x16xf32, #tpu.memory_space<vmem_shared>>)
    %dma_wait3A_116 = arith.constant 0 : i32
    %dma_wait3A_117 = arith.constant 0 : i32
    %dma_wait3A_118 = tpu.memref_slice %arg4[%dma_wait3A_116, %dma_wait3A_117] : memref<125x80xi32, #tpu.memory_space<vmem>> -> memref<1x80xi32, #tpu.memory_space<vmem>>
    %dma_wait3A_119 = tpu.memref_squeeze %dma_wait3A_118 : memref<1x80xi32, #tpu.memory_space<vmem>> -> memref<80xi32, #tpu.memory_space<vmem>>
    %dma_wait3A_120 = arith.constant 0 : i32
    %dma_wait3A_121 = arith.constant 0 : i32
    %dma_wait3A_122 = tpu.memref_slice %arg7[%dma_wait3A_120, %dma_wait3A_121] : memref<10240x16xf32, #tpu.memory_space<vmem_shared>> -> memref<10240x16xf32, #tpu.memory_space<vmem_shared>>
    tpu.wait_indirect_dma semaphore(%arg8 : memref<!tpu.dma_semaphore, #tpu.memory_space<semaphore_mem>>) src(%arg5 : memref<80x16xf32, #tpu.memory_space<vmem>>) dst(%dma_wait3A_122 : memref<10240x16xf32, #tpu.memory_space<vmem_shared>>)
    %dma_wait3A_123 = arith.constant 0 : i32
    %dma_wait3A_124 = arith.constant 0 : i32
    %dma_wait3A_125 = tpu.memref_slice %arg4[%dma_wait3A_123, %dma_wait3A_124] : memref<125x80xi32, #tpu.memory_space<vmem>> -> memref<1x80xi32, #tpu.memory_space<vmem>>
    %dma_wait3A_126 = tpu.memref_squeeze %dma_wait3A_125 : memref<1x80xi32, #tpu.memory_space<vmem>> -> memref<80xi32, #tpu.memory_space<vmem>>
    %dma_wait3A_127 = arith.constant 0 : i32
    %dma_wait3A_128 = arith.constant 0 : i32
    %dma_wait3A_129 = tpu.memref_slice %arg7[%dma_wait3A_127, %dma_wait3A_128] : memref<10240x16xf32, #tpu.memory_space<vmem_shared>> -> memref<10240x16xf32, #tpu.memory_space<vmem_shared>>
    tpu.wait_indirect_dma semaphore(%arg8 : memref<!tpu.dma_semaphore, #tpu.memory_space<semaphore_mem>>) src(%arg5 : memref<80x16xf32, #tpu.memory_space<vmem>>) dst(%dma_wait3A_129 : memref<10240x16xf32, #tpu.memory_space<vmem_shared>>)
    %dma_wait3A_130 = arith.constant 0 : i32
    %dma_wait3A_131 = arith.constant 0 : i32
    %dma_wait3A_132 = tpu.memref_slice %arg4[%dma_wait3A_130, %dma_wait3A_131] : memref<125x80xi32, #tpu.memory_space<vmem>> -> memref<1x80xi32, #tpu.memory_space<vmem>>
    %dma_wait3A_133 = tpu.memref_squeeze %dma_wait3A_132 : memref<1x80xi32, #tpu.memory_space<vmem>> -> memref<80xi32, #tpu.memory_space<vmem>>
    %dma_wait3A_134 = arith.constant 0 : i32
    %dma_wait3A_135 = arith.constant 0 : i32
    %dma_wait3A_136 = tpu.memref_slice %arg7[%dma_wait3A_134, %dma_wait3A_135] : memref<10240x16xf32, #tpu.memory_space<vmem_shared>> -> memref<10240x16xf32, #tpu.memory_space<vmem_shared>>
    tpu.wait_indirect_dma semaphore(%arg8 : memref<!tpu.dma_semaphore, #tpu.memory_space<semaphore_mem>>) src(%arg5 : memref<80x16xf32, #tpu.memory_space<vmem>>) dst(%dma_wait3A_136 : memref<10240x16xf32, #tpu.memory_space<vmem_shared>>)
    %dma_wait3A_137 = arith.constant 0 : i32
    %dma_wait3A_138 = arith.constant 0 : i32
    %dma_wait3A_139 = tpu.memref_slice %arg4[%dma_wait3A_137, %dma_wait3A_138] : memref<125x80xi32, #tpu.memory_space<vmem>> -> memref<1x80xi32, #tpu.memory_space<vmem>>
    %dma_wait3A_140 = tpu.memref_squeeze %dma_wait3A_139 : memref<1x80xi32, #tpu.memory_space<vmem>> -> memref<80xi32, #tpu.memory_space<vmem>>
    %dma_wait3A_141 = arith.constant 0 : i32
    %dma_wait3A_142 = arith.constant 0 : i32
    %dma_wait3A_143 = tpu.memref_slice %arg7[%dma_wait3A_141, %dma_wait3A_142] : memref<10240x16xf32, #tpu.memory_space<vmem_shared>> -> memref<10240x16xf32, #tpu.memory_space<vmem_shared>>
    tpu.wait_indirect_dma semaphore(%arg8 : memref<!tpu.dma_semaphore, #tpu.memory_space<semaphore_mem>>) src(%arg5 : memref<80x16xf32, #tpu.memory_space<vmem>>) dst(%dma_wait3A_143 : memref<10240x16xf32, #tpu.memory_space<vmem_shared>>)
    %dma_wait3A_144 = arith.constant 0 : i32
    %dma_wait3A_145 = arith.constant 0 : i32
    %dma_wait3A_146 = tpu.memref_slice %arg4[%dma_wait3A_144, %dma_wait3A_145] : memref<125x80xi32, #tpu.memory_space<vmem>> -> memref<1x80xi32, #tpu.memory_space<vmem>>
    %dma_wait3A_147 = tpu.memref_squeeze %dma_wait3A_146 : memref<1x80xi32, #tpu.memory_space<vmem>> -> memref<80xi32, #tpu.memory_space<vmem>>
    %dma_wait3A_148 = arith.constant 0 : i32
    %dma_wait3A_149 = arith.constant 0 : i32
    %dma_wait3A_150 = tpu.memref_slice %arg7[%dma_wait3A_148, %dma_wait3A_149] : memref<10240x16xf32, #tpu.memory_space<vmem_shared>> -> memref<10240x16xf32, #tpu.memory_space<vmem_shared>>
    tpu.wait_indirect_dma semaphore(%arg8 : memref<!tpu.dma_semaphore, #tpu.memory_space<semaphore_mem>>) src(%arg5 : memref<80x16xf32, #tpu.memory_space<vmem>>) dst(%dma_wait3A_150 : memref<10240x16xf32, #tpu.memory_space<vmem_shared>>)
    %dma_wait3A_151 = arith.constant 0 : i32
    %dma_wait3A_152 = arith.constant 0 : i32
    %dma_wait3A_153 = tpu.memref_slice %arg4[%dma_wait3A_151, %dma_wait3A_152] : memref<125x80xi32, #tpu.memory_space<vmem>> -> memref<1x80xi32, #tpu.memory_space<vmem>>
    %dma_wait3A_154 = tpu.memref_squeeze %dma_wait3A_153 : memref<1x80xi32, #tpu.memory_space<vmem>> -> memref<80xi32, #tpu.memory_space<vmem>>
    %dma_wait3A_155 = arith.constant 0 : i32
    %dma_wait3A_156 = arith.constant 0 : i32
    %dma_wait3A_157 = tpu.memref_slice %arg7[%dma_wait3A_155, %dma_wait3A_156] : memref<10240x16xf32, #tpu.memory_space<vmem_shared>> -> memref<10240x16xf32, #tpu.memory_space<vmem_shared>>
    tpu.wait_indirect_dma semaphore(%arg8 : memref<!tpu.dma_semaphore, #tpu.memory_space<semaphore_mem>>) src(%arg5 : memref<80x16xf32, #tpu.memory_space<vmem>>) dst(%dma_wait3A_157 : memref<10240x16xf32, #tpu.memory_space<vmem_shared>>)
    %dma_wait3A_158 = arith.constant 0 : i32
    %dma_wait3A_159 = arith.constant 0 : i32
    %dma_wait3A_160 = tpu.memref_slice %arg4[%dma_wait3A_158, %dma_wait3A_159] : memref<125x80xi32, #tpu.memory_space<vmem>> -> memref<1x80xi32, #tpu.memory_space<vmem>>
    %dma_wait3A_161 = tpu.memref_squeeze %dma_wait3A_160 : memref<1x80xi32, #tpu.memory_space<vmem>> -> memref<80xi32, #tpu.memory_space<vmem>>
    %dma_wait3A_162 = arith.constant 0 : i32
    %dma_wait3A_163 = arith.constant 0 : i32
    %dma_wait3A_164 = tpu.memref_slice %arg7[%dma_wait3A_162, %dma_wait3A_163] : memref<10240x16xf32, #tpu.memory_space<vmem_shared>> -> memref<10240x16xf32, #tpu.memory_space<vmem_shared>>
    tpu.wait_indirect_dma semaphore(%arg8 : memref<!tpu.dma_semaphore, #tpu.memory_space<semaphore_mem>>) src(%arg5 : memref<80x16xf32, #tpu.memory_space<vmem>>) dst(%dma_wait3A_164 : memref<10240x16xf32, #tpu.memory_space<vmem_shared>>)
    %dma_wait3A_165 = arith.constant 0 : i32
    %dma_wait3A_166 = arith.constant 0 : i32
    %dma_wait3A_167 = tpu.memref_slice %arg4[%dma_wait3A_165, %dma_wait3A_166] : memref<125x80xi32, #tpu.memory_space<vmem>> -> memref<1x80xi32, #tpu.memory_space<vmem>>
    %dma_wait3A_168 = tpu.memref_squeeze %dma_wait3A_167 : memref<1x80xi32, #tpu.memory_space<vmem>> -> memref<80xi32, #tpu.memory_space<vmem>>
    %dma_wait3A_169 = arith.constant 0 : i32
    %dma_wait3A_170 = arith.constant 0 : i32
    %dma_wait3A_171 = tpu.memref_slice %arg7[%dma_wait3A_169, %dma_wait3A_170] : memref<10240x16xf32, #tpu.memory_space<vmem_shared>> -> memref<10240x16xf32, #tpu.memory_space<vmem_shared>>
    tpu.wait_indirect_dma semaphore(%arg8 : memref<!tpu.dma_semaphore, #tpu.memory_space<semaphore_mem>>) src(%arg5 : memref<80x16xf32, #tpu.memory_space<vmem>>) dst(%dma_wait3A_171 : memref<10240x16xf32, #tpu.memory_space<vmem_shared>>)
    %dma_wait3A_172 = arith.constant 0 : i32
    %dma_wait3A_173 = arith.constant 0 : i32
    %dma_wait3A_174 = tpu.memref_slice %arg4[%dma_wait3A_172, %dma_wait3A_173] : memref<125x80xi32, #tpu.memory_space<vmem>> -> memref<1x80xi32, #tpu.memory_space<vmem>>
    %dma_wait3A_175 = tpu.memref_squeeze %dma_wait3A_174 : memref<1x80xi32, #tpu.memory_space<vmem>> -> memref<80xi32, #tpu.memory_space<vmem>>
    %dma_wait3A_176 = arith.constant 0 : i32
    %dma_wait3A_177 = arith.constant 0 : i32
    %dma_wait3A_178 = tpu.memref_slice %arg7[%dma_wait3A_176, %dma_wait3A_177] : memref<10240x16xf32, #tpu.memory_space<vmem_shared>> -> memref<10240x16xf32, #tpu.memory_space<vmem_shared>>
    tpu.wait_indirect_dma semaphore(%arg8 : memref<!tpu.dma_semaphore, #tpu.memory_space<semaphore_mem>>) src(%arg5 : memref<80x16xf32, #tpu.memory_space<vmem>>) dst(%dma_wait3A_178 : memref<10240x16xf32, #tpu.memory_space<vmem_shared>>)
    %dma_wait3A_179 = arith.constant 0 : i32
    %dma_wait3A_180 = arith.constant 0 : i32
    %dma_wait3A_181 = tpu.memref_slice %arg4[%dma_wait3A_179, %dma_wait3A_180] : memref<125x80xi32, #tpu.memory_space<vmem>> -> memref<1x80xi32, #tpu.memory_space<vmem>>
    %dma_wait3A_182 = tpu.memref_squeeze %dma_wait3A_181 : memref<1x80xi32, #tpu.memory_space<vmem>> -> memref<80xi32, #tpu.memory_space<vmem>>
    %dma_wait3A_183 = arith.constant 0 : i32
    %dma_wait3A_184 = arith.constant 0 : i32
    %dma_wait3A_185 = tpu.memref_slice %arg7[%dma_wait3A_183, %dma_wait3A_184] : memref<10240x16xf32, #tpu.memory_space<vmem_shared>> -> memref<10240x16xf32, #tpu.memory_space<vmem_shared>>
    tpu.wait_indirect_dma semaphore(%arg8 : memref<!tpu.dma_semaphore, #tpu.memory_space<semaphore_mem>>) src(%arg5 : memref<80x16xf32, #tpu.memory_space<vmem>>) dst(%dma_wait3A_185 : memref<10240x16xf32, #tpu.memory_space<vmem_shared>>)
    %barrier3A_186 = arith.constant 0 : index
    tpu.barrier barrier_id(%barrier3A_186)
    %mul3A_187 = arith.constant 640 : i32
    %mul3A_188 = arith.muli %arg1, %mul3A_187 : i32
    "tpu.region"() ({
      %run_scoped3A = tpu.sem_alloc : memref<!tpu.dma_semaphore, #tpu.memory_space<semaphore_mem>>
      %dma_start3A_191 = arith.constant 0 : i32
      %dma_start3A_192 = tpu.memref_slice %arg7[%mul3A_188, %dma_start3A_191] : memref<10240x16xf32, #tpu.memory_space<vmem_shared>> -> memref<640x16xf32, #tpu.memory_space<vmem_shared>>
      %dma_start3A_193 = arith.constant 0 : i32
      %dma_start3A_194 = tpu.memref_slice %arg7[%mul3A_188, %dma_start3A_193] : memref<10240x16xf32, #tpu.memory_space<vmem_shared>> -> memref<640x16xf32, #tpu.memory_space<vmem_shared>>
      tpu.enqueue_dma source(%dma_start3A_194 : memref<640x16xf32, #tpu.memory_space<vmem_shared>>) target(%arg6 : memref<640x16xf32, #tpu.memory_space<vmem>>) target_semaphore(%run_scoped3A : memref<!tpu.dma_semaphore, #tpu.memory_space<semaphore_mem>>)
      %dma_wait3A_195 = arith.constant 0 : i32
      %dma_wait3A_196 = tpu.memref_slice %arg7[%mul3A_188, %dma_wait3A_195] : memref<10240x16xf32, #tpu.memory_space<vmem_shared>> -> memref<640x16xf32, #tpu.memory_space<vmem_shared>>
      %dma_wait3A_197 = arith.constant 0 : i32
      %dma_wait3A_198 = tpu.memref_slice %arg7[%mul3A_188, %dma_wait3A_197] : memref<10240x16xf32, #tpu.memory_space<vmem_shared>> -> memref<640x16xf32, #tpu.memory_space<vmem_shared>>
      tpu.wait_dma2 semaphore(%run_scoped3A : memref<!tpu.dma_semaphore, #tpu.memory_space<semaphore_mem>>) src(%dma_wait3A_198 : memref<640x16xf32, #tpu.memory_space<vmem_shared>>) dst(%arg6 : memref<640x16xf32, #tpu.memory_space<vmem>>)
      tpu.yield
    }) : () -> ()
    %mul3A_189 = arith.constant 640 : i32
    %mul3A_190 = arith.muli %arg1, %mul3A_189 : i32
    "tpu.region"() ({
      %run_scoped3A = tpu.sem_alloc : memref<!tpu.dma_semaphore, #tpu.memory_space<semaphore_mem>>
      %dma_start3A_191 = arith.constant 0 : i32
      %dma_start3A_192 = tpu.memref_slice %arg3[%arg0, %mul3A_190, %dma_start3A_191] : memref<2x10240x16xf32, #tpu.memory_space<hbm>> -> memref<1x640x16xf32, #tpu.memory_space<hbm>>
      %dma_start3A_193 = tpu.memref_squeeze %dma_start3A_192 : memref<1x640x16xf32, #tpu.memory_space<hbm>> -> memref<640x16xf32, #tpu.memory_space<hbm>>
      %dma_start3A_194 = arith.constant 0 : i32
      %dma_start3A_195 = tpu.memref_slice %arg3[%arg0, %mul3A_190, %dma_start3A_194] : memref<2x10240x16xf32, #tpu.memory_space<hbm>> -> memref<1x640x16xf32, #tpu.memory_space<hbm>>
      %dma_start3A_196 = tpu.memref_squeeze %dma_start3A_195 : memref<1x640x16xf32, #tpu.memory_space<hbm>> -> memref<640x16xf32, #tpu.memory_space<hbm>>
      tpu.enqueue_dma source(%arg6 : memref<640x16xf32, #tpu.memory_space<vmem>>) target(%dma_start3A_196 : memref<640x16xf32, #tpu.memory_space<hbm>>) target_semaphore(%run_scoped3A : memref<!tpu.dma_semaphore, #tpu.memory_space<semaphore_mem>>)
      %dma_wait3A_197 = arith.constant 0 : i32
      %dma_wait3A_198 = tpu.memref_slice %arg3[%arg0, %mul3A_190, %dma_wait3A_197] : memref<2x10240x16xf32, #tpu.memory_space<hbm>> -> memref<1x640x16xf32, #tpu.memory_space<hbm>>
      %dma_wait3A_199 = tpu.memref_squeeze %dma_wait3A_198 : memref<1x640x16xf32, #tpu.memory_space<hbm>> -> memref<640x16xf32, #tpu.memory_space<hbm>>
      %dma_wait3A_200 = arith.constant 0 : i32
      %dma_wait3A_201 = tpu.memref_slice %arg3[%arg0, %mul3A_190, %dma_wait3A_200] : memref<2x10240x16xf32, #tpu.memory_space<hbm>> -> memref<1x640x16xf32, #tpu.memory_space<hbm>>
      %dma_wait3A_202 = tpu.memref_squeeze %dma_wait3A_201 : memref<1x640x16xf32, #tpu.memory_space<hbm>> -> memref<640x16xf32, #tpu.memory_space<hbm>>
      tpu.wait_dma2 semaphore(%run_scoped3A : memref<!tpu.dma_semaphore, #tpu.memory_space<semaphore_mem>>) src(%arg6 : memref<640x16xf32, #tpu.memory_space<vmem>>) dst(%dma_wait3A_202 : memref<640x16xf32, #tpu.memory_space<hbm>>)
      tpu.yield
    }) : () -> ()
    return
  }
}

#map = affine_map<(d0, d1) -> (0, 0)>
#map1 = affine_map<(d0, d1) -> (0, 0, 0)>
module attributes {stable_mosaic.version = 14 : i64} {
  func.func @_msg_kernel(%arg0: i32, %arg1: i32, %arg2: memref<10000x128xf32, #tpu.memory_space<hbm>>, %arg3: memref<32x125x80xi32, #tpu.memory_space<hbm>>, %arg4: memref<2x10240x128xf32, #tpu.memory_space<hbm>>, %arg5: memref<125x80xi32, #tpu.memory_space<vmem>>, %arg6: memref<80xi32, #tpu.memory_space<vmem>>, %arg7: memref<80xi32, #tpu.memory_space<vmem>>, %arg8: memref<80xi32, #tpu.memory_space<vmem>>, %arg9: memref<80xi32, #tpu.memory_space<vmem>>, %arg10: memref<80xi32, #tpu.memory_space<vmem>>, %arg11: memref<80xi32, #tpu.memory_space<vmem>>, %arg12: memref<80x128xf32, #tpu.memory_space<vmem>>, %arg13: memref<80x128xf32, #tpu.memory_space<vmem>>, %arg14: memref<80x128xf32, #tpu.memory_space<vmem>>, %arg15: memref<!tpu.dma_semaphore, #tpu.memory_space<semaphore_mem>>, %arg16: memref<!tpu.dma_semaphore, #tpu.memory_space<semaphore_mem>>, %arg17: memref<!tpu.dma_semaphore, #tpu.memory_space<semaphore_mem>>, %arg18: memref<!tpu.dma_semaphore, #tpu.memory_space<semaphore_mem>>, %arg19: memref<!tpu.dma_semaphore, #tpu.memory_space<semaphore_mem>>, %arg20: memref<!tpu.dma_semaphore, #tpu.memory_space<semaphore_mem>>, %arg21: memref<10240x128xf32, #tpu.memory_space<vmem_shared>>) attributes {dimension_semantics = [#tpu.dimension_semantics<core_parallel>, #tpu.dimension_semantics<subcore_parallel>], iteration_bounds = array<i64: 2, 16>, scalar_prefetch = 0 : i64, scratch_operands = 17 : i64, tpu.core_type = #tpu.core_type<sc_vector_subcore>, window_params = [{transform_indices = #map}, {transform_indices = #map1}, {transform_indices = #map1}]} {
    %mul3A = arith.constant 2 : i32
    %mul3A_0 = arith.muli %arg1, %mul3A : i32
    %add3A = arith.addi %mul3A_0, %arg0 : i32
    "tpu.region"() ({
      %run_scoped3A = tpu.sem_alloc : memref<!tpu.dma_semaphore, #tpu.memory_space<semaphore_mem>>
      %dma_start3A_1166 = arith.constant 0 : i32
      %dma_start3A_1167 = arith.constant 0 : i32
      %dma_start3A_1168 = tpu.memref_slice %arg3[%add3A, %dma_start3A_1166, %dma_start3A_1167] : memref<32x125x80xi32, #tpu.memory_space<hbm>> -> memref<1x125x80xi32, #tpu.memory_space<hbm>>
      %dma_start3A_1169 = tpu.memref_squeeze %dma_start3A_1168 : memref<1x125x80xi32, #tpu.memory_space<hbm>> -> memref<125x80xi32, #tpu.memory_space<hbm>>
      %dma_start3A_1170 = arith.constant 0 : i32
      %dma_start3A_1171 = arith.constant 0 : i32
      %dma_start3A_1172 = tpu.memref_slice %arg3[%add3A, %dma_start3A_1170, %dma_start3A_1171] : memref<32x125x80xi32, #tpu.memory_space<hbm>> -> memref<1x125x80xi32, #tpu.memory_space<hbm>>
      %dma_start3A_1173 = tpu.memref_squeeze %dma_start3A_1172 : memref<1x125x80xi32, #tpu.memory_space<hbm>> -> memref<125x80xi32, #tpu.memory_space<hbm>>
      tpu.enqueue_dma source(%dma_start3A_1173 : memref<125x80xi32, #tpu.memory_space<hbm>>) target(%arg5 : memref<125x80xi32, #tpu.memory_space<vmem>>) target_semaphore(%run_scoped3A : memref<!tpu.dma_semaphore, #tpu.memory_space<semaphore_mem>>)
      %dma_wait3A_1174 = arith.constant 0 : i32
      %dma_wait3A_1175 = arith.constant 0 : i32
      %dma_wait3A_1176 = tpu.memref_slice %arg3[%add3A, %dma_wait3A_1174, %dma_wait3A_1175] : memref<32x125x80xi32, #tpu.memory_space<hbm>> -> memref<1x125x80xi32, #tpu.memory_space<hbm>>
      %dma_wait3A_1177 = tpu.memref_squeeze %dma_wait3A_1176 : memref<1x125x80xi32, #tpu.memory_space<hbm>> -> memref<125x80xi32, #tpu.memory_space<hbm>>
      %dma_wait3A_1178 = arith.constant 0 : i32
      %dma_wait3A_1179 = arith.constant 0 : i32
      %dma_wait3A_1180 = tpu.memref_slice %arg3[%add3A, %dma_wait3A_1178, %dma_wait3A_1179] : memref<32x125x80xi32, #tpu.memory_space<hbm>> -> memref<1x125x80xi32, #tpu.memory_space<hbm>>
      %dma_wait3A_1181 = tpu.memref_squeeze %dma_wait3A_1180 : memref<1x125x80xi32, #tpu.memory_space<hbm>> -> memref<125x80xi32, #tpu.memory_space<hbm>>
      tpu.wait_dma2 semaphore(%run_scoped3A : memref<!tpu.dma_semaphore, #tpu.memory_space<semaphore_mem>>) src(%dma_wait3A_1181 : memref<125x80xi32, #tpu.memory_space<hbm>>) dst(%arg5 : memref<125x80xi32, #tpu.memory_space<vmem>>)
      tpu.yield
    }) : () -> ()
    %scan3A = arith.constant 0 : i32
    %scan3A_1 = arith.constant 0 : i32
    %scan3A_2 = arith.constant 640 : i32
    %scan3A_3 = arith.addi %scan3A_1, %scan3A_2 : i32
    %scan3A_4 = arith.constant 1 : i32
    scf.for %scan3A_1166 = %scan3A_1 to %scan3A_3 step %scan3A_4  : i32 {
      %jit3A = arith.constant 8 : i32
      %div3A = arith.divsi %scan3A_1166, %jit3A : i32
      %sign3A = arith.constant 0 : i32
      %sign3A_1167 = arith.cmpi sgt, %scan3A_1166, %sign3A : i32
      %sign3A_1168 = arith.extui %sign3A_1167 : i1 to i32
      %sign3A_1169 = arith.constant 0 : i32
      %sign3A_1170 = arith.cmpi slt, %scan3A_1166, %sign3A_1169 : i32
      %sign3A_1171 = arith.extui %sign3A_1170 : i1 to i32
      %sign3A_1172 = arith.subi %sign3A_1168, %sign3A_1171 : i32
      %sign3A_1173 = arith.constant 0 : i32
      %sign3A_1174 = arith.cmpi sgt, %jit3A, %sign3A_1173 : i32
      %sign3A_1175 = arith.extui %sign3A_1174 : i1 to i32
      %sign3A_1176 = arith.constant 0 : i32
      %sign3A_1177 = arith.cmpi slt, %jit3A, %sign3A_1176 : i32
      %sign3A_1178 = arith.extui %sign3A_1177 : i1 to i32
      %sign3A_1179 = arith.subi %sign3A_1175, %sign3A_1178 : i32
      %ne3A = arith.cmpi ne, %sign3A_1172, %sign3A_1179 : i32
      %rem3A = arith.remsi %scan3A_1166, %jit3A : i32
      %ne3A_1180 = arith.constant 0 : i32
      %ne3A_1181 = arith.cmpi ne, %rem3A, %ne3A_1180 : i32
      %and3A_1182 = arith.andi %ne3A, %ne3A_1181 : i1
      %sub3A = arith.constant 1 : i32
      %sub3A_1183 = arith.subi %div3A, %sub3A : i32
      %select_n3A = arith.select %and3A_1182, %sub3A_1183, %div3A : i32
      %jit3A_1184 = arith.constant 8 : i32
      %eq3A = arith.constant 0 : i32
      %eq3A_1185 = arith.cmpi eq, %jit3A_1184, %eq3A : i32
      %jit3A_1186 = arith.constant 1 : i32
      %select_n3A_1187 = arith.select %eq3A_1185, %jit3A_1186, %jit3A_1184 : i32
      %rem3A_1188 = arith.remsi %scan3A_1166, %select_n3A_1187 : i32
      %ne3A_1189 = arith.constant 0 : i32
      %ne3A_1190 = arith.cmpi ne, %rem3A_1188, %ne3A_1189 : i32
      %lt3A = arith.constant 0 : i32
      %lt3A_1191 = arith.cmpi slt, %rem3A_1188, %lt3A : i32
      %lt3A_1192 = arith.constant 0 : i32
      %lt3A_1193 = arith.cmpi slt, %select_n3A_1187, %lt3A_1192 : i32
      %ne3A_1194 = arith.xori %lt3A_1191, %lt3A_1193 : i1
      %and3A_1195 = arith.andi %ne3A_1194, %ne3A_1190 : i1
      %add3A_1196 = arith.addi %rem3A_1188, %select_n3A_1187 : i32
      %select_n3A_1197 = arith.select %and3A_1195, %add3A_1196, %rem3A_1188 : i32
      %broadcast_in_dim3A = arith.constant 0.000000e+00 : f32
      %broadcast_in_dim3A_1198 = vector.broadcast %broadcast_in_dim3A : f32 to vector<16xf32>
      %mul3A_1199 = arith.constant 16 : i32
      %mul3A_1200 = arith.muli %select_n3A_1197, %mul3A_1199 : i32
      %swap3A_1201 = arith.index_cast %select_n3A : i32 to index
      %swap3A_1202 = arith.index_cast %mul3A_1200 : i32 to index
      %swap3A_1203 = tpu.vector_load %arg12[%swap3A_1201, %swap3A_1202] {strides = array<i32>} : memref<80x128xf32, #tpu.memory_space<vmem>>, vector<1x16xf32>,
      %swap3A_1204 = vector.shape_cast %swap3A_1203 : vector<1x16xf32> to vector<16xf32>
      %swap3A_1205 = vector.shape_cast %broadcast_in_dim3A_1198 : vector<16xf32> to vector<1x16xf32>
      tpu.vector_store %arg12[%swap3A_1201, %swap3A_1202], %swap3A_1205 {strides = array<i32>} : memref<80x128xf32, #tpu.memory_space<vmem>>, vector<1x16xf32>,
    }
    %scan3A_5 = arith.constant 640 : i32
    %mul3A_6 = arith.constant 640 : i32
    %mul3A_7 = arith.muli %arg1, %mul3A_6 : i32
    %add3A_8 = arith.constant 0 : i32
    %add3A_9 = arith.addi %mul3A_7, %add3A_8 : i32
    %dma_start3A = arith.constant 0 : i32
    %dma_start3A_10 = arith.constant 0 : i32
    %dma_start3A_11 = tpu.memref_slice %arg12[%dma_start3A, %dma_start3A_10] : memref<80x128xf32, #tpu.memory_space<vmem>> -> memref<80x128xf32, #tpu.memory_space<vmem>>
    %dma_start3A_12 = arith.constant 0 : i32
    %dma_start3A_13 = tpu.memref_slice %arg21[%add3A_9, %dma_start3A_12] : memref<10240x128xf32, #tpu.memory_space<vmem_shared>> -> memref<80x128xf32, #tpu.memory_space<vmem_shared>>
    %dma_start3A_14 = arith.constant 0 : i32
    %dma_start3A_15 = tpu.memref_slice %arg21[%add3A_9, %dma_start3A_14] : memref<10240x128xf32, #tpu.memory_space<vmem_shared>> -> memref<80x128xf32, #tpu.memory_space<vmem_shared>>
    %dma_start3A_16 = arith.constant 0 : i32
    %dma_start3A_17 = arith.constant 0 : i32
    %dma_start3A_18 = tpu.memref_slice %arg12[%dma_start3A_16, %dma_start3A_17] : memref<80x128xf32, #tpu.memory_space<vmem>> -> memref<80x128xf32, #tpu.memory_space<vmem>>
    tpu.enqueue_dma source(%dma_start3A_18 : memref<80x128xf32, #tpu.memory_space<vmem>>) target(%dma_start3A_15 : memref<80x128xf32, #tpu.memory_space<vmem_shared>>) target_semaphore(%arg15 : memref<!tpu.dma_semaphore, #tpu.memory_space<semaphore_mem>>)
    %mul3A_19 = arith.constant 640 : i32
    %mul3A_20 = arith.muli %arg1, %mul3A_19 : i32
    %add3A_21 = arith.constant 80 : i32
    %add3A_22 = arith.addi %mul3A_20, %add3A_21 : i32
    %dma_start3A_23 = arith.constant 0 : i32
    %dma_start3A_24 = arith.constant 0 : i32
    %dma_start3A_25 = tpu.memref_slice %arg12[%dma_start3A_23, %dma_start3A_24] : memref<80x128xf32, #tpu.memory_space<vmem>> -> memref<80x128xf32, #tpu.memory_space<vmem>>
    %dma_start3A_26 = arith.constant 0 : i32
    %dma_start3A_27 = tpu.memref_slice %arg21[%add3A_22, %dma_start3A_26] : memref<10240x128xf32, #tpu.memory_space<vmem_shared>> -> memref<80x128xf32, #tpu.memory_space<vmem_shared>>
    %dma_start3A_28 = arith.constant 0 : i32
    %dma_start3A_29 = tpu.memref_slice %arg21[%add3A_22, %dma_start3A_28] : memref<10240x128xf32, #tpu.memory_space<vmem_shared>> -> memref<80x128xf32, #tpu.memory_space<vmem_shared>>
    %dma_start3A_30 = arith.constant 0 : i32
    %dma_start3A_31 = arith.constant 0 : i32
    %dma_start3A_32 = tpu.memref_slice %arg12[%dma_start3A_30, %dma_start3A_31] : memref<80x128xf32, #tpu.memory_space<vmem>> -> memref<80x128xf32, #tpu.memory_space<vmem>>
    tpu.enqueue_dma source(%dma_start3A_32 : memref<80x128xf32, #tpu.memory_space<vmem>>) target(%dma_start3A_29 : memref<80x128xf32, #tpu.memory_space<vmem_shared>>) target_semaphore(%arg15 : memref<!tpu.dma_semaphore, #tpu.memory_space<semaphore_mem>>)
    %mul3A_33 = arith.constant 640 : i32
    %mul3A_34 = arith.muli %arg1, %mul3A_33 : i32
    %add3A_35 = arith.constant 160 : i32
    %add3A_36 = arith.addi %mul3A_34, %add3A_35 : i32
    %dma_start3A_37 = arith.constant 0 : i32
    %dma_start3A_38 = arith.constant 0 : i32
    %dma_start3A_39 = tpu.memref_slice %arg12[%dma_start3A_37, %dma_start3A_38] : memref<80x128xf32, #tpu.memory_space<vmem>> -> memref<80x128xf32, #tpu.memory_space<vmem>>
    %dma_start3A_40 = arith.constant 0 : i32
    %dma_start3A_41 = tpu.memref_slice %arg21[%add3A_36, %dma_start3A_40] : memref<10240x128xf32, #tpu.memory_space<vmem_shared>> -> memref<80x128xf32, #tpu.memory_space<vmem_shared>>
    %dma_start3A_42 = arith.constant 0 : i32
    %dma_start3A_43 = tpu.memref_slice %arg21[%add3A_36, %dma_start3A_42] : memref<10240x128xf32, #tpu.memory_space<vmem_shared>> -> memref<80x128xf32, #tpu.memory_space<vmem_shared>>
    %dma_start3A_44 = arith.constant 0 : i32
    %dma_start3A_45 = arith.constant 0 : i32
    %dma_start3A_46 = tpu.memref_slice %arg12[%dma_start3A_44, %dma_start3A_45] : memref<80x128xf32, #tpu.memory_space<vmem>> -> memref<80x128xf32, #tpu.memory_space<vmem>>
    tpu.enqueue_dma source(%dma_start3A_46 : memref<80x128xf32, #tpu.memory_space<vmem>>) target(%dma_start3A_43 : memref<80x128xf32, #tpu.memory_space<vmem_shared>>) target_semaphore(%arg15 : memref<!tpu.dma_semaphore, #tpu.memory_space<semaphore_mem>>)
    %mul3A_47 = arith.constant 640 : i32
    %mul3A_48 = arith.muli %arg1, %mul3A_47 : i32
    %add3A_49 = arith.constant 240 : i32
    %add3A_50 = arith.addi %mul3A_48, %add3A_49 : i32
    %dma_start3A_51 = arith.constant 0 : i32
    %dma_start3A_52 = arith.constant 0 : i32
    %dma_start3A_53 = tpu.memref_slice %arg12[%dma_start3A_51, %dma_start3A_52] : memref<80x128xf32, #tpu.memory_space<vmem>> -> memref<80x128xf32, #tpu.memory_space<vmem>>
    %dma_start3A_54 = arith.constant 0 : i32
    %dma_start3A_55 = tpu.memref_slice %arg21[%add3A_50, %dma_start3A_54] : memref<10240x128xf32, #tpu.memory_space<vmem_shared>> -> memref<80x128xf32, #tpu.memory_space<vmem_shared>>
    %dma_start3A_56 = arith.constant 0 : i32
    %dma_start3A_57 = tpu.memref_slice %arg21[%add3A_50, %dma_start3A_56] : memref<10240x128xf32, #tpu.memory_space<vmem_shared>> -> memref<80x128xf32, #tpu.memory_space<vmem_shared>>
    %dma_start3A_58 = arith.constant 0 : i32
    %dma_start3A_59 = arith.constant 0 : i32
    %dma_start3A_60 = tpu.memref_slice %arg12[%dma_start3A_58, %dma_start3A_59] : memref<80x128xf32, #tpu.memory_space<vmem>> -> memref<80x128xf32, #tpu.memory_space<vmem>>
    tpu.enqueue_dma source(%dma_start3A_60 : memref<80x128xf32, #tpu.memory_space<vmem>>) target(%dma_start3A_57 : memref<80x128xf32, #tpu.memory_space<vmem_shared>>) target_semaphore(%arg15 : memref<!tpu.dma_semaphore, #tpu.memory_space<semaphore_mem>>)
    %mul3A_61 = arith.constant 640 : i32
    %mul3A_62 = arith.muli %arg1, %mul3A_61 : i32
    %add3A_63 = arith.constant 320 : i32
    %add3A_64 = arith.addi %mul3A_62, %add3A_63 : i32
    %dma_start3A_65 = arith.constant 0 : i32
    %dma_start3A_66 = arith.constant 0 : i32
    %dma_start3A_67 = tpu.memref_slice %arg12[%dma_start3A_65, %dma_start3A_66] : memref<80x128xf32, #tpu.memory_space<vmem>> -> memref<80x128xf32, #tpu.memory_space<vmem>>
    %dma_start3A_68 = arith.constant 0 : i32
    %dma_start3A_69 = tpu.memref_slice %arg21[%add3A_64, %dma_start3A_68] : memref<10240x128xf32, #tpu.memory_space<vmem_shared>> -> memref<80x128xf32, #tpu.memory_space<vmem_shared>>
    %dma_start3A_70 = arith.constant 0 : i32
    %dma_start3A_71 = tpu.memref_slice %arg21[%add3A_64, %dma_start3A_70] : memref<10240x128xf32, #tpu.memory_space<vmem_shared>> -> memref<80x128xf32, #tpu.memory_space<vmem_shared>>
    %dma_start3A_72 = arith.constant 0 : i32
    %dma_start3A_73 = arith.constant 0 : i32
    %dma_start3A_74 = tpu.memref_slice %arg12[%dma_start3A_72, %dma_start3A_73] : memref<80x128xf32, #tpu.memory_space<vmem>> -> memref<80x128xf32, #tpu.memory_space<vmem>>
    tpu.enqueue_dma source(%dma_start3A_74 : memref<80x128xf32, #tpu.memory_space<vmem>>) target(%dma_start3A_71 : memref<80x128xf32, #tpu.memory_space<vmem_shared>>) target_semaphore(%arg15 : memref<!tpu.dma_semaphore, #tpu.memory_space<semaphore_mem>>)
    %mul3A_75 = arith.constant 640 : i32
    %mul3A_76 = arith.muli %arg1, %mul3A_75 : i32
    %add3A_77 = arith.constant 400 : i32
    %add3A_78 = arith.addi %mul3A_76, %add3A_77 : i32
    %dma_start3A_79 = arith.constant 0 : i32
    %dma_start3A_80 = arith.constant 0 : i32
    %dma_start3A_81 = tpu.memref_slice %arg12[%dma_start3A_79, %dma_start3A_80] : memref<80x128xf32, #tpu.memory_space<vmem>> -> memref<80x128xf32, #tpu.memory_space<vmem>>
    %dma_start3A_82 = arith.constant 0 : i32
    %dma_start3A_83 = tpu.memref_slice %arg21[%add3A_78, %dma_start3A_82] : memref<10240x128xf32, #tpu.memory_space<vmem_shared>> -> memref<80x128xf32, #tpu.memory_space<vmem_shared>>
    %dma_start3A_84 = arith.constant 0 : i32
    %dma_start3A_85 = tpu.memref_slice %arg21[%add3A_78, %dma_start3A_84] : memref<10240x128xf32, #tpu.memory_space<vmem_shared>> -> memref<80x128xf32, #tpu.memory_space<vmem_shared>>
    %dma_start3A_86 = arith.constant 0 : i32
    %dma_start3A_87 = arith.constant 0 : i32
    %dma_start3A_88 = tpu.memref_slice %arg12[%dma_start3A_86, %dma_start3A_87] : memref<80x128xf32, #tpu.memory_space<vmem>> -> memref<80x128xf32, #tpu.memory_space<vmem>>
    tpu.enqueue_dma source(%dma_start3A_88 : memref<80x128xf32, #tpu.memory_space<vmem>>) target(%dma_start3A_85 : memref<80x128xf32, #tpu.memory_space<vmem_shared>>) target_semaphore(%arg15 : memref<!tpu.dma_semaphore, #tpu.memory_space<semaphore_mem>>)
    %mul3A_89 = arith.constant 640 : i32
    %mul3A_90 = arith.muli %arg1, %mul3A_89 : i32
    %add3A_91 = arith.constant 480 : i32
    %add3A_92 = arith.addi %mul3A_90, %add3A_91 : i32
    %dma_start3A_93 = arith.constant 0 : i32
    %dma_start3A_94 = arith.constant 0 : i32
    %dma_start3A_95 = tpu.memref_slice %arg12[%dma_start3A_93, %dma_start3A_94] : memref<80x128xf32, #tpu.memory_space<vmem>> -> memref<80x128xf32, #tpu.memory_space<vmem>>
    %dma_start3A_96 = arith.constant 0 : i32
    %dma_start3A_97 = tpu.memref_slice %arg21[%add3A_92, %dma_start3A_96] : memref<10240x128xf32, #tpu.memory_space<vmem_shared>> -> memref<80x128xf32, #tpu.memory_space<vmem_shared>>
    %dma_start3A_98 = arith.constant 0 : i32
    %dma_start3A_99 = tpu.memref_slice %arg21[%add3A_92, %dma_start3A_98] : memref<10240x128xf32, #tpu.memory_space<vmem_shared>> -> memref<80x128xf32, #tpu.memory_space<vmem_shared>>
    %dma_start3A_100 = arith.constant 0 : i32
    %dma_start3A_101 = arith.constant 0 : i32
    %dma_start3A_102 = tpu.memref_slice %arg12[%dma_start3A_100, %dma_start3A_101] : memref<80x128xf32, #tpu.memory_space<vmem>> -> memref<80x128xf32, #tpu.memory_space<vmem>>
    tpu.enqueue_dma source(%dma_start3A_102 : memref<80x128xf32, #tpu.memory_space<vmem>>) target(%dma_start3A_99 : memref<80x128xf32, #tpu.memory_space<vmem_shared>>) target_semaphore(%arg15 : memref<!tpu.dma_semaphore, #tpu.memory_space<semaphore_mem>>)
    %mul3A_103 = arith.constant 640 : i32
    %mul3A_104 = arith.muli %arg1, %mul3A_103 : i32
    %add3A_105 = arith.constant 560 : i32
    %add3A_106 = arith.addi %mul3A_104, %add3A_105 : i32
    %dma_start3A_107 = arith.constant 0 : i32
    %dma_start3A_108 = arith.constant 0 : i32
    %dma_start3A_109 = tpu.memref_slice %arg12[%dma_start3A_107, %dma_start3A_108] : memref<80x128xf32, #tpu.memory_space<vmem>> -> memref<80x128xf32, #tpu.memory_space<vmem>>
    %dma_start3A_110 = arith.constant 0 : i32
    %dma_start3A_111 = tpu.memref_slice %arg21[%add3A_106, %dma_start3A_110] : memref<10240x128xf32, #tpu.memory_space<vmem_shared>> -> memref<80x128xf32, #tpu.memory_space<vmem_shared>>
    %dma_start3A_112 = arith.constant 0 : i32
    %dma_start3A_113 = tpu.memref_slice %arg21[%add3A_106, %dma_start3A_112] : memref<10240x128xf32, #tpu.memory_space<vmem_shared>> -> memref<80x128xf32, #tpu.memory_space<vmem_shared>>
    %dma_start3A_114 = arith.constant 0 : i32
    %dma_start3A_115 = arith.constant 0 : i32
    %dma_start3A_116 = tpu.memref_slice %arg12[%dma_start3A_114, %dma_start3A_115] : memref<80x128xf32, #tpu.memory_space<vmem>> -> memref<80x128xf32, #tpu.memory_space<vmem>>
    tpu.enqueue_dma source(%dma_start3A_116 : memref<80x128xf32, #tpu.memory_space<vmem>>) target(%dma_start3A_113 : memref<80x128xf32, #tpu.memory_space<vmem_shared>>) target_semaphore(%arg15 : memref<!tpu.dma_semaphore, #tpu.memory_space<semaphore_mem>>)
    %mul3A_117 = arith.constant 640 : i32
    %mul3A_118 = arith.muli %arg1, %mul3A_117 : i32
    %dma_wait3A = arith.constant 0 : i32
    %dma_wait3A_119 = arith.constant 0 : i32
    %dma_wait3A_120 = tpu.memref_slice %arg12[%dma_wait3A, %dma_wait3A_119] : memref<80x128xf32, #tpu.memory_space<vmem>> -> memref<80x128xf32, #tpu.memory_space<vmem>>
    %dma_wait3A_121 = arith.constant 0 : i32
    %dma_wait3A_122 = tpu.memref_slice %arg21[%mul3A_118, %dma_wait3A_121] : memref<10240x128xf32, #tpu.memory_space<vmem_shared>> -> memref<80x128xf32, #tpu.memory_space<vmem_shared>>
    %dma_wait3A_123 = arith.constant 0 : i32
    %dma_wait3A_124 = tpu.memref_slice %arg21[%mul3A_118, %dma_wait3A_123] : memref<10240x128xf32, #tpu.memory_space<vmem_shared>> -> memref<80x128xf32, #tpu.memory_space<vmem_shared>>
    %dma_wait3A_125 = arith.constant 0 : i32
    %dma_wait3A_126 = arith.constant 0 : i32
    %dma_wait3A_127 = tpu.memref_slice %arg12[%dma_wait3A_125, %dma_wait3A_126] : memref<80x128xf32, #tpu.memory_space<vmem>> -> memref<80x128xf32, #tpu.memory_space<vmem>>
    tpu.wait_dma2 semaphore(%arg15 : memref<!tpu.dma_semaphore, #tpu.memory_space<semaphore_mem>>) src(%dma_wait3A_127 : memref<80x128xf32, #tpu.memory_space<vmem>>) dst(%dma_wait3A_124 : memref<80x128xf32, #tpu.memory_space<vmem_shared>>)
    %mul3A_128 = arith.constant 640 : i32
    %mul3A_129 = arith.muli %arg1, %mul3A_128 : i32
    %dma_wait3A_130 = arith.constant 0 : i32
    %dma_wait3A_131 = arith.constant 0 : i32
    %dma_wait3A_132 = tpu.memref_slice %arg12[%dma_wait3A_130, %dma_wait3A_131] : memref<80x128xf32, #tpu.memory_space<vmem>> -> memref<80x128xf32, #tpu.memory_space<vmem>>
    %dma_wait3A_133 = arith.constant 0 : i32
    %dma_wait3A_134 = tpu.memref_slice %arg21[%mul3A_129, %dma_wait3A_133] : memref<10240x128xf32, #tpu.memory_space<vmem_shared>> -> memref<80x128xf32, #tpu.memory_space<vmem_shared>>
    %dma_wait3A_135 = arith.constant 0 : i32
    %dma_wait3A_136 = tpu.memref_slice %arg21[%mul3A_129, %dma_wait3A_135] : memref<10240x128xf32, #tpu.memory_space<vmem_shared>> -> memref<80x128xf32, #tpu.memory_space<vmem_shared>>
    %dma_wait3A_137 = arith.constant 0 : i32
    %dma_wait3A_138 = arith.constant 0 : i32
    %dma_wait3A_139 = tpu.memref_slice %arg12[%dma_wait3A_137, %dma_wait3A_138] : memref<80x128xf32, #tpu.memory_space<vmem>> -> memref<80x128xf32, #tpu.memory_space<vmem>>
    tpu.wait_dma2 semaphore(%arg15 : memref<!tpu.dma_semaphore, #tpu.memory_space<semaphore_mem>>) src(%dma_wait3A_139 : memref<80x128xf32, #tpu.memory_space<vmem>>) dst(%dma_wait3A_136 : memref<80x128xf32, #tpu.memory_space<vmem_shared>>)
    %mul3A_140 = arith.constant 640 : i32
    %mul3A_141 = arith.muli %arg1, %mul3A_140 : i32
    %dma_wait3A_142 = arith.constant 0 : i32
    %dma_wait3A_143 = arith.constant 0 : i32
    %dma_wait3A_144 = tpu.memref_slice %arg12[%dma_wait3A_142, %dma_wait3A_143] : memref<80x128xf32, #tpu.memory_space<vmem>> -> memref<80x128xf32, #tpu.memory_space<vmem>>
    %dma_wait3A_145 = arith.constant 0 : i32
    %dma_wait3A_146 = tpu.memref_slice %arg21[%mul3A_141, %dma_wait3A_145] : memref<10240x128xf32, #tpu.memory_space<vmem_shared>> -> memref<80x128xf32, #tpu.memory_space<vmem_shared>>
    %dma_wait3A_147 = arith.constant 0 : i32
    %dma_wait3A_148 = tpu.memref_slice %arg21[%mul3A_141, %dma_wait3A_147] : memref<10240x128xf32, #tpu.memory_space<vmem_shared>> -> memref<80x128xf32, #tpu.memory_space<vmem_shared>>
    %dma_wait3A_149 = arith.constant 0 : i32
    %dma_wait3A_150 = arith.constant 0 : i32
    %dma_wait3A_151 = tpu.memref_slice %arg12[%dma_wait3A_149, %dma_wait3A_150] : memref<80x128xf32, #tpu.memory_space<vmem>> -> memref<80x128xf32, #tpu.memory_space<vmem>>
    tpu.wait_dma2 semaphore(%arg15 : memref<!tpu.dma_semaphore, #tpu.memory_space<semaphore_mem>>) src(%dma_wait3A_151 : memref<80x128xf32, #tpu.memory_space<vmem>>) dst(%dma_wait3A_148 : memref<80x128xf32, #tpu.memory_space<vmem_shared>>)
    %mul3A_152 = arith.constant 640 : i32
    %mul3A_153 = arith.muli %arg1, %mul3A_152 : i32
    %dma_wait3A_154 = arith.constant 0 : i32
    %dma_wait3A_155 = arith.constant 0 : i32
    %dma_wait3A_156 = tpu.memref_slice %arg12[%dma_wait3A_154, %dma_wait3A_155] : memref<80x128xf32, #tpu.memory_space<vmem>> -> memref<80x128xf32, #tpu.memory_space<vmem>>
    %dma_wait3A_157 = arith.constant 0 : i32
    %dma_wait3A_158 = tpu.memref_slice %arg21[%mul3A_153, %dma_wait3A_157] : memref<10240x128xf32, #tpu.memory_space<vmem_shared>> -> memref<80x128xf32, #tpu.memory_space<vmem_shared>>
    %dma_wait3A_159 = arith.constant 0 : i32
    %dma_wait3A_160 = tpu.memref_slice %arg21[%mul3A_153, %dma_wait3A_159] : memref<10240x128xf32, #tpu.memory_space<vmem_shared>> -> memref<80x128xf32, #tpu.memory_space<vmem_shared>>
    %dma_wait3A_161 = arith.constant 0 : i32
    %dma_wait3A_162 = arith.constant 0 : i32
    %dma_wait3A_163 = tpu.memref_slice %arg12[%dma_wait3A_161, %dma_wait3A_162] : memref<80x128xf32, #tpu.memory_space<vmem>> -> memref<80x128xf32, #tpu.memory_space<vmem>>
    tpu.wait_dma2 semaphore(%arg15 : memref<!tpu.dma_semaphore, #tpu.memory_space<semaphore_mem>>) src(%dma_wait3A_163 : memref<80x128xf32, #tpu.memory_space<vmem>>) dst(%dma_wait3A_160 : memref<80x128xf32, #tpu.memory_space<vmem_shared>>)
    %mul3A_164 = arith.constant 640 : i32
    %mul3A_165 = arith.muli %arg1, %mul3A_164 : i32
    %dma_wait3A_166 = arith.constant 0 : i32
    %dma_wait3A_167 = arith.constant 0 : i32
    %dma_wait3A_168 = tpu.memref_slice %arg12[%dma_wait3A_166, %dma_wait3A_167] : memref<80x128xf32, #tpu.memory_space<vmem>> -> memref<80x128xf32, #tpu.memory_space<vmem>>
    %dma_wait3A_169 = arith.constant 0 : i32
    %dma_wait3A_170 = tpu.memref_slice %arg21[%mul3A_165, %dma_wait3A_169] : memref<10240x128xf32, #tpu.memory_space<vmem_shared>> -> memref<80x128xf32, #tpu.memory_space<vmem_shared>>
    %dma_wait3A_171 = arith.constant 0 : i32
    %dma_wait3A_172 = tpu.memref_slice %arg21[%mul3A_165, %dma_wait3A_171] : memref<10240x128xf32, #tpu.memory_space<vmem_shared>> -> memref<80x128xf32, #tpu.memory_space<vmem_shared>>
    %dma_wait3A_173 = arith.constant 0 : i32
    %dma_wait3A_174 = arith.constant 0 : i32
    %dma_wait3A_175 = tpu.memref_slice %arg12[%dma_wait3A_173, %dma_wait3A_174] : memref<80x128xf32, #tpu.memory_space<vmem>> -> memref<80x128xf32, #tpu.memory_space<vmem>>
    tpu.wait_dma2 semaphore(%arg15 : memref<!tpu.dma_semaphore, #tpu.memory_space<semaphore_mem>>) src(%dma_wait3A_175 : memref<80x128xf32, #tpu.memory_space<vmem>>) dst(%dma_wait3A_172 : memref<80x128xf32, #tpu.memory_space<vmem_shared>>)
    %mul3A_176 = arith.constant 640 : i32
    %mul3A_177 = arith.muli %arg1, %mul3A_176 : i32
    %dma_wait3A_178 = arith.constant 0 : i32
    %dma_wait3A_179 = arith.constant 0 : i32
    %dma_wait3A_180 = tpu.memref_slice %arg12[%dma_wait3A_178, %dma_wait3A_179] : memref<80x128xf32, #tpu.memory_space<vmem>> -> memref<80x128xf32, #tpu.memory_space<vmem>>
    %dma_wait3A_181 = arith.constant 0 : i32
    %dma_wait3A_182 = tpu.memref_slice %arg21[%mul3A_177, %dma_wait3A_181] : memref<10240x128xf32, #tpu.memory_space<vmem_shared>> -> memref<80x128xf32, #tpu.memory_space<vmem_shared>>
    %dma_wait3A_183 = arith.constant 0 : i32
    %dma_wait3A_184 = tpu.memref_slice %arg21[%mul3A_177, %dma_wait3A_183] : memref<10240x128xf32, #tpu.memory_space<vmem_shared>> -> memref<80x128xf32, #tpu.memory_space<vmem_shared>>
    %dma_wait3A_185 = arith.constant 0 : i32
    %dma_wait3A_186 = arith.constant 0 : i32
    %dma_wait3A_187 = tpu.memref_slice %arg12[%dma_wait3A_185, %dma_wait3A_186] : memref<80x128xf32, #tpu.memory_space<vmem>> -> memref<80x128xf32, #tpu.memory_space<vmem>>
    tpu.wait_dma2 semaphore(%arg15 : memref<!tpu.dma_semaphore, #tpu.memory_space<semaphore_mem>>) src(%dma_wait3A_187 : memref<80x128xf32, #tpu.memory_space<vmem>>) dst(%dma_wait3A_184 : memref<80x128xf32, #tpu.memory_space<vmem_shared>>)
    %mul3A_188 = arith.constant 640 : i32
    %mul3A_189 = arith.muli %arg1, %mul3A_188 : i32
    %dma_wait3A_190 = arith.constant 0 : i32
    %dma_wait3A_191 = arith.constant 0 : i32
    %dma_wait3A_192 = tpu.memref_slice %arg12[%dma_wait3A_190, %dma_wait3A_191] : memref<80x128xf32, #tpu.memory_space<vmem>> -> memref<80x128xf32, #tpu.memory_space<vmem>>
    %dma_wait3A_193 = arith.constant 0 : i32
    %dma_wait3A_194 = tpu.memref_slice %arg21[%mul3A_189, %dma_wait3A_193] : memref<10240x128xf32, #tpu.memory_space<vmem_shared>> -> memref<80x128xf32, #tpu.memory_space<vmem_shared>>
    %dma_wait3A_195 = arith.constant 0 : i32
    %dma_wait3A_196 = tpu.memref_slice %arg21[%mul3A_189, %dma_wait3A_195] : memref<10240x128xf32, #tpu.memory_space<vmem_shared>> -> memref<80x128xf32, #tpu.memory_space<vmem_shared>>
    %dma_wait3A_197 = arith.constant 0 : i32
    %dma_wait3A_198 = arith.constant 0 : i32
    %dma_wait3A_199 = tpu.memref_slice %arg12[%dma_wait3A_197, %dma_wait3A_198] : memref<80x128xf32, #tpu.memory_space<vmem>> -> memref<80x128xf32, #tpu.memory_space<vmem>>
    tpu.wait_dma2 semaphore(%arg15 : memref<!tpu.dma_semaphore, #tpu.memory_space<semaphore_mem>>) src(%dma_wait3A_199 : memref<80x128xf32, #tpu.memory_space<vmem>>) dst(%dma_wait3A_196 : memref<80x128xf32, #tpu.memory_space<vmem_shared>>)
    %mul3A_200 = arith.constant 640 : i32
    %mul3A_201 = arith.muli %arg1, %mul3A_200 : i32
    %dma_wait3A_202 = arith.constant 0 : i32
    %dma_wait3A_203 = arith.constant 0 : i32
    %dma_wait3A_204 = tpu.memref_slice %arg12[%dma_wait3A_202, %dma_wait3A_203] : memref<80x128xf32, #tpu.memory_space<vmem>> -> memref<80x128xf32, #tpu.memory_space<vmem>>
    %dma_wait3A_205 = arith.constant 0 : i32
    %dma_wait3A_206 = tpu.memref_slice %arg21[%mul3A_201, %dma_wait3A_205] : memref<10240x128xf32, #tpu.memory_space<vmem_shared>> -> memref<80x128xf32, #tpu.memory_space<vmem_shared>>
    %dma_wait3A_207 = arith.constant 0 : i32
    %dma_wait3A_208 = tpu.memref_slice %arg21[%mul3A_201, %dma_wait3A_207] : memref<10240x128xf32, #tpu.memory_space<vmem_shared>> -> memref<80x128xf32, #tpu.memory_space<vmem_shared>>
    %dma_wait3A_209 = arith.constant 0 : i32
    %dma_wait3A_210 = arith.constant 0 : i32
    %dma_wait3A_211 = tpu.memref_slice %arg12[%dma_wait3A_209, %dma_wait3A_210] : memref<80x128xf32, #tpu.memory_space<vmem>> -> memref<80x128xf32, #tpu.memory_space<vmem>>
    tpu.wait_dma2 semaphore(%arg15 : memref<!tpu.dma_semaphore, #tpu.memory_space<semaphore_mem>>) src(%dma_wait3A_211 : memref<80x128xf32, #tpu.memory_space<vmem>>) dst(%dma_wait3A_208 : memref<80x128xf32, #tpu.memory_space<vmem_shared>>)
    %barrier3A = arith.constant 0 : index
    tpu.barrier barrier_id(%barrier3A)
    %get3A = arith.constant 0 : i32
    %get3A_212 = arith.index_cast %get3A : i32 to index
    %get3A_213 = arith.constant 0 : index
    %get3A_214 = tpu.vector_load %arg5[%get3A_212, %get3A_213] {strides = array<i32>} : memref<125x80xi32, #tpu.memory_space<vmem>>, vector<1x16xi32>,
    %get3A_215 = vector.shape_cast %get3A_214 : vector<1x16xi32> to vector<16xi32>
    %and3A = arith.constant 65535 : i32
    %and3A_216 = vector.broadcast %and3A : i32 to vector<16xi32>
    %and3A_217 = arith.andi %get3A_215, %and3A_216 : vector<16xi32>
    %swap3A = arith.constant 0 : index
    %swap3A_218 = tpu.vector_load %arg6[%swap3A] {strides = array<i32>} : memref<80xi32, #tpu.memory_space<vmem>>, vector<16xi32>,
    %swap3A_219 = vector.shape_cast %swap3A_218 : vector<16xi32> to vector<16xi32>
    %swap3A_220 = vector.shape_cast %and3A_217 : vector<16xi32> to vector<16xi32>
    tpu.vector_store %arg6[%swap3A], %swap3A_220 {strides = array<i32>} : memref<80xi32, #tpu.memory_space<vmem>>, vector<16xi32>,
    %shift_right_logical3A = arith.constant 16 : i32
    %shift_right_logical3A_221 = vector.broadcast %shift_right_logical3A : i32 to vector<16xi32>
    %shift_right_logical3A_222 = arith.shrui %get3A_215, %shift_right_logical3A_221 : vector<16xi32>
    %swap3A_223 = arith.constant 0 : index
    %swap3A_224 = tpu.vector_load %arg9[%swap3A_223] {strides = array<i32>} : memref<80xi32, #tpu.memory_space<vmem>>, vector<16xi32>,
    %swap3A_225 = vector.shape_cast %swap3A_224 : vector<16xi32> to vector<16xi32>
    %swap3A_226 = vector.shape_cast %shift_right_logical3A_222 : vector<16xi32> to vector<16xi32>
    tpu.vector_store %arg9[%swap3A_223], %swap3A_226 {strides = array<i32>} : memref<80xi32, #tpu.memory_space<vmem>>, vector<16xi32>,
    %get3A_227 = arith.constant 0 : i32
    %get3A_228 = arith.index_cast %get3A_227 : i32 to index
    %get3A_229 = arith.constant 16 : index
    %get3A_230 = tpu.vector_load %arg5[%get3A_228, %get3A_229] {strides = array<i32>} : memref<125x80xi32, #tpu.memory_space<vmem>>, vector<1x16xi32>,
    %get3A_231 = vector.shape_cast %get3A_230 : vector<1x16xi32> to vector<16xi32>
    %and3A_232 = arith.constant 65535 : i32
    %and3A_233 = vector.broadcast %and3A_232 : i32 to vector<16xi32>
    %and3A_234 = arith.andi %get3A_231, %and3A_233 : vector<16xi32>
    %swap3A_235 = arith.constant 16 : index
    %swap3A_236 = tpu.vector_load %arg6[%swap3A_235] {strides = array<i32>} : memref<80xi32, #tpu.memory_space<vmem>>, vector<16xi32>,
    %swap3A_237 = vector.shape_cast %swap3A_236 : vector<16xi32> to vector<16xi32>
    %swap3A_238 = vector.shape_cast %and3A_234 : vector<16xi32> to vector<16xi32>
    tpu.vector_store %arg6[%swap3A_235], %swap3A_238 {strides = array<i32>} : memref<80xi32, #tpu.memory_space<vmem>>, vector<16xi32>,
    %shift_right_logical3A_239 = arith.constant 16 : i32
    %shift_right_logical3A_240 = vector.broadcast %shift_right_logical3A_239 : i32 to vector<16xi32>
    %shift_right_logical3A_241 = arith.shrui %get3A_231, %shift_right_logical3A_240 : vector<16xi32>
    %swap3A_242 = arith.constant 16 : index
    %swap3A_243 = tpu.vector_load %arg9[%swap3A_242] {strides = array<i32>} : memref<80xi32, #tpu.memory_space<vmem>>, vector<16xi32>,
    %swap3A_244 = vector.shape_cast %swap3A_243 : vector<16xi32> to vector<16xi32>
    %swap3A_245 = vector.shape_cast %shift_right_logical3A_241 : vector<16xi32> to vector<16xi32>
    tpu.vector_store %arg9[%swap3A_242], %swap3A_245 {strides = array<i32>} : memref<80xi32, #tpu.memory_space<vmem>>, vector<16xi32>,
    %get3A_246 = arith.constant 0 : i32
    %get3A_247 = arith.index_cast %get3A_246 : i32 to index
    %get3A_248 = arith.constant 32 : index
    %get3A_249 = tpu.vector_load %arg5[%get3A_247, %get3A_248] {strides = array<i32>} : memref<125x80xi32, #tpu.memory_space<vmem>>, vector<1x16xi32>,
    %get3A_250 = vector.shape_cast %get3A_249 : vector<1x16xi32> to vector<16xi32>
    %and3A_251 = arith.constant 65535 : i32
    %and3A_252 = vector.broadcast %and3A_251 : i32 to vector<16xi32>
    %and3A_253 = arith.andi %get3A_250, %and3A_252 : vector<16xi32>
    %swap3A_254 = arith.constant 32 : index
    %swap3A_255 = tpu.vector_load %arg6[%swap3A_254] {strides = array<i32>} : memref<80xi32, #tpu.memory_space<vmem>>, vector<16xi32>,
    %swap3A_256 = vector.shape_cast %swap3A_255 : vector<16xi32> to vector<16xi32>
    %swap3A_257 = vector.shape_cast %and3A_253 : vector<16xi32> to vector<16xi32>
    tpu.vector_store %arg6[%swap3A_254], %swap3A_257 {strides = array<i32>} : memref<80xi32, #tpu.memory_space<vmem>>, vector<16xi32>,
    %shift_right_logical3A_258 = arith.constant 16 : i32
    %shift_right_logical3A_259 = vector.broadcast %shift_right_logical3A_258 : i32 to vector<16xi32>
    %shift_right_logical3A_260 = arith.shrui %get3A_250, %shift_right_logical3A_259 : vector<16xi32>
    %swap3A_261 = arith.constant 32 : index
    %swap3A_262 = tpu.vector_load %arg9[%swap3A_261] {strides = array<i32>} : memref<80xi32, #tpu.memory_space<vmem>>, vector<16xi32>,
    %swap3A_263 = vector.shape_cast %swap3A_262 : vector<16xi32> to vector<16xi32>
    %swap3A_264 = vector.shape_cast %shift_right_logical3A_260 : vector<16xi32> to vector<16xi32>
    tpu.vector_store %arg9[%swap3A_261], %swap3A_264 {strides = array<i32>} : memref<80xi32, #tpu.memory_space<vmem>>, vector<16xi32>,
    %get3A_265 = arith.constant 0 : i32
    %get3A_266 = arith.index_cast %get3A_265 : i32 to index
    %get3A_267 = arith.constant 48 : index
    %get3A_268 = tpu.vector_load %arg5[%get3A_266, %get3A_267] {strides = array<i32>} : memref<125x80xi32, #tpu.memory_space<vmem>>, vector<1x16xi32>,
    %get3A_269 = vector.shape_cast %get3A_268 : vector<1x16xi32> to vector<16xi32>
    %and3A_270 = arith.constant 65535 : i32
    %and3A_271 = vector.broadcast %and3A_270 : i32 to vector<16xi32>
    %and3A_272 = arith.andi %get3A_269, %and3A_271 : vector<16xi32>
    %swap3A_273 = arith.constant 48 : index
    %swap3A_274 = tpu.vector_load %arg6[%swap3A_273] {strides = array<i32>} : memref<80xi32, #tpu.memory_space<vmem>>, vector<16xi32>,
    %swap3A_275 = vector.shape_cast %swap3A_274 : vector<16xi32> to vector<16xi32>
    %swap3A_276 = vector.shape_cast %and3A_272 : vector<16xi32> to vector<16xi32>
    tpu.vector_store %arg6[%swap3A_273], %swap3A_276 {strides = array<i32>} : memref<80xi32, #tpu.memory_space<vmem>>, vector<16xi32>,
    %shift_right_logical3A_277 = arith.constant 16 : i32
    %shift_right_logical3A_278 = vector.broadcast %shift_right_logical3A_277 : i32 to vector<16xi32>
    %shift_right_logical3A_279 = arith.shrui %get3A_269, %shift_right_logical3A_278 : vector<16xi32>
    %swap3A_280 = arith.constant 48 : index
    %swap3A_281 = tpu.vector_load %arg9[%swap3A_280] {strides = array<i32>} : memref<80xi32, #tpu.memory_space<vmem>>, vector<16xi32>,
    %swap3A_282 = vector.shape_cast %swap3A_281 : vector<16xi32> to vector<16xi32>
    %swap3A_283 = vector.shape_cast %shift_right_logical3A_279 : vector<16xi32> to vector<16xi32>
    tpu.vector_store %arg9[%swap3A_280], %swap3A_283 {strides = array<i32>} : memref<80xi32, #tpu.memory_space<vmem>>, vector<16xi32>,
    %get3A_284 = arith.constant 0 : i32
    %get3A_285 = arith.index_cast %get3A_284 : i32 to index
    %get3A_286 = arith.constant 64 : index
    %get3A_287 = tpu.vector_load %arg5[%get3A_285, %get3A_286] {strides = array<i32>} : memref<125x80xi32, #tpu.memory_space<vmem>>, vector<1x16xi32>,
    %get3A_288 = vector.shape_cast %get3A_287 : vector<1x16xi32> to vector<16xi32>
    %and3A_289 = arith.constant 65535 : i32
    %and3A_290 = vector.broadcast %and3A_289 : i32 to vector<16xi32>
    %and3A_291 = arith.andi %get3A_288, %and3A_290 : vector<16xi32>
    %swap3A_292 = arith.constant 64 : index
    %swap3A_293 = tpu.vector_load %arg6[%swap3A_292] {strides = array<i32>} : memref<80xi32, #tpu.memory_space<vmem>>, vector<16xi32>,
    %swap3A_294 = vector.shape_cast %swap3A_293 : vector<16xi32> to vector<16xi32>
    %swap3A_295 = vector.shape_cast %and3A_291 : vector<16xi32> to vector<16xi32>
    tpu.vector_store %arg6[%swap3A_292], %swap3A_295 {strides = array<i32>} : memref<80xi32, #tpu.memory_space<vmem>>, vector<16xi32>,
    %shift_right_logical3A_296 = arith.constant 16 : i32
    %shift_right_logical3A_297 = vector.broadcast %shift_right_logical3A_296 : i32 to vector<16xi32>
    %shift_right_logical3A_298 = arith.shrui %get3A_288, %shift_right_logical3A_297 : vector<16xi32>
    %swap3A_299 = arith.constant 64 : index
    %swap3A_300 = tpu.vector_load %arg9[%swap3A_299] {strides = array<i32>} : memref<80xi32, #tpu.memory_space<vmem>>, vector<16xi32>,
    %swap3A_301 = vector.shape_cast %swap3A_300 : vector<16xi32> to vector<16xi32>
    %swap3A_302 = vector.shape_cast %shift_right_logical3A_298 : vector<16xi32> to vector<16xi32>
    tpu.vector_store %arg9[%swap3A_299], %swap3A_302 {strides = array<i32>} : memref<80xi32, #tpu.memory_space<vmem>>, vector<16xi32>,
    %dma_start3A_303 = arith.constant 0 : i32
    %dma_start3A_304 = arith.constant 0 : i32
    %dma_start3A_305 = tpu.memref_slice %arg2[%dma_start3A_303, %dma_start3A_304] : memref<10000x128xf32, #tpu.memory_space<hbm>> -> memref<10000x128xf32, #tpu.memory_space<hbm>>
    tpu.enqueue_indirect_dma source(%dma_start3A_305 : memref<10000x128xf32, #tpu.memory_space<hbm>>) target(%arg12 : memref<80x128xf32, #tpu.memory_space<vmem>>) offsets(%arg6 : memref<80xi32, #tpu.memory_space<vmem>>) semaphore(%arg15 : memref<!tpu.dma_semaphore, #tpu.memory_space<semaphore_mem>>)
    %get3A_306 = arith.constant 1 : i32
    %get3A_307 = arith.index_cast %get3A_306 : i32 to index
    %get3A_308 = arith.constant 0 : index
    %get3A_309 = tpu.vector_load %arg5[%get3A_307, %get3A_308] {strides = array<i32>} : memref<125x80xi32, #tpu.memory_space<vmem>>, vector<1x16xi32>,
    %get3A_310 = vector.shape_cast %get3A_309 : vector<1x16xi32> to vector<16xi32>
    %and3A_311 = arith.constant 65535 : i32
    %and3A_312 = vector.broadcast %and3A_311 : i32 to vector<16xi32>
    %and3A_313 = arith.andi %get3A_310, %and3A_312 : vector<16xi32>
    %swap3A_314 = arith.constant 0 : index
    %swap3A_315 = tpu.vector_load %arg7[%swap3A_314] {strides = array<i32>} : memref<80xi32, #tpu.memory_space<vmem>>, vector<16xi32>,
    %swap3A_316 = vector.shape_cast %swap3A_315 : vector<16xi32> to vector<16xi32>
    %swap3A_317 = vector.shape_cast %and3A_313 : vector<16xi32> to vector<16xi32>
    tpu.vector_store %arg7[%swap3A_314], %swap3A_317 {strides = array<i32>} : memref<80xi32, #tpu.memory_space<vmem>>, vector<16xi32>,
    %shift_right_logical3A_318 = arith.constant 16 : i32
    %shift_right_logical3A_319 = vector.broadcast %shift_right_logical3A_318 : i32 to vector<16xi32>
    %shift_right_logical3A_320 = arith.shrui %get3A_310, %shift_right_logical3A_319 : vector<16xi32>
    %swap3A_321 = arith.constant 0 : index
    %swap3A_322 = tpu.vector_load %arg10[%swap3A_321] {strides = array<i32>} : memref<80xi32, #tpu.memory_space<vmem>>, vector<16xi32>,
    %swap3A_323 = vector.shape_cast %swap3A_322 : vector<16xi32> to vector<16xi32>
    %swap3A_324 = vector.shape_cast %shift_right_logical3A_320 : vector<16xi32> to vector<16xi32>
    tpu.vector_store %arg10[%swap3A_321], %swap3A_324 {strides = array<i32>} : memref<80xi32, #tpu.memory_space<vmem>>, vector<16xi32>,
    %get3A_325 = arith.constant 1 : i32
    %get3A_326 = arith.index_cast %get3A_325 : i32 to index
    %get3A_327 = arith.constant 16 : index
    %get3A_328 = tpu.vector_load %arg5[%get3A_326, %get3A_327] {strides = array<i32>} : memref<125x80xi32, #tpu.memory_space<vmem>>, vector<1x16xi32>,
    %get3A_329 = vector.shape_cast %get3A_328 : vector<1x16xi32> to vector<16xi32>
    %and3A_330 = arith.constant 65535 : i32
    %and3A_331 = vector.broadcast %and3A_330 : i32 to vector<16xi32>
    %and3A_332 = arith.andi %get3A_329, %and3A_331 : vector<16xi32>
    %swap3A_333 = arith.constant 16 : index
    %swap3A_334 = tpu.vector_load %arg7[%swap3A_333] {strides = array<i32>} : memref<80xi32, #tpu.memory_space<vmem>>, vector<16xi32>,
    %swap3A_335 = vector.shape_cast %swap3A_334 : vector<16xi32> to vector<16xi32>
    %swap3A_336 = vector.shape_cast %and3A_332 : vector<16xi32> to vector<16xi32>
    tpu.vector_store %arg7[%swap3A_333], %swap3A_336 {strides = array<i32>} : memref<80xi32, #tpu.memory_space<vmem>>, vector<16xi32>,
    %shift_right_logical3A_337 = arith.constant 16 : i32
    %shift_right_logical3A_338 = vector.broadcast %shift_right_logical3A_337 : i32 to vector<16xi32>
    %shift_right_logical3A_339 = arith.shrui %get3A_329, %shift_right_logical3A_338 : vector<16xi32>
    %swap3A_340 = arith.constant 16 : index
    %swap3A_341 = tpu.vector_load %arg10[%swap3A_340] {strides = array<i32>} : memref<80xi32, #tpu.memory_space<vmem>>, vector<16xi32>,
    %swap3A_342 = vector.shape_cast %swap3A_341 : vector<16xi32> to vector<16xi32>
    %swap3A_343 = vector.shape_cast %shift_right_logical3A_339 : vector<16xi32> to vector<16xi32>
    tpu.vector_store %arg10[%swap3A_340], %swap3A_343 {strides = array<i32>} : memref<80xi32, #tpu.memory_space<vmem>>, vector<16xi32>,
    %get3A_344 = arith.constant 1 : i32
    %get3A_345 = arith.index_cast %get3A_344 : i32 to index
    %get3A_346 = arith.constant 32 : index
    %get3A_347 = tpu.vector_load %arg5[%get3A_345, %get3A_346] {strides = array<i32>} : memref<125x80xi32, #tpu.memory_space<vmem>>, vector<1x16xi32>,
    %get3A_348 = vector.shape_cast %get3A_347 : vector<1x16xi32> to vector<16xi32>
    %and3A_349 = arith.constant 65535 : i32
    %and3A_350 = vector.broadcast %and3A_349 : i32 to vector<16xi32>
    %and3A_351 = arith.andi %get3A_348, %and3A_350 : vector<16xi32>
    %swap3A_352 = arith.constant 32 : index
    %swap3A_353 = tpu.vector_load %arg7[%swap3A_352] {strides = array<i32>} : memref<80xi32, #tpu.memory_space<vmem>>, vector<16xi32>,
    %swap3A_354 = vector.shape_cast %swap3A_353 : vector<16xi32> to vector<16xi32>
    %swap3A_355 = vector.shape_cast %and3A_351 : vector<16xi32> to vector<16xi32>
    tpu.vector_store %arg7[%swap3A_352], %swap3A_355 {strides = array<i32>} : memref<80xi32, #tpu.memory_space<vmem>>, vector<16xi32>,
    %shift_right_logical3A_356 = arith.constant 16 : i32
    %shift_right_logical3A_357 = vector.broadcast %shift_right_logical3A_356 : i32 to vector<16xi32>
    %shift_right_logical3A_358 = arith.shrui %get3A_348, %shift_right_logical3A_357 : vector<16xi32>
    %swap3A_359 = arith.constant 32 : index
    %swap3A_360 = tpu.vector_load %arg10[%swap3A_359] {strides = array<i32>} : memref<80xi32, #tpu.memory_space<vmem>>, vector<16xi32>,
    %swap3A_361 = vector.shape_cast %swap3A_360 : vector<16xi32> to vector<16xi32>
    %swap3A_362 = vector.shape_cast %shift_right_logical3A_358 : vector<16xi32> to vector<16xi32>
    tpu.vector_store %arg10[%swap3A_359], %swap3A_362 {strides = array<i32>} : memref<80xi32, #tpu.memory_space<vmem>>, vector<16xi32>,
    %get3A_363 = arith.constant 1 : i32
    %get3A_364 = arith.index_cast %get3A_363 : i32 to index
    %get3A_365 = arith.constant 48 : index
    %get3A_366 = tpu.vector_load %arg5[%get3A_364, %get3A_365] {strides = array<i32>} : memref<125x80xi32, #tpu.memory_space<vmem>>, vector<1x16xi32>,
    %get3A_367 = vector.shape_cast %get3A_366 : vector<1x16xi32> to vector<16xi32>
    %and3A_368 = arith.constant 65535 : i32
    %and3A_369 = vector.broadcast %and3A_368 : i32 to vector<16xi32>
    %and3A_370 = arith.andi %get3A_367, %and3A_369 : vector<16xi32>
    %swap3A_371 = arith.constant 48 : index
    %swap3A_372 = tpu.vector_load %arg7[%swap3A_371] {strides = array<i32>} : memref<80xi32, #tpu.memory_space<vmem>>, vector<16xi32>,
    %swap3A_373 = vector.shape_cast %swap3A_372 : vector<16xi32> to vector<16xi32>
    %swap3A_374 = vector.shape_cast %and3A_370 : vector<16xi32> to vector<16xi32>
    tpu.vector_store %arg7[%swap3A_371], %swap3A_374 {strides = array<i32>} : memref<80xi32, #tpu.memory_space<vmem>>, vector<16xi32>,
    %shift_right_logical3A_375 = arith.constant 16 : i32
    %shift_right_logical3A_376 = vector.broadcast %shift_right_logical3A_375 : i32 to vector<16xi32>
    %shift_right_logical3A_377 = arith.shrui %get3A_367, %shift_right_logical3A_376 : vector<16xi32>
    %swap3A_378 = arith.constant 48 : index
    %swap3A_379 = tpu.vector_load %arg10[%swap3A_378] {strides = array<i32>} : memref<80xi32, #tpu.memory_space<vmem>>, vector<16xi32>,
    %swap3A_380 = vector.shape_cast %swap3A_379 : vector<16xi32> to vector<16xi32>
    %swap3A_381 = vector.shape_cast %shift_right_logical3A_377 : vector<16xi32> to vector<16xi32>
    tpu.vector_store %arg10[%swap3A_378], %swap3A_381 {strides = array<i32>} : memref<80xi32, #tpu.memory_space<vmem>>, vector<16xi32>,
    %get3A_382 = arith.constant 1 : i32
    %get3A_383 = arith.index_cast %get3A_382 : i32 to index
    %get3A_384 = arith.constant 64 : index
    %get3A_385 = tpu.vector_load %arg5[%get3A_383, %get3A_384] {strides = array<i32>} : memref<125x80xi32, #tpu.memory_space<vmem>>, vector<1x16xi32>,
    %get3A_386 = vector.shape_cast %get3A_385 : vector<1x16xi32> to vector<16xi32>
    %and3A_387 = arith.constant 65535 : i32
    %and3A_388 = vector.broadcast %and3A_387 : i32 to vector<16xi32>
    %and3A_389 = arith.andi %get3A_386, %and3A_388 : vector<16xi32>
    %swap3A_390 = arith.constant 64 : index
    %swap3A_391 = tpu.vector_load %arg7[%swap3A_390] {strides = array<i32>} : memref<80xi32, #tpu.memory_space<vmem>>, vector<16xi32>,
    %swap3A_392 = vector.shape_cast %swap3A_391 : vector<16xi32> to vector<16xi32>
    %swap3A_393 = vector.shape_cast %and3A_389 : vector<16xi32> to vector<16xi32>
    tpu.vector_store %arg7[%swap3A_390], %swap3A_393 {strides = array<i32>} : memref<80xi32, #tpu.memory_space<vmem>>, vector<16xi32>,
    %shift_right_logical3A_394 = arith.constant 16 : i32
    %shift_right_logical3A_395 = vector.broadcast %shift_right_logical3A_394 : i32 to vector<16xi32>
    %shift_right_logical3A_396 = arith.shrui %get3A_386, %shift_right_logical3A_395 : vector<16xi32>
    %swap3A_397 = arith.constant 64 : index
    %swap3A_398 = tpu.vector_load %arg10[%swap3A_397] {strides = array<i32>} : memref<80xi32, #tpu.memory_space<vmem>>, vector<16xi32>,
    %swap3A_399 = vector.shape_cast %swap3A_398 : vector<16xi32> to vector<16xi32>
    %swap3A_400 = vector.shape_cast %shift_right_logical3A_396 : vector<16xi32> to vector<16xi32>
    tpu.vector_store %arg10[%swap3A_397], %swap3A_400 {strides = array<i32>} : memref<80xi32, #tpu.memory_space<vmem>>, vector<16xi32>,
    %dma_start3A_401 = arith.constant 0 : i32
    %dma_start3A_402 = arith.constant 0 : i32
    %dma_start3A_403 = tpu.memref_slice %arg2[%dma_start3A_401, %dma_start3A_402] : memref<10000x128xf32, #tpu.memory_space<hbm>> -> memref<10000x128xf32, #tpu.memory_space<hbm>>
    tpu.enqueue_indirect_dma source(%dma_start3A_403 : memref<10000x128xf32, #tpu.memory_space<hbm>>) target(%arg13 : memref<80x128xf32, #tpu.memory_space<vmem>>) offsets(%arg7 : memref<80xi32, #tpu.memory_space<vmem>>) semaphore(%arg16 : memref<!tpu.dma_semaphore, #tpu.memory_space<semaphore_mem>>)
    %dma_wait3A_404 = arith.constant 0 : i32
    %dma_wait3A_405 = arith.constant 0 : i32
    %dma_wait3A_406 = tpu.memref_slice %arg2[%dma_wait3A_404, %dma_wait3A_405] : memref<10000x128xf32, #tpu.memory_space<hbm>> -> memref<10000x128xf32, #tpu.memory_space<hbm>>
    tpu.wait_indirect_dma semaphore(%arg15 : memref<!tpu.dma_semaphore, #tpu.memory_space<semaphore_mem>>) src(%dma_wait3A_406 : memref<10000x128xf32, #tpu.memory_space<hbm>>) dst(%arg12 : memref<80x128xf32, #tpu.memory_space<vmem>>)
    %dma_start3A_407 = arith.constant 0 : i32
    %dma_start3A_408 = arith.constant 0 : i32
    %dma_start3A_409 = tpu.memref_slice %arg21[%dma_start3A_407, %dma_start3A_408] : memref<10240x128xf32, #tpu.memory_space<vmem_shared>> -> memref<10240x128xf32, #tpu.memory_space<vmem_shared>>
    tpu.enqueue_indirect_dma source(%arg12 : memref<80x128xf32, #tpu.memory_space<vmem>>) target(%dma_start3A_409 : memref<10240x128xf32, #tpu.memory_space<vmem_shared>>) offsets(%arg9 : memref<80xi32, #tpu.memory_space<vmem>>) semaphore(%arg18 : memref<!tpu.dma_semaphore, #tpu.memory_space<semaphore_mem>>) {add = true}
    %get3A_410 = arith.constant 2 : i32
    %get3A_411 = arith.index_cast %get3A_410 : i32 to index
    %get3A_412 = arith.constant 0 : index
    %get3A_413 = tpu.vector_load %arg5[%get3A_411, %get3A_412] {strides = array<i32>} : memref<125x80xi32, #tpu.memory_space<vmem>>, vector<1x16xi32>,
    %get3A_414 = vector.shape_cast %get3A_413 : vector<1x16xi32> to vector<16xi32>
    %and3A_415 = arith.constant 65535 : i32
    %and3A_416 = vector.broadcast %and3A_415 : i32 to vector<16xi32>
    %and3A_417 = arith.andi %get3A_414, %and3A_416 : vector<16xi32>
    %swap3A_418 = arith.constant 0 : index
    %swap3A_419 = tpu.vector_load %arg8[%swap3A_418] {strides = array<i32>} : memref<80xi32, #tpu.memory_space<vmem>>, vector<16xi32>,
    %swap3A_420 = vector.shape_cast %swap3A_419 : vector<16xi32> to vector<16xi32>
    %swap3A_421 = vector.shape_cast %and3A_417 : vector<16xi32> to vector<16xi32>
    tpu.vector_store %arg8[%swap3A_418], %swap3A_421 {strides = array<i32>} : memref<80xi32, #tpu.memory_space<vmem>>, vector<16xi32>,
    %shift_right_logical3A_422 = arith.constant 16 : i32
    %shift_right_logical3A_423 = vector.broadcast %shift_right_logical3A_422 : i32 to vector<16xi32>
    %shift_right_logical3A_424 = arith.shrui %get3A_414, %shift_right_logical3A_423 : vector<16xi32>
    %swap3A_425 = arith.constant 0 : index
    %swap3A_426 = tpu.vector_load %arg11[%swap3A_425] {strides = array<i32>} : memref<80xi32, #tpu.memory_space<vmem>>, vector<16xi32>,
    %swap3A_427 = vector.shape_cast %swap3A_426 : vector<16xi32> to vector<16xi32>
    %swap3A_428 = vector.shape_cast %shift_right_logical3A_424 : vector<16xi32> to vector<16xi32>
    tpu.vector_store %arg11[%swap3A_425], %swap3A_428 {strides = array<i32>} : memref<80xi32, #tpu.memory_space<vmem>>, vector<16xi32>,
    %get3A_429 = arith.constant 2 : i32
    %get3A_430 = arith.index_cast %get3A_429 : i32 to index
    %get3A_431 = arith.constant 16 : index
    %get3A_432 = tpu.vector_load %arg5[%get3A_430, %get3A_431] {strides = array<i32>} : memref<125x80xi32, #tpu.memory_space<vmem>>, vector<1x16xi32>,
    %get3A_433 = vector.shape_cast %get3A_432 : vector<1x16xi32> to vector<16xi32>
    %and3A_434 = arith.constant 65535 : i32
    %and3A_435 = vector.broadcast %and3A_434 : i32 to vector<16xi32>
    %and3A_436 = arith.andi %get3A_433, %and3A_435 : vector<16xi32>
    %swap3A_437 = arith.constant 16 : index
    %swap3A_438 = tpu.vector_load %arg8[%swap3A_437] {strides = array<i32>} : memref<80xi32, #tpu.memory_space<vmem>>, vector<16xi32>,
    %swap3A_439 = vector.shape_cast %swap3A_438 : vector<16xi32> to vector<16xi32>
    %swap3A_440 = vector.shape_cast %and3A_436 : vector<16xi32> to vector<16xi32>
    tpu.vector_store %arg8[%swap3A_437], %swap3A_440 {strides = array<i32>} : memref<80xi32, #tpu.memory_space<vmem>>, vector<16xi32>,
    %shift_right_logical3A_441 = arith.constant 16 : i32
    %shift_right_logical3A_442 = vector.broadcast %shift_right_logical3A_441 : i32 to vector<16xi32>
    %shift_right_logical3A_443 = arith.shrui %get3A_433, %shift_right_logical3A_442 : vector<16xi32>
    %swap3A_444 = arith.constant 16 : index
    %swap3A_445 = tpu.vector_load %arg11[%swap3A_444] {strides = array<i32>} : memref<80xi32, #tpu.memory_space<vmem>>, vector<16xi32>,
    %swap3A_446 = vector.shape_cast %swap3A_445 : vector<16xi32> to vector<16xi32>
    %swap3A_447 = vector.shape_cast %shift_right_logical3A_443 : vector<16xi32> to vector<16xi32>
    tpu.vector_store %arg11[%swap3A_444], %swap3A_447 {strides = array<i32>} : memref<80xi32, #tpu.memory_space<vmem>>, vector<16xi32>,
    %get3A_448 = arith.constant 2 : i32
    %get3A_449 = arith.index_cast %get3A_448 : i32 to index
    %get3A_450 = arith.constant 32 : index
    %get3A_451 = tpu.vector_load %arg5[%get3A_449, %get3A_450] {strides = array<i32>} : memref<125x80xi32, #tpu.memory_space<vmem>>, vector<1x16xi32>,
    %get3A_452 = vector.shape_cast %get3A_451 : vector<1x16xi32> to vector<16xi32>
    %and3A_453 = arith.constant 65535 : i32
    %and3A_454 = vector.broadcast %and3A_453 : i32 to vector<16xi32>
    %and3A_455 = arith.andi %get3A_452, %and3A_454 : vector<16xi32>
    %swap3A_456 = arith.constant 32 : index
    %swap3A_457 = tpu.vector_load %arg8[%swap3A_456] {strides = array<i32>} : memref<80xi32, #tpu.memory_space<vmem>>, vector<16xi32>,
    %swap3A_458 = vector.shape_cast %swap3A_457 : vector<16xi32> to vector<16xi32>
    %swap3A_459 = vector.shape_cast %and3A_455 : vector<16xi32> to vector<16xi32>
    tpu.vector_store %arg8[%swap3A_456], %swap3A_459 {strides = array<i32>} : memref<80xi32, #tpu.memory_space<vmem>>, vector<16xi32>,
    %shift_right_logical3A_460 = arith.constant 16 : i32
    %shift_right_logical3A_461 = vector.broadcast %shift_right_logical3A_460 : i32 to vector<16xi32>
    %shift_right_logical3A_462 = arith.shrui %get3A_452, %shift_right_logical3A_461 : vector<16xi32>
    %swap3A_463 = arith.constant 32 : index
    %swap3A_464 = tpu.vector_load %arg11[%swap3A_463] {strides = array<i32>} : memref<80xi32, #tpu.memory_space<vmem>>, vector<16xi32>,
    %swap3A_465 = vector.shape_cast %swap3A_464 : vector<16xi32> to vector<16xi32>
    %swap3A_466 = vector.shape_cast %shift_right_logical3A_462 : vector<16xi32> to vector<16xi32>
    tpu.vector_store %arg11[%swap3A_463], %swap3A_466 {strides = array<i32>} : memref<80xi32, #tpu.memory_space<vmem>>, vector<16xi32>,
    %get3A_467 = arith.constant 2 : i32
    %get3A_468 = arith.index_cast %get3A_467 : i32 to index
    %get3A_469 = arith.constant 48 : index
    %get3A_470 = tpu.vector_load %arg5[%get3A_468, %get3A_469] {strides = array<i32>} : memref<125x80xi32, #tpu.memory_space<vmem>>, vector<1x16xi32>,
    %get3A_471 = vector.shape_cast %get3A_470 : vector<1x16xi32> to vector<16xi32>
    %and3A_472 = arith.constant 65535 : i32
    %and3A_473 = vector.broadcast %and3A_472 : i32 to vector<16xi32>
    %and3A_474 = arith.andi %get3A_471, %and3A_473 : vector<16xi32>
    %swap3A_475 = arith.constant 48 : index
    %swap3A_476 = tpu.vector_load %arg8[%swap3A_475] {strides = array<i32>} : memref<80xi32, #tpu.memory_space<vmem>>, vector<16xi32>,
    %swap3A_477 = vector.shape_cast %swap3A_476 : vector<16xi32> to vector<16xi32>
    %swap3A_478 = vector.shape_cast %and3A_474 : vector<16xi32> to vector<16xi32>
    tpu.vector_store %arg8[%swap3A_475], %swap3A_478 {strides = array<i32>} : memref<80xi32, #tpu.memory_space<vmem>>, vector<16xi32>,
    %shift_right_logical3A_479 = arith.constant 16 : i32
    %shift_right_logical3A_480 = vector.broadcast %shift_right_logical3A_479 : i32 to vector<16xi32>
    %shift_right_logical3A_481 = arith.shrui %get3A_471, %shift_right_logical3A_480 : vector<16xi32>
    %swap3A_482 = arith.constant 48 : index
    %swap3A_483 = tpu.vector_load %arg11[%swap3A_482] {strides = array<i32>} : memref<80xi32, #tpu.memory_space<vmem>>, vector<16xi32>,
    %swap3A_484 = vector.shape_cast %swap3A_483 : vector<16xi32> to vector<16xi32>
    %swap3A_485 = vector.shape_cast %shift_right_logical3A_481 : vector<16xi32> to vector<16xi32>
    tpu.vector_store %arg11[%swap3A_482], %swap3A_485 {strides = array<i32>} : memref<80xi32, #tpu.memory_space<vmem>>, vector<16xi32>,
    %get3A_486 = arith.constant 2 : i32
    %get3A_487 = arith.index_cast %get3A_486 : i32 to index
    %get3A_488 = arith.constant 64 : index
    %get3A_489 = tpu.vector_load %arg5[%get3A_487, %get3A_488] {strides = array<i32>} : memref<125x80xi32, #tpu.memory_space<vmem>>, vector<1x16xi32>,
    %get3A_490 = vector.shape_cast %get3A_489 : vector<1x16xi32> to vector<16xi32>
    %and3A_491 = arith.constant 65535 : i32
    %and3A_492 = vector.broadcast %and3A_491 : i32 to vector<16xi32>
    %and3A_493 = arith.andi %get3A_490, %and3A_492 : vector<16xi32>
    %swap3A_494 = arith.constant 64 : index
    %swap3A_495 = tpu.vector_load %arg8[%swap3A_494] {strides = array<i32>} : memref<80xi32, #tpu.memory_space<vmem>>, vector<16xi32>,
    %swap3A_496 = vector.shape_cast %swap3A_495 : vector<16xi32> to vector<16xi32>
    %swap3A_497 = vector.shape_cast %and3A_493 : vector<16xi32> to vector<16xi32>
    tpu.vector_store %arg8[%swap3A_494], %swap3A_497 {strides = array<i32>} : memref<80xi32, #tpu.memory_space<vmem>>, vector<16xi32>,
    %shift_right_logical3A_498 = arith.constant 16 : i32
    %shift_right_logical3A_499 = vector.broadcast %shift_right_logical3A_498 : i32 to vector<16xi32>
    %shift_right_logical3A_500 = arith.shrui %get3A_490, %shift_right_logical3A_499 : vector<16xi32>
    %swap3A_501 = arith.constant 64 : index
    %swap3A_502 = tpu.vector_load %arg11[%swap3A_501] {strides = array<i32>} : memref<80xi32, #tpu.memory_space<vmem>>, vector<16xi32>,
    %swap3A_503 = vector.shape_cast %swap3A_502 : vector<16xi32> to vector<16xi32>
    %swap3A_504 = vector.shape_cast %shift_right_logical3A_500 : vector<16xi32> to vector<16xi32>
    tpu.vector_store %arg11[%swap3A_501], %swap3A_504 {strides = array<i32>} : memref<80xi32, #tpu.memory_space<vmem>>, vector<16xi32>,
    %dma_start3A_505 = arith.constant 0 : i32
    %dma_start3A_506 = arith.constant 0 : i32
    %dma_start3A_507 = tpu.memref_slice %arg2[%dma_start3A_505, %dma_start3A_506] : memref<10000x128xf32, #tpu.memory_space<hbm>> -> memref<10000x128xf32, #tpu.memory_space<hbm>>
    tpu.enqueue_indirect_dma source(%dma_start3A_507 : memref<10000x128xf32, #tpu.memory_space<hbm>>) target(%arg14 : memref<80x128xf32, #tpu.memory_space<vmem>>) offsets(%arg8 : memref<80xi32, #tpu.memory_space<vmem>>) semaphore(%arg17 : memref<!tpu.dma_semaphore, #tpu.memory_space<semaphore_mem>>)
    %dma_wait3A_508 = arith.constant 0 : i32
    %dma_wait3A_509 = arith.constant 0 : i32
    %dma_wait3A_510 = tpu.memref_slice %arg2[%dma_wait3A_508, %dma_wait3A_509] : memref<10000x128xf32, #tpu.memory_space<hbm>> -> memref<10000x128xf32, #tpu.memory_space<hbm>>
    tpu.wait_indirect_dma semaphore(%arg16 : memref<!tpu.dma_semaphore, #tpu.memory_space<semaphore_mem>>) src(%dma_wait3A_510 : memref<10000x128xf32, #tpu.memory_space<hbm>>) dst(%arg13 : memref<80x128xf32, #tpu.memory_space<vmem>>)
    %dma_start3A_511 = arith.constant 0 : i32
    %dma_start3A_512 = arith.constant 0 : i32
    %dma_start3A_513 = tpu.memref_slice %arg21[%dma_start3A_511, %dma_start3A_512] : memref<10240x128xf32, #tpu.memory_space<vmem_shared>> -> memref<10240x128xf32, #tpu.memory_space<vmem_shared>>
    tpu.enqueue_indirect_dma source(%arg13 : memref<80x128xf32, #tpu.memory_space<vmem>>) target(%dma_start3A_513 : memref<10240x128xf32, #tpu.memory_space<vmem_shared>>) offsets(%arg10 : memref<80xi32, #tpu.memory_space<vmem>>) semaphore(%arg19 : memref<!tpu.dma_semaphore, #tpu.memory_space<semaphore_mem>>) {add = true}
    %scan3A_514 = arith.constant 0 : i32
    %scan3A_515 = arith.constant 0 : i32
    %scan3A_516 = arith.constant 40 : i32
    %scan3A_517 = arith.addi %scan3A_515, %scan3A_516 : i32
    %scan3A_518 = arith.constant 1 : i32
    scf.for %scan3A_1166 = %scan3A_515 to %scan3A_517 step %scan3A_518  : i32 {
      %mul3A_1167 = arith.constant 3 : i32
      %mul3A_1168 = arith.muli %mul3A_1167, %scan3A_1166 : i32
      %add3A_1169 = arith.constant 2 : i32
      %add3A_1170 = arith.addi %add3A_1169, %mul3A_1168 : i32
      %add3A_1171 = arith.constant 0 : i32
      %add3A_1172 = arith.addi %add3A_1170, %add3A_1171 : i32
      %dma_wait3A_1173 = arith.constant 0 : i32
      %dma_wait3A_1174 = arith.constant 0 : i32
      %dma_wait3A_1175 = tpu.memref_slice %arg21[%dma_wait3A_1173, %dma_wait3A_1174] : memref<10240x128xf32, #tpu.memory_space<vmem_shared>> -> memref<10240x128xf32, #tpu.memory_space<vmem_shared>>
      tpu.wait_indirect_dma semaphore(%arg18 : memref<!tpu.dma_semaphore, #tpu.memory_space<semaphore_mem>>) src(%arg12 : memref<80x128xf32, #tpu.memory_space<vmem>>) dst(%dma_wait3A_1175 : memref<10240x128xf32, #tpu.memory_space<vmem_shared>>)
      %add3A_1176 = arith.constant 1 : i32
      %add3A_1177 = arith.addi %add3A_1172, %add3A_1176 : i32
      %get3A_1178 = arith.index_cast %add3A_1177 : i32 to index
      %get3A_1179 = arith.constant 0 : index
      %get3A_1180 = tpu.vector_load %arg5[%get3A_1178, %get3A_1179] {strides = array<i32>} : memref<125x80xi32, #tpu.memory_space<vmem>>, vector<1x16xi32>,
      %get3A_1181 = vector.shape_cast %get3A_1180 : vector<1x16xi32> to vector<16xi32>
      %and3A_1182 = arith.constant 65535 : i32
      %and3A_1183 = vector.broadcast %and3A_1182 : i32 to vector<16xi32>
      %and3A_1184 = arith.andi %get3A_1181, %and3A_1183 : vector<16xi32>
      %swap3A_1185 = arith.constant 0 : index
      %swap3A_1186 = tpu.vector_load %arg6[%swap3A_1185] {strides = array<i32>} : memref<80xi32, #tpu.memory_space<vmem>>, vector<16xi32>,
      %swap3A_1187 = vector.shape_cast %swap3A_1186 : vector<16xi32> to vector<16xi32>
      %swap3A_1188 = vector.shape_cast %and3A_1184 : vector<16xi32> to vector<16xi32>
      tpu.vector_store %arg6[%swap3A_1185], %swap3A_1188 {strides = array<i32>} : memref<80xi32, #tpu.memory_space<vmem>>, vector<16xi32>,
      %shift_right_logical3A_1189 = arith.constant 16 : i32
      %shift_right_logical3A_1190 = vector.broadcast %shift_right_logical3A_1189 : i32 to vector<16xi32>
      %shift_right_logical3A_1191 = arith.shrui %get3A_1181, %shift_right_logical3A_1190 : vector<16xi32>
      %swap3A_1192 = arith.constant 0 : index
      %swap3A_1193 = tpu.vector_load %arg9[%swap3A_1192] {strides = array<i32>} : memref<80xi32, #tpu.memory_space<vmem>>, vector<16xi32>,
      %swap3A_1194 = vector.shape_cast %swap3A_1193 : vector<16xi32> to vector<16xi32>
      %swap3A_1195 = vector.shape_cast %shift_right_logical3A_1191 : vector<16xi32> to vector<16xi32>
      tpu.vector_store %arg9[%swap3A_1192], %swap3A_1195 {strides = array<i32>} : memref<80xi32, #tpu.memory_space<vmem>>, vector<16xi32>,
      %get3A_1196 = arith.index_cast %add3A_1177 : i32 to index
      %get3A_1197 = arith.constant 16 : index
      %get3A_1198 = tpu.vector_load %arg5[%get3A_1196, %get3A_1197] {strides = array<i32>} : memref<125x80xi32, #tpu.memory_space<vmem>>, vector<1x16xi32>,
      %get3A_1199 = vector.shape_cast %get3A_1198 : vector<1x16xi32> to vector<16xi32>
      %and3A_1200 = arith.constant 65535 : i32
      %and3A_1201 = vector.broadcast %and3A_1200 : i32 to vector<16xi32>
      %and3A_1202 = arith.andi %get3A_1199, %and3A_1201 : vector<16xi32>
      %swap3A_1203 = arith.constant 16 : index
      %swap3A_1204 = tpu.vector_load %arg6[%swap3A_1203] {strides = array<i32>} : memref<80xi32, #tpu.memory_space<vmem>>, vector<16xi32>,
      %swap3A_1205 = vector.shape_cast %swap3A_1204 : vector<16xi32> to vector<16xi32>
      %swap3A_1206 = vector.shape_cast %and3A_1202 : vector<16xi32> to vector<16xi32>
      tpu.vector_store %arg6[%swap3A_1203], %swap3A_1206 {strides = array<i32>} : memref<80xi32, #tpu.memory_space<vmem>>, vector<16xi32>,
      %shift_right_logical3A_1207 = arith.constant 16 : i32
      %shift_right_logical3A_1208 = vector.broadcast %shift_right_logical3A_1207 : i32 to vector<16xi32>
      %shift_right_logical3A_1209 = arith.shrui %get3A_1199, %shift_right_logical3A_1208 : vector<16xi32>
      %swap3A_1210 = arith.constant 16 : index
      %swap3A_1211 = tpu.vector_load %arg9[%swap3A_1210] {strides = array<i32>} : memref<80xi32, #tpu.memory_space<vmem>>, vector<16xi32>,
      %swap3A_1212 = vector.shape_cast %swap3A_1211 : vector<16xi32> to vector<16xi32>
      %swap3A_1213 = vector.shape_cast %shift_right_logical3A_1209 : vector<16xi32> to vector<16xi32>
      tpu.vector_store %arg9[%swap3A_1210], %swap3A_1213 {strides = array<i32>} : memref<80xi32, #tpu.memory_space<vmem>>, vector<16xi32>,
      %get3A_1214 = arith.index_cast %add3A_1177 : i32 to index
      %get3A_1215 = arith.constant 32 : index
      %get3A_1216 = tpu.vector_load %arg5[%get3A_1214, %get3A_1215] {strides = array<i32>} : memref<125x80xi32, #tpu.memory_space<vmem>>, vector<1x16xi32>,
      %get3A_1217 = vector.shape_cast %get3A_1216 : vector<1x16xi32> to vector<16xi32>
      %and3A_1218 = arith.constant 65535 : i32
      %and3A_1219 = vector.broadcast %and3A_1218 : i32 to vector<16xi32>
      %and3A_1220 = arith.andi %get3A_1217, %and3A_1219 : vector<16xi32>
      %swap3A_1221 = arith.constant 32 : index
      %swap3A_1222 = tpu.vector_load %arg6[%swap3A_1221] {strides = array<i32>} : memref<80xi32, #tpu.memory_space<vmem>>, vector<16xi32>,
      %swap3A_1223 = vector.shape_cast %swap3A_1222 : vector<16xi32> to vector<16xi32>
      %swap3A_1224 = vector.shape_cast %and3A_1220 : vector<16xi32> to vector<16xi32>
      tpu.vector_store %arg6[%swap3A_1221], %swap3A_1224 {strides = array<i32>} : memref<80xi32, #tpu.memory_space<vmem>>, vector<16xi32>,
      %shift_right_logical3A_1225 = arith.constant 16 : i32
      %shift_right_logical3A_1226 = vector.broadcast %shift_right_logical3A_1225 : i32 to vector<16xi32>
      %shift_right_logical3A_1227 = arith.shrui %get3A_1217, %shift_right_logical3A_1226 : vector<16xi32>
      %swap3A_1228 = arith.constant 32 : index
      %swap3A_1229 = tpu.vector_load %arg9[%swap3A_1228] {strides = array<i32>} : memref<80xi32, #tpu.memory_space<vmem>>, vector<16xi32>,
      %swap3A_1230 = vector.shape_cast %swap3A_1229 : vector<16xi32> to vector<16xi32>
      %swap3A_1231 = vector.shape_cast %shift_right_logical3A_1227 : vector<16xi32> to vector<16xi32>
      tpu.vector_store %arg9[%swap3A_1228], %swap3A_1231 {strides = array<i32>} : memref<80xi32, #tpu.memory_space<vmem>>, vector<16xi32>,
      %get3A_1232 = arith.index_cast %add3A_1177 : i32 to index
      %get3A_1233 = arith.constant 48 : index
      %get3A_1234 = tpu.vector_load %arg5[%get3A_1232, %get3A_1233] {strides = array<i32>} : memref<125x80xi32, #tpu.memory_space<vmem>>, vector<1x16xi32>,
      %get3A_1235 = vector.shape_cast %get3A_1234 : vector<1x16xi32> to vector<16xi32>
      %and3A_1236 = arith.constant 65535 : i32
      %and3A_1237 = vector.broadcast %and3A_1236 : i32 to vector<16xi32>
      %and3A_1238 = arith.andi %get3A_1235, %and3A_1237 : vector<16xi32>
      %swap3A_1239 = arith.constant 48 : index
      %swap3A_1240 = tpu.vector_load %arg6[%swap3A_1239] {strides = array<i32>} : memref<80xi32, #tpu.memory_space<vmem>>, vector<16xi32>,
      %swap3A_1241 = vector.shape_cast %swap3A_1240 : vector<16xi32> to vector<16xi32>
      %swap3A_1242 = vector.shape_cast %and3A_1238 : vector<16xi32> to vector<16xi32>
      tpu.vector_store %arg6[%swap3A_1239], %swap3A_1242 {strides = array<i32>} : memref<80xi32, #tpu.memory_space<vmem>>, vector<16xi32>,
      %shift_right_logical3A_1243 = arith.constant 16 : i32
      %shift_right_logical3A_1244 = vector.broadcast %shift_right_logical3A_1243 : i32 to vector<16xi32>
      %shift_right_logical3A_1245 = arith.shrui %get3A_1235, %shift_right_logical3A_1244 : vector<16xi32>
      %swap3A_1246 = arith.constant 48 : index
      %swap3A_1247 = tpu.vector_load %arg9[%swap3A_1246] {strides = array<i32>} : memref<80xi32, #tpu.memory_space<vmem>>, vector<16xi32>,
      %swap3A_1248 = vector.shape_cast %swap3A_1247 : vector<16xi32> to vector<16xi32>
      %swap3A_1249 = vector.shape_cast %shift_right_logical3A_1245 : vector<16xi32> to vector<16xi32>
      tpu.vector_store %arg9[%swap3A_1246], %swap3A_1249 {strides = array<i32>} : memref<80xi32, #tpu.memory_space<vmem>>, vector<16xi32>,
      %get3A_1250 = arith.index_cast %add3A_1177 : i32 to index
      %get3A_1251 = arith.constant 64 : index
      %get3A_1252 = tpu.vector_load %arg5[%get3A_1250, %get3A_1251] {strides = array<i32>} : memref<125x80xi32, #tpu.memory_space<vmem>>, vector<1x16xi32>,
      %get3A_1253 = vector.shape_cast %get3A_1252 : vector<1x16xi32> to vector<16xi32>
      %and3A_1254 = arith.constant 65535 : i32
      %and3A_1255 = vector.broadcast %and3A_1254 : i32 to vector<16xi32>
      %and3A_1256 = arith.andi %get3A_1253, %and3A_1255 : vector<16xi32>
      %swap3A_1257 = arith.constant 64 : index
      %swap3A_1258 = tpu.vector_load %arg6[%swap3A_1257] {strides = array<i32>} : memref<80xi32, #tpu.memory_space<vmem>>, vector<16xi32>,
      %swap3A_1259 = vector.shape_cast %swap3A_1258 : vector<16xi32> to vector<16xi32>
      %swap3A_1260 = vector.shape_cast %and3A_1256 : vector<16xi32> to vector<16xi32>
      tpu.vector_store %arg6[%swap3A_1257], %swap3A_1260 {strides = array<i32>} : memref<80xi32, #tpu.memory_space<vmem>>, vector<16xi32>,
      %shift_right_logical3A_1261 = arith.constant 16 : i32
      %shift_right_logical3A_1262 = vector.broadcast %shift_right_logical3A_1261 : i32 to vector<16xi32>
      %shift_right_logical3A_1263 = arith.shrui %get3A_1253, %shift_right_logical3A_1262 : vector<16xi32>
      %swap3A_1264 = arith.constant 64 : index
      %swap3A_1265 = tpu.vector_load %arg9[%swap3A_1264] {strides = array<i32>} : memref<80xi32, #tpu.memory_space<vmem>>, vector<16xi32>,
      %swap3A_1266 = vector.shape_cast %swap3A_1265 : vector<16xi32> to vector<16xi32>
      %swap3A_1267 = vector.shape_cast %shift_right_logical3A_1263 : vector<16xi32> to vector<16xi32>
      tpu.vector_store %arg9[%swap3A_1264], %swap3A_1267 {strides = array<i32>} : memref<80xi32, #tpu.memory_space<vmem>>, vector<16xi32>,
      %dma_start3A_1268 = arith.constant 0 : i32
      %dma_start3A_1269 = arith.constant 0 : i32
      %dma_start3A_1270 = tpu.memref_slice %arg2[%dma_start3A_1268, %dma_start3A_1269] : memref<10000x128xf32, #tpu.memory_space<hbm>> -> memref<10000x128xf32, #tpu.memory_space<hbm>>
      tpu.enqueue_indirect_dma source(%dma_start3A_1270 : memref<10000x128xf32, #tpu.memory_space<hbm>>) target(%arg12 : memref<80x128xf32, #tpu.memory_space<vmem>>) offsets(%arg6 : memref<80xi32, #tpu.memory_space<vmem>>) semaphore(%arg15 : memref<!tpu.dma_semaphore, #tpu.memory_space<semaphore_mem>>)
      %dma_wait3A_1271 = arith.constant 0 : i32
      %dma_wait3A_1272 = arith.constant 0 : i32
      %dma_wait3A_1273 = tpu.memref_slice %arg2[%dma_wait3A_1271, %dma_wait3A_1272] : memref<10000x128xf32, #tpu.memory_space<hbm>> -> memref<10000x128xf32, #tpu.memory_space<hbm>>
      tpu.wait_indirect_dma semaphore(%arg17 : memref<!tpu.dma_semaphore, #tpu.memory_space<semaphore_mem>>) src(%dma_wait3A_1273 : memref<10000x128xf32, #tpu.memory_space<hbm>>) dst(%arg14 : memref<80x128xf32, #tpu.memory_space<vmem>>)
      %dma_start3A_1274 = arith.constant 0 : i32
      %dma_start3A_1275 = arith.constant 0 : i32
      %dma_start3A_1276 = tpu.memref_slice %arg21[%dma_start3A_1274, %dma_start3A_1275] : memref<10240x128xf32, #tpu.memory_space<vmem_shared>> -> memref<10240x128xf32, #tpu.memory_space<vmem_shared>>
      tpu.enqueue_indirect_dma source(%arg14 : memref<80x128xf32, #tpu.memory_space<vmem>>) target(%dma_start3A_1276 : memref<10240x128xf32, #tpu.memory_space<vmem_shared>>) offsets(%arg11 : memref<80xi32, #tpu.memory_space<vmem>>) semaphore(%arg20 : memref<!tpu.dma_semaphore, #tpu.memory_space<semaphore_mem>>) {add = true}
      %mul3A_1277 = arith.constant 3 : i32
      %mul3A_1278 = arith.muli %mul3A_1277, %scan3A_1166 : i32
      %add3A_1279 = arith.constant 2 : i32
      %add3A_1280 = arith.addi %add3A_1279, %mul3A_1278 : i32
      %add3A_1281 = arith.constant 1 : i32
      %add3A_1282 = arith.addi %add3A_1280, %add3A_1281 : i32
      %dma_wait3A_1283 = arith.constant 0 : i32
      %dma_wait3A_1284 = arith.constant 0 : i32
      %dma_wait3A_1285 = tpu.memref_slice %arg21[%dma_wait3A_1283, %dma_wait3A_1284] : memref<10240x128xf32, #tpu.memory_space<vmem_shared>> -> memref<10240x128xf32, #tpu.memory_space<vmem_shared>>
      tpu.wait_indirect_dma semaphore(%arg19 : memref<!tpu.dma_semaphore, #tpu.memory_space<semaphore_mem>>) src(%arg13 : memref<80x128xf32, #tpu.memory_space<vmem>>) dst(%dma_wait3A_1285 : memref<10240x128xf32, #tpu.memory_space<vmem_shared>>)
      %add3A_1286 = arith.constant 1 : i32
      %add3A_1287 = arith.addi %add3A_1282, %add3A_1286 : i32
      %get3A_1288 = arith.index_cast %add3A_1287 : i32 to index
      %get3A_1289 = arith.constant 0 : index
      %get3A_1290 = tpu.vector_load %arg5[%get3A_1288, %get3A_1289] {strides = array<i32>} : memref<125x80xi32, #tpu.memory_space<vmem>>, vector<1x16xi32>,
      %get3A_1291 = vector.shape_cast %get3A_1290 : vector<1x16xi32> to vector<16xi32>
      %and3A_1292 = arith.constant 65535 : i32
      %and3A_1293 = vector.broadcast %and3A_1292 : i32 to vector<16xi32>
      %and3A_1294 = arith.andi %get3A_1291, %and3A_1293 : vector<16xi32>
      %swap3A_1295 = arith.constant 0 : index
      %swap3A_1296 = tpu.vector_load %arg7[%swap3A_1295] {strides = array<i32>} : memref<80xi32, #tpu.memory_space<vmem>>, vector<16xi32>,
      %swap3A_1297 = vector.shape_cast %swap3A_1296 : vector<16xi32> to vector<16xi32>
      %swap3A_1298 = vector.shape_cast %and3A_1294 : vector<16xi32> to vector<16xi32>
      tpu.vector_store %arg7[%swap3A_1295], %swap3A_1298 {strides = array<i32>} : memref<80xi32, #tpu.memory_space<vmem>>, vector<16xi32>,
      %shift_right_logical3A_1299 = arith.constant 16 : i32
      %shift_right_logical3A_1300 = vector.broadcast %shift_right_logical3A_1299 : i32 to vector<16xi32>
      %shift_right_logical3A_1301 = arith.shrui %get3A_1291, %shift_right_logical3A_1300 : vector<16xi32>
      %swap3A_1302 = arith.constant 0 : index
      %swap3A_1303 = tpu.vector_load %arg10[%swap3A_1302] {strides = array<i32>} : memref<80xi32, #tpu.memory_space<vmem>>, vector<16xi32>,
      %swap3A_1304 = vector.shape_cast %swap3A_1303 : vector<16xi32> to vector<16xi32>
      %swap3A_1305 = vector.shape_cast %shift_right_logical3A_1301 : vector<16xi32> to vector<16xi32>
      tpu.vector_store %arg10[%swap3A_1302], %swap3A_1305 {strides = array<i32>} : memref<80xi32, #tpu.memory_space<vmem>>, vector<16xi32>,
      %get3A_1306 = arith.index_cast %add3A_1287 : i32 to index
      %get3A_1307 = arith.constant 16 : index
      %get3A_1308 = tpu.vector_load %arg5[%get3A_1306, %get3A_1307] {strides = array<i32>} : memref<125x80xi32, #tpu.memory_space<vmem>>, vector<1x16xi32>,
      %get3A_1309 = vector.shape_cast %get3A_1308 : vector<1x16xi32> to vector<16xi32>
      %and3A_1310 = arith.constant 65535 : i32
      %and3A_1311 = vector.broadcast %and3A_1310 : i32 to vector<16xi32>
      %and3A_1312 = arith.andi %get3A_1309, %and3A_1311 : vector<16xi32>
      %swap3A_1313 = arith.constant 16 : index
      %swap3A_1314 = tpu.vector_load %arg7[%swap3A_1313] {strides = array<i32>} : memref<80xi32, #tpu.memory_space<vmem>>, vector<16xi32>,
      %swap3A_1315 = vector.shape_cast %swap3A_1314 : vector<16xi32> to vector<16xi32>
      %swap3A_1316 = vector.shape_cast %and3A_1312 : vector<16xi32> to vector<16xi32>
      tpu.vector_store %arg7[%swap3A_1313], %swap3A_1316 {strides = array<i32>} : memref<80xi32, #tpu.memory_space<vmem>>, vector<16xi32>,
      %shift_right_logical3A_1317 = arith.constant 16 : i32
      %shift_right_logical3A_1318 = vector.broadcast %shift_right_logical3A_1317 : i32 to vector<16xi32>
      %shift_right_logical3A_1319 = arith.shrui %get3A_1309, %shift_right_logical3A_1318 : vector<16xi32>
      %swap3A_1320 = arith.constant 16 : index
      %swap3A_1321 = tpu.vector_load %arg10[%swap3A_1320] {strides = array<i32>} : memref<80xi32, #tpu.memory_space<vmem>>, vector<16xi32>,
      %swap3A_1322 = vector.shape_cast %swap3A_1321 : vector<16xi32> to vector<16xi32>
      %swap3A_1323 = vector.shape_cast %shift_right_logical3A_1319 : vector<16xi32> to vector<16xi32>
      tpu.vector_store %arg10[%swap3A_1320], %swap3A_1323 {strides = array<i32>} : memref<80xi32, #tpu.memory_space<vmem>>, vector<16xi32>,
      %get3A_1324 = arith.index_cast %add3A_1287 : i32 to index
      %get3A_1325 = arith.constant 32 : index
      %get3A_1326 = tpu.vector_load %arg5[%get3A_1324, %get3A_1325] {strides = array<i32>} : memref<125x80xi32, #tpu.memory_space<vmem>>, vector<1x16xi32>,
      %get3A_1327 = vector.shape_cast %get3A_1326 : vector<1x16xi32> to vector<16xi32>
      %and3A_1328 = arith.constant 65535 : i32
      %and3A_1329 = vector.broadcast %and3A_1328 : i32 to vector<16xi32>
      %and3A_1330 = arith.andi %get3A_1327, %and3A_1329 : vector<16xi32>
      %swap3A_1331 = arith.constant 32 : index
      %swap3A_1332 = tpu.vector_load %arg7[%swap3A_1331] {strides = array<i32>} : memref<80xi32, #tpu.memory_space<vmem>>, vector<16xi32>,
      %swap3A_1333 = vector.shape_cast %swap3A_1332 : vector<16xi32> to vector<16xi32>
      %swap3A_1334 = vector.shape_cast %and3A_1330 : vector<16xi32> to vector<16xi32>
      tpu.vector_store %arg7[%swap3A_1331], %swap3A_1334 {strides = array<i32>} : memref<80xi32, #tpu.memory_space<vmem>>, vector<16xi32>,
      %shift_right_logical3A_1335 = arith.constant 16 : i32
      %shift_right_logical3A_1336 = vector.broadcast %shift_right_logical3A_1335 : i32 to vector<16xi32>
      %shift_right_logical3A_1337 = arith.shrui %get3A_1327, %shift_right_logical3A_1336 : vector<16xi32>
      %swap3A_1338 = arith.constant 32 : index
      %swap3A_1339 = tpu.vector_load %arg10[%swap3A_1338] {strides = array<i32>} : memref<80xi32, #tpu.memory_space<vmem>>, vector<16xi32>,
      %swap3A_1340 = vector.shape_cast %swap3A_1339 : vector<16xi32> to vector<16xi32>
      %swap3A_1341 = vector.shape_cast %shift_right_logical3A_1337 : vector<16xi32> to vector<16xi32>
      tpu.vector_store %arg10[%swap3A_1338], %swap3A_1341 {strides = array<i32>} : memref<80xi32, #tpu.memory_space<vmem>>, vector<16xi32>,
      %get3A_1342 = arith.index_cast %add3A_1287 : i32 to index
      %get3A_1343 = arith.constant 48 : index
      %get3A_1344 = tpu.vector_load %arg5[%get3A_1342, %get3A_1343] {strides = array<i32>} : memref<125x80xi32, #tpu.memory_space<vmem>>, vector<1x16xi32>,
      %get3A_1345 = vector.shape_cast %get3A_1344 : vector<1x16xi32> to vector<16xi32>
      %and3A_1346 = arith.constant 65535 : i32
      %and3A_1347 = vector.broadcast %and3A_1346 : i32 to vector<16xi32>
      %and3A_1348 = arith.andi %get3A_1345, %and3A_1347 : vector<16xi32>
      %swap3A_1349 = arith.constant 48 : index
      %swap3A_1350 = tpu.vector_load %arg7[%swap3A_1349] {strides = array<i32>} : memref<80xi32, #tpu.memory_space<vmem>>, vector<16xi32>,
      %swap3A_1351 = vector.shape_cast %swap3A_1350 : vector<16xi32> to vector<16xi32>
      %swap3A_1352 = vector.shape_cast %and3A_1348 : vector<16xi32> to vector<16xi32>
      tpu.vector_store %arg7[%swap3A_1349], %swap3A_1352 {strides = array<i32>} : memref<80xi32, #tpu.memory_space<vmem>>, vector<16xi32>,
      %shift_right_logical3A_1353 = arith.constant 16 : i32
      %shift_right_logical3A_1354 = vector.broadcast %shift_right_logical3A_1353 : i32 to vector<16xi32>
      %shift_right_logical3A_1355 = arith.shrui %get3A_1345, %shift_right_logical3A_1354 : vector<16xi32>
      %swap3A_1356 = arith.constant 48 : index
      %swap3A_1357 = tpu.vector_load %arg10[%swap3A_1356] {strides = array<i32>} : memref<80xi32, #tpu.memory_space<vmem>>, vector<16xi32>,
      %swap3A_1358 = vector.shape_cast %swap3A_1357 : vector<16xi32> to vector<16xi32>
      %swap3A_1359 = vector.shape_cast %shift_right_logical3A_1355 : vector<16xi32> to vector<16xi32>
      tpu.vector_store %arg10[%swap3A_1356], %swap3A_1359 {strides = array<i32>} : memref<80xi32, #tpu.memory_space<vmem>>, vector<16xi32>,
      %get3A_1360 = arith.index_cast %add3A_1287 : i32 to index
      %get3A_1361 = arith.constant 64 : index
      %get3A_1362 = tpu.vector_load %arg5[%get3A_1360, %get3A_1361] {strides = array<i32>} : memref<125x80xi32, #tpu.memory_space<vmem>>, vector<1x16xi32>,
      %get3A_1363 = vector.shape_cast %get3A_1362 : vector<1x16xi32> to vector<16xi32>
      %and3A_1364 = arith.constant 65535 : i32
      %and3A_1365 = vector.broadcast %and3A_1364 : i32 to vector<16xi32>
      %and3A_1366 = arith.andi %get3A_1363, %and3A_1365 : vector<16xi32>
      %swap3A_1367 = arith.constant 64 : index
      %swap3A_1368 = tpu.vector_load %arg7[%swap3A_1367] {strides = array<i32>} : memref<80xi32, #tpu.memory_space<vmem>>, vector<16xi32>,
      %swap3A_1369 = vector.shape_cast %swap3A_1368 : vector<16xi32> to vector<16xi32>
      %swap3A_1370 = vector.shape_cast %and3A_1366 : vector<16xi32> to vector<16xi32>
      tpu.vector_store %arg7[%swap3A_1367], %swap3A_1370 {strides = array<i32>} : memref<80xi32, #tpu.memory_space<vmem>>, vector<16xi32>,
      %shift_right_logical3A_1371 = arith.constant 16 : i32
      %shift_right_logical3A_1372 = vector.broadcast %shift_right_logical3A_1371 : i32 to vector<16xi32>
      %shift_right_logical3A_1373 = arith.shrui %get3A_1363, %shift_right_logical3A_1372 : vector<16xi32>
      %swap3A_1374 = arith.constant 64 : index
      %swap3A_1375 = tpu.vector_load %arg10[%swap3A_1374] {strides = array<i32>} : memref<80xi32, #tpu.memory_space<vmem>>, vector<16xi32>,
      %swap3A_1376 = vector.shape_cast %swap3A_1375 : vector<16xi32> to vector<16xi32>
      %swap3A_1377 = vector.shape_cast %shift_right_logical3A_1373 : vector<16xi32> to vector<16xi32>
      tpu.vector_store %arg10[%swap3A_1374], %swap3A_1377 {strides = array<i32>} : memref<80xi32, #tpu.memory_space<vmem>>, vector<16xi32>,
      %dma_start3A_1378 = arith.constant 0 : i32
      %dma_start3A_1379 = arith.constant 0 : i32
      %dma_start3A_1380 = tpu.memref_slice %arg2[%dma_start3A_1378, %dma_start3A_1379] : memref<10000x128xf32, #tpu.memory_space<hbm>> -> memref<10000x128xf32, #tpu.memory_space<hbm>>
      tpu.enqueue_indirect_dma source(%dma_start3A_1380 : memref<10000x128xf32, #tpu.memory_space<hbm>>) target(%arg13 : memref<80x128xf32, #tpu.memory_space<vmem>>) offsets(%arg7 : memref<80xi32, #tpu.memory_space<vmem>>) semaphore(%arg16 : memref<!tpu.dma_semaphore, #tpu.memory_space<semaphore_mem>>)
      %dma_wait3A_1381 = arith.constant 0 : i32
      %dma_wait3A_1382 = arith.constant 0 : i32
      %dma_wait3A_1383 = tpu.memref_slice %arg2[%dma_wait3A_1381, %dma_wait3A_1382] : memref<10000x128xf32, #tpu.memory_space<hbm>> -> memref<10000x128xf32, #tpu.memory_space<hbm>>
      tpu.wait_indirect_dma semaphore(%arg15 : memref<!tpu.dma_semaphore, #tpu.memory_space<semaphore_mem>>) src(%dma_wait3A_1383 : memref<10000x128xf32, #tpu.memory_space<hbm>>) dst(%arg12 : memref<80x128xf32, #tpu.memory_space<vmem>>)
      %dma_start3A_1384 = arith.constant 0 : i32
      %dma_start3A_1385 = arith.constant 0 : i32
      %dma_start3A_1386 = tpu.memref_slice %arg21[%dma_start3A_1384, %dma_start3A_1385] : memref<10240x128xf32, #tpu.memory_space<vmem_shared>> -> memref<10240x128xf32, #tpu.memory_space<vmem_shared>>
      tpu.enqueue_indirect_dma source(%arg12 : memref<80x128xf32, #tpu.memory_space<vmem>>) target(%dma_start3A_1386 : memref<10240x128xf32, #tpu.memory_space<vmem_shared>>) offsets(%arg9 : memref<80xi32, #tpu.memory_space<vmem>>) semaphore(%arg18 : memref<!tpu.dma_semaphore, #tpu.memory_space<semaphore_mem>>) {add = true}
      %mul3A_1387 = arith.constant 3 : i32
      %mul3A_1388 = arith.muli %mul3A_1387, %scan3A_1166 : i32
      %add3A_1389 = arith.constant 2 : i32
      %add3A_1390 = arith.addi %add3A_1389, %mul3A_1388 : i32
      %add3A_1391 = arith.constant 2 : i32
      %add3A_1392 = arith.addi %add3A_1390, %add3A_1391 : i32
      %dma_wait3A_1393 = arith.constant 0 : i32
      %dma_wait3A_1394 = arith.constant 0 : i32
      %dma_wait3A_1395 = tpu.memref_slice %arg21[%dma_wait3A_1393, %dma_wait3A_1394] : memref<10240x128xf32, #tpu.memory_space<vmem_shared>> -> memref<10240x128xf32, #tpu.memory_space<vmem_shared>>
      tpu.wait_indirect_dma semaphore(%arg20 : memref<!tpu.dma_semaphore, #tpu.memory_space<semaphore_mem>>) src(%arg14 : memref<80x128xf32, #tpu.memory_space<vmem>>) dst(%dma_wait3A_1395 : memref<10240x128xf32, #tpu.memory_space<vmem_shared>>)
      %add3A_1396 = arith.constant 1 : i32
      %add3A_1397 = arith.addi %add3A_1392, %add3A_1396 : i32
      %get3A_1398 = arith.index_cast %add3A_1397 : i32 to index
      %get3A_1399 = arith.constant 0 : index
      %get3A_1400 = tpu.vector_load %arg5[%get3A_1398, %get3A_1399] {strides = array<i32>} : memref<125x80xi32, #tpu.memory_space<vmem>>, vector<1x16xi32>,
      %get3A_1401 = vector.shape_cast %get3A_1400 : vector<1x16xi32> to vector<16xi32>
      %and3A_1402 = arith.constant 65535 : i32
      %and3A_1403 = vector.broadcast %and3A_1402 : i32 to vector<16xi32>
      %and3A_1404 = arith.andi %get3A_1401, %and3A_1403 : vector<16xi32>
      %swap3A_1405 = arith.constant 0 : index
      %swap3A_1406 = tpu.vector_load %arg8[%swap3A_1405] {strides = array<i32>} : memref<80xi32, #tpu.memory_space<vmem>>, vector<16xi32>,
      %swap3A_1407 = vector.shape_cast %swap3A_1406 : vector<16xi32> to vector<16xi32>
      %swap3A_1408 = vector.shape_cast %and3A_1404 : vector<16xi32> to vector<16xi32>
      tpu.vector_store %arg8[%swap3A_1405], %swap3A_1408 {strides = array<i32>} : memref<80xi32, #tpu.memory_space<vmem>>, vector<16xi32>,
      %shift_right_logical3A_1409 = arith.constant 16 : i32
      %shift_right_logical3A_1410 = vector.broadcast %shift_right_logical3A_1409 : i32 to vector<16xi32>
      %shift_right_logical3A_1411 = arith.shrui %get3A_1401, %shift_right_logical3A_1410 : vector<16xi32>
      %swap3A_1412 = arith.constant 0 : index
      %swap3A_1413 = tpu.vector_load %arg11[%swap3A_1412] {strides = array<i32>} : memref<80xi32, #tpu.memory_space<vmem>>, vector<16xi32>,
      %swap3A_1414 = vector.shape_cast %swap3A_1413 : vector<16xi32> to vector<16xi32>
      %swap3A_1415 = vector.shape_cast %shift_right_logical3A_1411 : vector<16xi32> to vector<16xi32>
      tpu.vector_store %arg11[%swap3A_1412], %swap3A_1415 {strides = array<i32>} : memref<80xi32, #tpu.memory_space<vmem>>, vector<16xi32>,
      %get3A_1416 = arith.index_cast %add3A_1397 : i32 to index
      %get3A_1417 = arith.constant 16 : index
      %get3A_1418 = tpu.vector_load %arg5[%get3A_1416, %get3A_1417] {strides = array<i32>} : memref<125x80xi32, #tpu.memory_space<vmem>>, vector<1x16xi32>,
      %get3A_1419 = vector.shape_cast %get3A_1418 : vector<1x16xi32> to vector<16xi32>
      %and3A_1420 = arith.constant 65535 : i32
      %and3A_1421 = vector.broadcast %and3A_1420 : i32 to vector<16xi32>
      %and3A_1422 = arith.andi %get3A_1419, %and3A_1421 : vector<16xi32>
      %swap3A_1423 = arith.constant 16 : index
      %swap3A_1424 = tpu.vector_load %arg8[%swap3A_1423] {strides = array<i32>} : memref<80xi32, #tpu.memory_space<vmem>>, vector<16xi32>,
      %swap3A_1425 = vector.shape_cast %swap3A_1424 : vector<16xi32> to vector<16xi32>
      %swap3A_1426 = vector.shape_cast %and3A_1422 : vector<16xi32> to vector<16xi32>
      tpu.vector_store %arg8[%swap3A_1423], %swap3A_1426 {strides = array<i32>} : memref<80xi32, #tpu.memory_space<vmem>>, vector<16xi32>,
      %shift_right_logical3A_1427 = arith.constant 16 : i32
      %shift_right_logical3A_1428 = vector.broadcast %shift_right_logical3A_1427 : i32 to vector<16xi32>
      %shift_right_logical3A_1429 = arith.shrui %get3A_1419, %shift_right_logical3A_1428 : vector<16xi32>
      %swap3A_1430 = arith.constant 16 : index
      %swap3A_1431 = tpu.vector_load %arg11[%swap3A_1430] {strides = array<i32>} : memref<80xi32, #tpu.memory_space<vmem>>, vector<16xi32>,
      %swap3A_1432 = vector.shape_cast %swap3A_1431 : vector<16xi32> to vector<16xi32>
      %swap3A_1433 = vector.shape_cast %shift_right_logical3A_1429 : vector<16xi32> to vector<16xi32>
      tpu.vector_store %arg11[%swap3A_1430], %swap3A_1433 {strides = array<i32>} : memref<80xi32, #tpu.memory_space<vmem>>, vector<16xi32>,
      %get3A_1434 = arith.index_cast %add3A_1397 : i32 to index
      %get3A_1435 = arith.constant 32 : index
      %get3A_1436 = tpu.vector_load %arg5[%get3A_1434, %get3A_1435] {strides = array<i32>} : memref<125x80xi32, #tpu.memory_space<vmem>>, vector<1x16xi32>,
      %get3A_1437 = vector.shape_cast %get3A_1436 : vector<1x16xi32> to vector<16xi32>
      %and3A_1438 = arith.constant 65535 : i32
      %and3A_1439 = vector.broadcast %and3A_1438 : i32 to vector<16xi32>
      %and3A_1440 = arith.andi %get3A_1437, %and3A_1439 : vector<16xi32>
      %swap3A_1441 = arith.constant 32 : index
      %swap3A_1442 = tpu.vector_load %arg8[%swap3A_1441] {strides = array<i32>} : memref<80xi32, #tpu.memory_space<vmem>>, vector<16xi32>,
      %swap3A_1443 = vector.shape_cast %swap3A_1442 : vector<16xi32> to vector<16xi32>
      %swap3A_1444 = vector.shape_cast %and3A_1440 : vector<16xi32> to vector<16xi32>
      tpu.vector_store %arg8[%swap3A_1441], %swap3A_1444 {strides = array<i32>} : memref<80xi32, #tpu.memory_space<vmem>>, vector<16xi32>,
      %shift_right_logical3A_1445 = arith.constant 16 : i32
      %shift_right_logical3A_1446 = vector.broadcast %shift_right_logical3A_1445 : i32 to vector<16xi32>
      %shift_right_logical3A_1447 = arith.shrui %get3A_1437, %shift_right_logical3A_1446 : vector<16xi32>
      %swap3A_1448 = arith.constant 32 : index
      %swap3A_1449 = tpu.vector_load %arg11[%swap3A_1448] {strides = array<i32>} : memref<80xi32, #tpu.memory_space<vmem>>, vector<16xi32>,
      %swap3A_1450 = vector.shape_cast %swap3A_1449 : vector<16xi32> to vector<16xi32>
      %swap3A_1451 = vector.shape_cast %shift_right_logical3A_1447 : vector<16xi32> to vector<16xi32>
      tpu.vector_store %arg11[%swap3A_1448], %swap3A_1451 {strides = array<i32>} : memref<80xi32, #tpu.memory_space<vmem>>, vector<16xi32>,
      %get3A_1452 = arith.index_cast %add3A_1397 : i32 to index
      %get3A_1453 = arith.constant 48 : index
      %get3A_1454 = tpu.vector_load %arg5[%get3A_1452, %get3A_1453] {strides = array<i32>} : memref<125x80xi32, #tpu.memory_space<vmem>>, vector<1x16xi32>,
      %get3A_1455 = vector.shape_cast %get3A_1454 : vector<1x16xi32> to vector<16xi32>
      %and3A_1456 = arith.constant 65535 : i32
      %and3A_1457 = vector.broadcast %and3A_1456 : i32 to vector<16xi32>
      %and3A_1458 = arith.andi %get3A_1455, %and3A_1457 : vector<16xi32>
      %swap3A_1459 = arith.constant 48 : index
      %swap3A_1460 = tpu.vector_load %arg8[%swap3A_1459] {strides = array<i32>} : memref<80xi32, #tpu.memory_space<vmem>>, vector<16xi32>,
      %swap3A_1461 = vector.shape_cast %swap3A_1460 : vector<16xi32> to vector<16xi32>
      %swap3A_1462 = vector.shape_cast %and3A_1458 : vector<16xi32> to vector<16xi32>
      tpu.vector_store %arg8[%swap3A_1459], %swap3A_1462 {strides = array<i32>} : memref<80xi32, #tpu.memory_space<vmem>>, vector<16xi32>,
      %shift_right_logical3A_1463 = arith.constant 16 : i32
      %shift_right_logical3A_1464 = vector.broadcast %shift_right_logical3A_1463 : i32 to vector<16xi32>
      %shift_right_logical3A_1465 = arith.shrui %get3A_1455, %shift_right_logical3A_1464 : vector<16xi32>
      %swap3A_1466 = arith.constant 48 : index
      %swap3A_1467 = tpu.vector_load %arg11[%swap3A_1466] {strides = array<i32>} : memref<80xi32, #tpu.memory_space<vmem>>, vector<16xi32>,
      %swap3A_1468 = vector.shape_cast %swap3A_1467 : vector<16xi32> to vector<16xi32>
      %swap3A_1469 = vector.shape_cast %shift_right_logical3A_1465 : vector<16xi32> to vector<16xi32>
      tpu.vector_store %arg11[%swap3A_1466], %swap3A_1469 {strides = array<i32>} : memref<80xi32, #tpu.memory_space<vmem>>, vector<16xi32>,
      %get3A_1470 = arith.index_cast %add3A_1397 : i32 to index
      %get3A_1471 = arith.constant 64 : index
      %get3A_1472 = tpu.vector_load %arg5[%get3A_1470, %get3A_1471] {strides = array<i32>} : memref<125x80xi32, #tpu.memory_space<vmem>>, vector<1x16xi32>,
      %get3A_1473 = vector.shape_cast %get3A_1472 : vector<1x16xi32> to vector<16xi32>
      %and3A_1474 = arith.constant 65535 : i32
      %and3A_1475 = vector.broadcast %and3A_1474 : i32 to vector<16xi32>
      %and3A_1476 = arith.andi %get3A_1473, %and3A_1475 : vector<16xi32>
      %swap3A_1477 = arith.constant 64 : index
      %swap3A_1478 = tpu.vector_load %arg8[%swap3A_1477] {strides = array<i32>} : memref<80xi32, #tpu.memory_space<vmem>>, vector<16xi32>,
      %swap3A_1479 = vector.shape_cast %swap3A_1478 : vector<16xi32> to vector<16xi32>
      %swap3A_1480 = vector.shape_cast %and3A_1476 : vector<16xi32> to vector<16xi32>
      tpu.vector_store %arg8[%swap3A_1477], %swap3A_1480 {strides = array<i32>} : memref<80xi32, #tpu.memory_space<vmem>>, vector<16xi32>,
      %shift_right_logical3A_1481 = arith.constant 16 : i32
      %shift_right_logical3A_1482 = vector.broadcast %shift_right_logical3A_1481 : i32 to vector<16xi32>
      %shift_right_logical3A_1483 = arith.shrui %get3A_1473, %shift_right_logical3A_1482 : vector<16xi32>
      %swap3A_1484 = arith.constant 64 : index
      %swap3A_1485 = tpu.vector_load %arg11[%swap3A_1484] {strides = array<i32>} : memref<80xi32, #tpu.memory_space<vmem>>, vector<16xi32>,
      %swap3A_1486 = vector.shape_cast %swap3A_1485 : vector<16xi32> to vector<16xi32>
      %swap3A_1487 = vector.shape_cast %shift_right_logical3A_1483 : vector<16xi32> to vector<16xi32>
      tpu.vector_store %arg11[%swap3A_1484], %swap3A_1487 {strides = array<i32>} : memref<80xi32, #tpu.memory_space<vmem>>, vector<16xi32>,
      %dma_start3A_1488 = arith.constant 0 : i32
      %dma_start3A_1489 = arith.constant 0 : i32
      %dma_start3A_1490 = tpu.memref_slice %arg2[%dma_start3A_1488, %dma_start3A_1489] : memref<10000x128xf32, #tpu.memory_space<hbm>> -> memref<10000x128xf32, #tpu.memory_space<hbm>>
      tpu.enqueue_indirect_dma source(%dma_start3A_1490 : memref<10000x128xf32, #tpu.memory_space<hbm>>) target(%arg14 : memref<80x128xf32, #tpu.memory_space<vmem>>) offsets(%arg8 : memref<80xi32, #tpu.memory_space<vmem>>) semaphore(%arg17 : memref<!tpu.dma_semaphore, #tpu.memory_space<semaphore_mem>>)
      %dma_wait3A_1491 = arith.constant 0 : i32
      %dma_wait3A_1492 = arith.constant 0 : i32
      %dma_wait3A_1493 = tpu.memref_slice %arg2[%dma_wait3A_1491, %dma_wait3A_1492] : memref<10000x128xf32, #tpu.memory_space<hbm>> -> memref<10000x128xf32, #tpu.memory_space<hbm>>
      tpu.wait_indirect_dma semaphore(%arg16 : memref<!tpu.dma_semaphore, #tpu.memory_space<semaphore_mem>>) src(%dma_wait3A_1493 : memref<10000x128xf32, #tpu.memory_space<hbm>>) dst(%arg13 : memref<80x128xf32, #tpu.memory_space<vmem>>)
      %dma_start3A_1494 = arith.constant 0 : i32
      %dma_start3A_1495 = arith.constant 0 : i32
      %dma_start3A_1496 = tpu.memref_slice %arg21[%dma_start3A_1494, %dma_start3A_1495] : memref<10240x128xf32, #tpu.memory_space<vmem_shared>> -> memref<10240x128xf32, #tpu.memory_space<vmem_shared>>
      tpu.enqueue_indirect_dma source(%arg13 : memref<80x128xf32, #tpu.memory_space<vmem>>) target(%dma_start3A_1496 : memref<10240x128xf32, #tpu.memory_space<vmem_shared>>) offsets(%arg10 : memref<80xi32, #tpu.memory_space<vmem>>) semaphore(%arg19 : memref<!tpu.dma_semaphore, #tpu.memory_space<semaphore_mem>>) {add = true}
    }
    %scan3A_519 = arith.constant 40 : i32
    %dma_wait3A_520 = arith.constant 0 : i32
    %dma_wait3A_521 = arith.constant 0 : i32
    %dma_wait3A_522 = tpu.memref_slice %arg21[%dma_wait3A_520, %dma_wait3A_521] : memref<10240x128xf32, #tpu.memory_space<vmem_shared>> -> memref<10240x128xf32, #tpu.memory_space<vmem_shared>>
    tpu.wait_indirect_dma semaphore(%arg18 : memref<!tpu.dma_semaphore, #tpu.memory_space<semaphore_mem>>) src(%arg12 : memref<80x128xf32, #tpu.memory_space<vmem>>) dst(%dma_wait3A_522 : memref<10240x128xf32, #tpu.memory_space<vmem_shared>>)
    %get3A_523 = arith.constant 123 : i32
    %get3A_524 = arith.index_cast %get3A_523 : i32 to index
    %get3A_525 = arith.constant 0 : index
    %get3A_526 = tpu.vector_load %arg5[%get3A_524, %get3A_525] {strides = array<i32>} : memref<125x80xi32, #tpu.memory_space<vmem>>, vector<1x16xi32>,
    %get3A_527 = vector.shape_cast %get3A_526 : vector<1x16xi32> to vector<16xi32>
    %and3A_528 = arith.constant 65535 : i32
    %and3A_529 = vector.broadcast %and3A_528 : i32 to vector<16xi32>
    %and3A_530 = arith.andi %get3A_527, %and3A_529 : vector<16xi32>
    %swap3A_531 = arith.constant 0 : index
    %swap3A_532 = tpu.vector_load %arg6[%swap3A_531] {strides = array<i32>} : memref<80xi32, #tpu.memory_space<vmem>>, vector<16xi32>,
    %swap3A_533 = vector.shape_cast %swap3A_532 : vector<16xi32> to vector<16xi32>
    %swap3A_534 = vector.shape_cast %and3A_530 : vector<16xi32> to vector<16xi32>
    tpu.vector_store %arg6[%swap3A_531], %swap3A_534 {strides = array<i32>} : memref<80xi32, #tpu.memory_space<vmem>>, vector<16xi32>,
    %shift_right_logical3A_535 = arith.constant 16 : i32
    %shift_right_logical3A_536 = vector.broadcast %shift_right_logical3A_535 : i32 to vector<16xi32>
    %shift_right_logical3A_537 = arith.shrui %get3A_527, %shift_right_logical3A_536 : vector<16xi32>
    %swap3A_538 = arith.constant 0 : index
    %swap3A_539 = tpu.vector_load %arg9[%swap3A_538] {strides = array<i32>} : memref<80xi32, #tpu.memory_space<vmem>>, vector<16xi32>,
    %swap3A_540 = vector.shape_cast %swap3A_539 : vector<16xi32> to vector<16xi32>
    %swap3A_541 = vector.shape_cast %shift_right_logical3A_537 : vector<16xi32> to vector<16xi32>
    tpu.vector_store %arg9[%swap3A_538], %swap3A_541 {strides = array<i32>} : memref<80xi32, #tpu.memory_space<vmem>>, vector<16xi32>,
    %get3A_542 = arith.constant 123 : i32
    %get3A_543 = arith.index_cast %get3A_542 : i32 to index
    %get3A_544 = arith.constant 16 : index
    %get3A_545 = tpu.vector_load %arg5[%get3A_543, %get3A_544] {strides = array<i32>} : memref<125x80xi32, #tpu.memory_space<vmem>>, vector<1x16xi32>,
    %get3A_546 = vector.shape_cast %get3A_545 : vector<1x16xi32> to vector<16xi32>
    %and3A_547 = arith.constant 65535 : i32
    %and3A_548 = vector.broadcast %and3A_547 : i32 to vector<16xi32>
    %and3A_549 = arith.andi %get3A_546, %and3A_548 : vector<16xi32>
    %swap3A_550 = arith.constant 16 : index
    %swap3A_551 = tpu.vector_load %arg6[%swap3A_550] {strides = array<i32>} : memref<80xi32, #tpu.memory_space<vmem>>, vector<16xi32>,
    %swap3A_552 = vector.shape_cast %swap3A_551 : vector<16xi32> to vector<16xi32>
    %swap3A_553 = vector.shape_cast %and3A_549 : vector<16xi32> to vector<16xi32>
    tpu.vector_store %arg6[%swap3A_550], %swap3A_553 {strides = array<i32>} : memref<80xi32, #tpu.memory_space<vmem>>, vector<16xi32>,
    %shift_right_logical3A_554 = arith.constant 16 : i32
    %shift_right_logical3A_555 = vector.broadcast %shift_right_logical3A_554 : i32 to vector<16xi32>
    %shift_right_logical3A_556 = arith.shrui %get3A_546, %shift_right_logical3A_555 : vector<16xi32>
    %swap3A_557 = arith.constant 16 : index
    %swap3A_558 = tpu.vector_load %arg9[%swap3A_557] {strides = array<i32>} : memref<80xi32, #tpu.memory_space<vmem>>, vector<16xi32>,
    %swap3A_559 = vector.shape_cast %swap3A_558 : vector<16xi32> to vector<16xi32>
    %swap3A_560 = vector.shape_cast %shift_right_logical3A_556 : vector<16xi32> to vector<16xi32>
    tpu.vector_store %arg9[%swap3A_557], %swap3A_560 {strides = array<i32>} : memref<80xi32, #tpu.memory_space<vmem>>, vector<16xi32>,
    %get3A_561 = arith.constant 123 : i32
    %get3A_562 = arith.index_cast %get3A_561 : i32 to index
    %get3A_563 = arith.constant 32 : index
    %get3A_564 = tpu.vector_load %arg5[%get3A_562, %get3A_563] {strides = array<i32>} : memref<125x80xi32, #tpu.memory_space<vmem>>, vector<1x16xi32>,
    %get3A_565 = vector.shape_cast %get3A_564 : vector<1x16xi32> to vector<16xi32>
    %and3A_566 = arith.constant 65535 : i32
    %and3A_567 = vector.broadcast %and3A_566 : i32 to vector<16xi32>
    %and3A_568 = arith.andi %get3A_565, %and3A_567 : vector<16xi32>
    %swap3A_569 = arith.constant 32 : index
    %swap3A_570 = tpu.vector_load %arg6[%swap3A_569] {strides = array<i32>} : memref<80xi32, #tpu.memory_space<vmem>>, vector<16xi32>,
    %swap3A_571 = vector.shape_cast %swap3A_570 : vector<16xi32> to vector<16xi32>
    %swap3A_572 = vector.shape_cast %and3A_568 : vector<16xi32> to vector<16xi32>
    tpu.vector_store %arg6[%swap3A_569], %swap3A_572 {strides = array<i32>} : memref<80xi32, #tpu.memory_space<vmem>>, vector<16xi32>,
    %shift_right_logical3A_573 = arith.constant 16 : i32
    %shift_right_logical3A_574 = vector.broadcast %shift_right_logical3A_573 : i32 to vector<16xi32>
    %shift_right_logical3A_575 = arith.shrui %get3A_565, %shift_right_logical3A_574 : vector<16xi32>
    %swap3A_576 = arith.constant 32 : index
    %swap3A_577 = tpu.vector_load %arg9[%swap3A_576] {strides = array<i32>} : memref<80xi32, #tpu.memory_space<vmem>>, vector<16xi32>,
    %swap3A_578 = vector.shape_cast %swap3A_577 : vector<16xi32> to vector<16xi32>
    %swap3A_579 = vector.shape_cast %shift_right_logical3A_575 : vector<16xi32> to vector<16xi32>
    tpu.vector_store %arg9[%swap3A_576], %swap3A_579 {strides = array<i32>} : memref<80xi32, #tpu.memory_space<vmem>>, vector<16xi32>,
    %get3A_580 = arith.constant 123 : i32
    %get3A_581 = arith.index_cast %get3A_580 : i32 to index
    %get3A_582 = arith.constant 48 : index
    %get3A_583 = tpu.vector_load %arg5[%get3A_581, %get3A_582] {strides = array<i32>} : memref<125x80xi32, #tpu.memory_space<vmem>>, vector<1x16xi32>,
    %get3A_584 = vector.shape_cast %get3A_583 : vector<1x16xi32> to vector<16xi32>
    %and3A_585 = arith.constant 65535 : i32
    %and3A_586 = vector.broadcast %and3A_585 : i32 to vector<16xi32>
    %and3A_587 = arith.andi %get3A_584, %and3A_586 : vector<16xi32>
    %swap3A_588 = arith.constant 48 : index
    %swap3A_589 = tpu.vector_load %arg6[%swap3A_588] {strides = array<i32>} : memref<80xi32, #tpu.memory_space<vmem>>, vector<16xi32>,
    %swap3A_590 = vector.shape_cast %swap3A_589 : vector<16xi32> to vector<16xi32>
    %swap3A_591 = vector.shape_cast %and3A_587 : vector<16xi32> to vector<16xi32>
    tpu.vector_store %arg6[%swap3A_588], %swap3A_591 {strides = array<i32>} : memref<80xi32, #tpu.memory_space<vmem>>, vector<16xi32>,
    %shift_right_logical3A_592 = arith.constant 16 : i32
    %shift_right_logical3A_593 = vector.broadcast %shift_right_logical3A_592 : i32 to vector<16xi32>
    %shift_right_logical3A_594 = arith.shrui %get3A_584, %shift_right_logical3A_593 : vector<16xi32>
    %swap3A_595 = arith.constant 48 : index
    %swap3A_596 = tpu.vector_load %arg9[%swap3A_595] {strides = array<i32>} : memref<80xi32, #tpu.memory_space<vmem>>, vector<16xi32>,
    %swap3A_597 = vector.shape_cast %swap3A_596 : vector<16xi32> to vector<16xi32>
    %swap3A_598 = vector.shape_cast %shift_right_logical3A_594 : vector<16xi32> to vector<16xi32>
    tpu.vector_store %arg9[%swap3A_595], %swap3A_598 {strides = array<i32>} : memref<80xi32, #tpu.memory_space<vmem>>, vector<16xi32>,
    %get3A_599 = arith.constant 123 : i32
    %get3A_600 = arith.index_cast %get3A_599 : i32 to index
    %get3A_601 = arith.constant 64 : index
    %get3A_602 = tpu.vector_load %arg5[%get3A_600, %get3A_601] {strides = array<i32>} : memref<125x80xi32, #tpu.memory_space<vmem>>, vector<1x16xi32>,
    %get3A_603 = vector.shape_cast %get3A_602 : vector<1x16xi32> to vector<16xi32>
    %and3A_604 = arith.constant 65535 : i32
    %and3A_605 = vector.broadcast %and3A_604 : i32 to vector<16xi32>
    %and3A_606 = arith.andi %get3A_603, %and3A_605 : vector<16xi32>
    %swap3A_607 = arith.constant 64 : index
    %swap3A_608 = tpu.vector_load %arg6[%swap3A_607] {strides = array<i32>} : memref<80xi32, #tpu.memory_space<vmem>>, vector<16xi32>,
    %swap3A_609 = vector.shape_cast %swap3A_608 : vector<16xi32> to vector<16xi32>
    %swap3A_610 = vector.shape_cast %and3A_606 : vector<16xi32> to vector<16xi32>
    tpu.vector_store %arg6[%swap3A_607], %swap3A_610 {strides = array<i32>} : memref<80xi32, #tpu.memory_space<vmem>>, vector<16xi32>,
    %shift_right_logical3A_611 = arith.constant 16 : i32
    %shift_right_logical3A_612 = vector.broadcast %shift_right_logical3A_611 : i32 to vector<16xi32>
    %shift_right_logical3A_613 = arith.shrui %get3A_603, %shift_right_logical3A_612 : vector<16xi32>
    %swap3A_614 = arith.constant 64 : index
    %swap3A_615 = tpu.vector_load %arg9[%swap3A_614] {strides = array<i32>} : memref<80xi32, #tpu.memory_space<vmem>>, vector<16xi32>,
    %swap3A_616 = vector.shape_cast %swap3A_615 : vector<16xi32> to vector<16xi32>
    %swap3A_617 = vector.shape_cast %shift_right_logical3A_613 : vector<16xi32> to vector<16xi32>
    tpu.vector_store %arg9[%swap3A_614], %swap3A_617 {strides = array<i32>} : memref<80xi32, #tpu.memory_space<vmem>>, vector<16xi32>,
    %dma_start3A_618 = arith.constant 0 : i32
    %dma_start3A_619 = arith.constant 0 : i32
    %dma_start3A_620 = tpu.memref_slice %arg2[%dma_start3A_618, %dma_start3A_619] : memref<10000x128xf32, #tpu.memory_space<hbm>> -> memref<10000x128xf32, #tpu.memory_space<hbm>>
    tpu.enqueue_indirect_dma source(%dma_start3A_620 : memref<10000x128xf32, #tpu.memory_space<hbm>>) target(%arg12 : memref<80x128xf32, #tpu.memory_space<vmem>>) offsets(%arg6 : memref<80xi32, #tpu.memory_space<vmem>>) semaphore(%arg15 : memref<!tpu.dma_semaphore, #tpu.memory_space<semaphore_mem>>)
    %dma_wait3A_621 = arith.constant 0 : i32
    %dma_wait3A_622 = arith.constant 0 : i32
    %dma_wait3A_623 = tpu.memref_slice %arg2[%dma_wait3A_621, %dma_wait3A_622] : memref<10000x128xf32, #tpu.memory_space<hbm>> -> memref<10000x128xf32, #tpu.memory_space<hbm>>
    tpu.wait_indirect_dma semaphore(%arg17 : memref<!tpu.dma_semaphore, #tpu.memory_space<semaphore_mem>>) src(%dma_wait3A_623 : memref<10000x128xf32, #tpu.memory_space<hbm>>) dst(%arg14 : memref<80x128xf32, #tpu.memory_space<vmem>>)
    %dma_start3A_624 = arith.constant 0 : i32
    %dma_start3A_625 = arith.constant 0 : i32
    %dma_start3A_626 = tpu.memref_slice %arg21[%dma_start3A_624, %dma_start3A_625] : memref<10240x128xf32, #tpu.memory_space<vmem_shared>> -> memref<10240x128xf32, #tpu.memory_space<vmem_shared>>
    tpu.enqueue_indirect_dma source(%arg14 : memref<80x128xf32, #tpu.memory_space<vmem>>) target(%dma_start3A_626 : memref<10240x128xf32, #tpu.memory_space<vmem_shared>>) offsets(%arg11 : memref<80xi32, #tpu.memory_space<vmem>>) semaphore(%arg20 : memref<!tpu.dma_semaphore, #tpu.memory_space<semaphore_mem>>) {add = true}
    %dma_wait3A_627 = arith.constant 0 : i32
    %dma_wait3A_628 = arith.constant 0 : i32
    %dma_wait3A_629 = tpu.memref_slice %arg21[%dma_wait3A_627, %dma_wait3A_628] : memref<10240x128xf32, #tpu.memory_space<vmem_shared>> -> memref<10240x128xf32, #tpu.memory_space<vmem_shared>>
    tpu.wait_indirect_dma semaphore(%arg19 : memref<!tpu.dma_semaphore, #tpu.memory_space<semaphore_mem>>) src(%arg13 : memref<80x128xf32, #tpu.memory_space<vmem>>) dst(%dma_wait3A_629 : memref<10240x128xf32, #tpu.memory_space<vmem_shared>>)
    %get3A_630 = arith.constant 124 : i32
    %get3A_631 = arith.index_cast %get3A_630 : i32 to index
    %get3A_632 = arith.constant 0 : index
    %get3A_633 = tpu.vector_load %arg5[%get3A_631, %get3A_632] {strides = array<i32>} : memref<125x80xi32, #tpu.memory_space<vmem>>, vector<1x16xi32>,
    %get3A_634 = vector.shape_cast %get3A_633 : vector<1x16xi32> to vector<16xi32>
    %and3A_635 = arith.constant 65535 : i32
    %and3A_636 = vector.broadcast %and3A_635 : i32 to vector<16xi32>
    %and3A_637 = arith.andi %get3A_634, %and3A_636 : vector<16xi32>
    %swap3A_638 = arith.constant 0 : index
    %swap3A_639 = tpu.vector_load %arg7[%swap3A_638] {strides = array<i32>} : memref<80xi32, #tpu.memory_space<vmem>>, vector<16xi32>,
    %swap3A_640 = vector.shape_cast %swap3A_639 : vector<16xi32> to vector<16xi32>
    %swap3A_641 = vector.shape_cast %and3A_637 : vector<16xi32> to vector<16xi32>
    tpu.vector_store %arg7[%swap3A_638], %swap3A_641 {strides = array<i32>} : memref<80xi32, #tpu.memory_space<vmem>>, vector<16xi32>,
    %shift_right_logical3A_642 = arith.constant 16 : i32
    %shift_right_logical3A_643 = vector.broadcast %shift_right_logical3A_642 : i32 to vector<16xi32>
    %shift_right_logical3A_644 = arith.shrui %get3A_634, %shift_right_logical3A_643 : vector<16xi32>
    %swap3A_645 = arith.constant 0 : index
    %swap3A_646 = tpu.vector_load %arg10[%swap3A_645] {strides = array<i32>} : memref<80xi32, #tpu.memory_space<vmem>>, vector<16xi32>,
    %swap3A_647 = vector.shape_cast %swap3A_646 : vector<16xi32> to vector<16xi32>
    %swap3A_648 = vector.shape_cast %shift_right_logical3A_644 : vector<16xi32> to vector<16xi32>
    tpu.vector_store %arg10[%swap3A_645], %swap3A_648 {strides = array<i32>} : memref<80xi32, #tpu.memory_space<vmem>>, vector<16xi32>,
    %get3A_649 = arith.constant 124 : i32
    %get3A_650 = arith.index_cast %get3A_649 : i32 to index
    %get3A_651 = arith.constant 16 : index
    %get3A_652 = tpu.vector_load %arg5[%get3A_650, %get3A_651] {strides = array<i32>} : memref<125x80xi32, #tpu.memory_space<vmem>>, vector<1x16xi32>,
    %get3A_653 = vector.shape_cast %get3A_652 : vector<1x16xi32> to vector<16xi32>
    %and3A_654 = arith.constant 65535 : i32
    %and3A_655 = vector.broadcast %and3A_654 : i32 to vector<16xi32>
    %and3A_656 = arith.andi %get3A_653, %and3A_655 : vector<16xi32>
    %swap3A_657 = arith.constant 16 : index
    %swap3A_658 = tpu.vector_load %arg7[%swap3A_657] {strides = array<i32>} : memref<80xi32, #tpu.memory_space<vmem>>, vector<16xi32>,
    %swap3A_659 = vector.shape_cast %swap3A_658 : vector<16xi32> to vector<16xi32>
    %swap3A_660 = vector.shape_cast %and3A_656 : vector<16xi32> to vector<16xi32>
    tpu.vector_store %arg7[%swap3A_657], %swap3A_660 {strides = array<i32>} : memref<80xi32, #tpu.memory_space<vmem>>, vector<16xi32>,
    %shift_right_logical3A_661 = arith.constant 16 : i32
    %shift_right_logical3A_662 = vector.broadcast %shift_right_logical3A_661 : i32 to vector<16xi32>
    %shift_right_logical3A_663 = arith.shrui %get3A_653, %shift_right_logical3A_662 : vector<16xi32>
    %swap3A_664 = arith.constant 16 : index
    %swap3A_665 = tpu.vector_load %arg10[%swap3A_664] {strides = array<i32>} : memref<80xi32, #tpu.memory_space<vmem>>, vector<16xi32>,
    %swap3A_666 = vector.shape_cast %swap3A_665 : vector<16xi32> to vector<16xi32>
    %swap3A_667 = vector.shape_cast %shift_right_logical3A_663 : vector<16xi32> to vector<16xi32>
    tpu.vector_store %arg10[%swap3A_664], %swap3A_667 {strides = array<i32>} : memref<80xi32, #tpu.memory_space<vmem>>, vector<16xi32>,
    %get3A_668 = arith.constant 124 : i32
    %get3A_669 = arith.index_cast %get3A_668 : i32 to index
    %get3A_670 = arith.constant 32 : index
    %get3A_671 = tpu.vector_load %arg5[%get3A_669, %get3A_670] {strides = array<i32>} : memref<125x80xi32, #tpu.memory_space<vmem>>, vector<1x16xi32>,
    %get3A_672 = vector.shape_cast %get3A_671 : vector<1x16xi32> to vector<16xi32>
    %and3A_673 = arith.constant 65535 : i32
    %and3A_674 = vector.broadcast %and3A_673 : i32 to vector<16xi32>
    %and3A_675 = arith.andi %get3A_672, %and3A_674 : vector<16xi32>
    %swap3A_676 = arith.constant 32 : index
    %swap3A_677 = tpu.vector_load %arg7[%swap3A_676] {strides = array<i32>} : memref<80xi32, #tpu.memory_space<vmem>>, vector<16xi32>,
    %swap3A_678 = vector.shape_cast %swap3A_677 : vector<16xi32> to vector<16xi32>
    %swap3A_679 = vector.shape_cast %and3A_675 : vector<16xi32> to vector<16xi32>
    tpu.vector_store %arg7[%swap3A_676], %swap3A_679 {strides = array<i32>} : memref<80xi32, #tpu.memory_space<vmem>>, vector<16xi32>,
    %shift_right_logical3A_680 = arith.constant 16 : i32
    %shift_right_logical3A_681 = vector.broadcast %shift_right_logical3A_680 : i32 to vector<16xi32>
    %shift_right_logical3A_682 = arith.shrui %get3A_672, %shift_right_logical3A_681 : vector<16xi32>
    %swap3A_683 = arith.constant 32 : index
    %swap3A_684 = tpu.vector_load %arg10[%swap3A_683] {strides = array<i32>} : memref<80xi32, #tpu.memory_space<vmem>>, vector<16xi32>,
    %swap3A_685 = vector.shape_cast %swap3A_684 : vector<16xi32> to vector<16xi32>
    %swap3A_686 = vector.shape_cast %shift_right_logical3A_682 : vector<16xi32> to vector<16xi32>
    tpu.vector_store %arg10[%swap3A_683], %swap3A_686 {strides = array<i32>} : memref<80xi32, #tpu.memory_space<vmem>>, vector<16xi32>,
    %get3A_687 = arith.constant 124 : i32
    %get3A_688 = arith.index_cast %get3A_687 : i32 to index
    %get3A_689 = arith.constant 48 : index
    %get3A_690 = tpu.vector_load %arg5[%get3A_688, %get3A_689] {strides = array<i32>} : memref<125x80xi32, #tpu.memory_space<vmem>>, vector<1x16xi32>,
    %get3A_691 = vector.shape_cast %get3A_690 : vector<1x16xi32> to vector<16xi32>
    %and3A_692 = arith.constant 65535 : i32
    %and3A_693 = vector.broadcast %and3A_692 : i32 to vector<16xi32>
    %and3A_694 = arith.andi %get3A_691, %and3A_693 : vector<16xi32>
    %swap3A_695 = arith.constant 48 : index
    %swap3A_696 = tpu.vector_load %arg7[%swap3A_695] {strides = array<i32>} : memref<80xi32, #tpu.memory_space<vmem>>, vector<16xi32>,
    %swap3A_697 = vector.shape_cast %swap3A_696 : vector<16xi32> to vector<16xi32>
    %swap3A_698 = vector.shape_cast %and3A_694 : vector<16xi32> to vector<16xi32>
    tpu.vector_store %arg7[%swap3A_695], %swap3A_698 {strides = array<i32>} : memref<80xi32, #tpu.memory_space<vmem>>, vector<16xi32>,
    %shift_right_logical3A_699 = arith.constant 16 : i32
    %shift_right_logical3A_700 = vector.broadcast %shift_right_logical3A_699 : i32 to vector<16xi32>
    %shift_right_logical3A_701 = arith.shrui %get3A_691, %shift_right_logical3A_700 : vector<16xi32>
    %swap3A_702 = arith.constant 48 : index
    %swap3A_703 = tpu.vector_load %arg10[%swap3A_702] {strides = array<i32>} : memref<80xi32, #tpu.memory_space<vmem>>, vector<16xi32>,
    %swap3A_704 = vector.shape_cast %swap3A_703 : vector<16xi32> to vector<16xi32>
    %swap3A_705 = vector.shape_cast %shift_right_logical3A_701 : vector<16xi32> to vector<16xi32>
    tpu.vector_store %arg10[%swap3A_702], %swap3A_705 {strides = array<i32>} : memref<80xi32, #tpu.memory_space<vmem>>, vector<16xi32>,
    %get3A_706 = arith.constant 124 : i32
    %get3A_707 = arith.index_cast %get3A_706 : i32 to index
    %get3A_708 = arith.constant 64 : index
    %get3A_709 = tpu.vector_load %arg5[%get3A_707, %get3A_708] {strides = array<i32>} : memref<125x80xi32, #tpu.memory_space<vmem>>, vector<1x16xi32>,
    %get3A_710 = vector.shape_cast %get3A_709 : vector<1x16xi32> to vector<16xi32>
    %and3A_711 = arith.constant 65535 : i32
    %and3A_712 = vector.broadcast %and3A_711 : i32 to vector<16xi32>
    %and3A_713 = arith.andi %get3A_710, %and3A_712 : vector<16xi32>
    %swap3A_714 = arith.constant 64 : index
    %swap3A_715 = tpu.vector_load %arg7[%swap3A_714] {strides = array<i32>} : memref<80xi32, #tpu.memory_space<vmem>>, vector<16xi32>,
    %swap3A_716 = vector.shape_cast %swap3A_715 : vector<16xi32> to vector<16xi32>
    %swap3A_717 = vector.shape_cast %and3A_713 : vector<16xi32> to vector<16xi32>
    tpu.vector_store %arg7[%swap3A_714], %swap3A_717 {strides = array<i32>} : memref<80xi32, #tpu.memory_space<vmem>>, vector<16xi32>,
    %shift_right_logical3A_718 = arith.constant 16 : i32
    %shift_right_logical3A_719 = vector.broadcast %shift_right_logical3A_718 : i32 to vector<16xi32>
    %shift_right_logical3A_720 = arith.shrui %get3A_710, %shift_right_logical3A_719 : vector<16xi32>
    %swap3A_721 = arith.constant 64 : index
    %swap3A_722 = tpu.vector_load %arg10[%swap3A_721] {strides = array<i32>} : memref<80xi32, #tpu.memory_space<vmem>>, vector<16xi32>,
    %swap3A_723 = vector.shape_cast %swap3A_722 : vector<16xi32> to vector<16xi32>
    %swap3A_724 = vector.shape_cast %shift_right_logical3A_720 : vector<16xi32> to vector<16xi32>
    tpu.vector_store %arg10[%swap3A_721], %swap3A_724 {strides = array<i32>} : memref<80xi32, #tpu.memory_space<vmem>>, vector<16xi32>,
    %dma_start3A_725 = arith.constant 0 : i32
    %dma_start3A_726 = arith.constant 0 : i32
    %dma_start3A_727 = tpu.memref_slice %arg2[%dma_start3A_725, %dma_start3A_726] : memref<10000x128xf32, #tpu.memory_space<hbm>> -> memref<10000x128xf32, #tpu.memory_space<hbm>>
    tpu.enqueue_indirect_dma source(%dma_start3A_727 : memref<10000x128xf32, #tpu.memory_space<hbm>>) target(%arg13 : memref<80x128xf32, #tpu.memory_space<vmem>>) offsets(%arg7 : memref<80xi32, #tpu.memory_space<vmem>>) semaphore(%arg16 : memref<!tpu.dma_semaphore, #tpu.memory_space<semaphore_mem>>)
    %dma_wait3A_728 = arith.constant 0 : i32
    %dma_wait3A_729 = arith.constant 0 : i32
    %dma_wait3A_730 = tpu.memref_slice %arg2[%dma_wait3A_728, %dma_wait3A_729] : memref<10000x128xf32, #tpu.memory_space<hbm>> -> memref<10000x128xf32, #tpu.memory_space<hbm>>
    tpu.wait_indirect_dma semaphore(%arg15 : memref<!tpu.dma_semaphore, #tpu.memory_space<semaphore_mem>>) src(%dma_wait3A_730 : memref<10000x128xf32, #tpu.memory_space<hbm>>) dst(%arg12 : memref<80x128xf32, #tpu.memory_space<vmem>>)
    %dma_start3A_731 = arith.constant 0 : i32
    %dma_start3A_732 = arith.constant 0 : i32
    %dma_start3A_733 = tpu.memref_slice %arg21[%dma_start3A_731, %dma_start3A_732] : memref<10240x128xf32, #tpu.memory_space<vmem_shared>> -> memref<10240x128xf32, #tpu.memory_space<vmem_shared>>
    tpu.enqueue_indirect_dma source(%arg12 : memref<80x128xf32, #tpu.memory_space<vmem>>) target(%dma_start3A_733 : memref<10240x128xf32, #tpu.memory_space<vmem_shared>>) offsets(%arg9 : memref<80xi32, #tpu.memory_space<vmem>>) semaphore(%arg18 : memref<!tpu.dma_semaphore, #tpu.memory_space<semaphore_mem>>) {add = true}
    %dma_wait3A_734 = arith.constant 0 : i32
    %dma_wait3A_735 = arith.constant 0 : i32
    %dma_wait3A_736 = tpu.memref_slice %arg2[%dma_wait3A_734, %dma_wait3A_735] : memref<10000x128xf32, #tpu.memory_space<hbm>> -> memref<10000x128xf32, #tpu.memory_space<hbm>>
    tpu.wait_indirect_dma semaphore(%arg16 : memref<!tpu.dma_semaphore, #tpu.memory_space<semaphore_mem>>) src(%dma_wait3A_736 : memref<10000x128xf32, #tpu.memory_space<hbm>>) dst(%arg13 : memref<80x128xf32, #tpu.memory_space<vmem>>)
    %dma_start3A_737 = arith.constant 0 : i32
    %dma_start3A_738 = arith.constant 0 : i32
    %dma_start3A_739 = tpu.memref_slice %arg21[%dma_start3A_737, %dma_start3A_738] : memref<10240x128xf32, #tpu.memory_space<vmem_shared>> -> memref<10240x128xf32, #tpu.memory_space<vmem_shared>>
    tpu.enqueue_indirect_dma source(%arg13 : memref<80x128xf32, #tpu.memory_space<vmem>>) target(%dma_start3A_739 : memref<10240x128xf32, #tpu.memory_space<vmem_shared>>) offsets(%arg10 : memref<80xi32, #tpu.memory_space<vmem>>) semaphore(%arg19 : memref<!tpu.dma_semaphore, #tpu.memory_space<semaphore_mem>>) {add = true}
    %dma_wait3A_740 = arith.constant 0 : i32
    %dma_wait3A_741 = arith.constant 0 : i32
    %dma_wait3A_742 = tpu.memref_slice %arg21[%dma_wait3A_740, %dma_wait3A_741] : memref<10240x128xf32, #tpu.memory_space<vmem_shared>> -> memref<10240x128xf32, #tpu.memory_space<vmem_shared>>
    tpu.wait_indirect_dma semaphore(%arg18 : memref<!tpu.dma_semaphore, #tpu.memory_space<semaphore_mem>>) src(%arg12 : memref<80x128xf32, #tpu.memory_space<vmem>>) dst(%dma_wait3A_742 : memref<10240x128xf32, #tpu.memory_space<vmem_shared>>)
    %dma_wait3A_743 = arith.constant 0 : i32
    %dma_wait3A_744 = arith.constant 0 : i32
    %dma_wait3A_745 = tpu.memref_slice %arg21[%dma_wait3A_743, %dma_wait3A_744] : memref<10240x128xf32, #tpu.memory_space<vmem_shared>> -> memref<10240x128xf32, #tpu.memory_space<vmem_shared>>
    tpu.wait_indirect_dma semaphore(%arg19 : memref<!tpu.dma_semaphore, #tpu.memory_space<semaphore_mem>>) src(%arg13 : memref<80x128xf32, #tpu.memory_space<vmem>>) dst(%dma_wait3A_745 : memref<10240x128xf32, #tpu.memory_space<vmem_shared>>)
    %dma_wait3A_746 = arith.constant 0 : i32
    %dma_wait3A_747 = arith.constant 0 : i32
    %dma_wait3A_748 = tpu.memref_slice %arg21[%dma_wait3A_746, %dma_wait3A_747] : memref<10240x128xf32, #tpu.memory_space<vmem_shared>> -> memref<10240x128xf32, #tpu.memory_space<vmem_shared>>
    tpu.wait_indirect_dma semaphore(%arg20 : memref<!tpu.dma_semaphore, #tpu.memory_space<semaphore_mem>>) src(%arg14 : memref<80x128xf32, #tpu.memory_space<vmem>>) dst(%dma_wait3A_748 : memref<10240x128xf32, #tpu.memory_space<vmem_shared>>)
    %barrier3A_749 = arith.constant 0 : index
    tpu.barrier barrier_id(%barrier3A_749)
    %mul3A_750 = arith.constant 640 : i32
    %mul3A_751 = arith.muli %arg1, %mul3A_750 : i32
    %add3A_752 = arith.constant 0 : i32
    %add3A_753 = arith.addi %mul3A_751, %add3A_752 : i32
    %dma_start3A_754 = arith.constant 0 : i32
    %dma_start3A_755 = arith.constant 0 : i32
    %dma_start3A_756 = tpu.memref_slice %arg12[%dma_start3A_754, %dma_start3A_755] : memref<80x128xf32, #tpu.memory_space<vmem>> -> memref<80x128xf32, #tpu.memory_space<vmem>>
    %dma_start3A_757 = arith.constant 0 : i32
    %dma_start3A_758 = tpu.memref_slice %arg21[%add3A_753, %dma_start3A_757] : memref<10240x128xf32, #tpu.memory_space<vmem_shared>> -> memref<80x128xf32, #tpu.memory_space<vmem_shared>>
    %dma_start3A_759 = arith.constant 0 : i32
    %dma_start3A_760 = arith.constant 0 : i32
    %dma_start3A_761 = tpu.memref_slice %arg12[%dma_start3A_759, %dma_start3A_760] : memref<80x128xf32, #tpu.memory_space<vmem>> -> memref<80x128xf32, #tpu.memory_space<vmem>>
    %dma_start3A_762 = arith.constant 0 : i32
    %dma_start3A_763 = tpu.memref_slice %arg21[%add3A_753, %dma_start3A_762] : memref<10240x128xf32, #tpu.memory_space<vmem_shared>> -> memref<80x128xf32, #tpu.memory_space<vmem_shared>>
    tpu.enqueue_dma source(%dma_start3A_763 : memref<80x128xf32, #tpu.memory_space<vmem_shared>>) target(%dma_start3A_761 : memref<80x128xf32, #tpu.memory_space<vmem>>) target_semaphore(%arg15 : memref<!tpu.dma_semaphore, #tpu.memory_space<semaphore_mem>>)
    %mul3A_764 = arith.constant 640 : i32
    %mul3A_765 = arith.muli %arg1, %mul3A_764 : i32
    %dma_wait3A_766 = arith.constant 0 : i32
    %dma_wait3A_767 = arith.constant 0 : i32
    %dma_wait3A_768 = tpu.memref_slice %arg12[%dma_wait3A_766, %dma_wait3A_767] : memref<80x128xf32, #tpu.memory_space<vmem>> -> memref<80x128xf32, #tpu.memory_space<vmem>>
    %dma_wait3A_769 = arith.constant 0 : i32
    %dma_wait3A_770 = tpu.memref_slice %arg21[%mul3A_765, %dma_wait3A_769] : memref<10240x128xf32, #tpu.memory_space<vmem_shared>> -> memref<80x128xf32, #tpu.memory_space<vmem_shared>>
    %dma_wait3A_771 = arith.constant 0 : i32
    %dma_wait3A_772 = arith.constant 0 : i32
    %dma_wait3A_773 = tpu.memref_slice %arg12[%dma_wait3A_771, %dma_wait3A_772] : memref<80x128xf32, #tpu.memory_space<vmem>> -> memref<80x128xf32, #tpu.memory_space<vmem>>
    %dma_wait3A_774 = arith.constant 0 : i32
    %dma_wait3A_775 = tpu.memref_slice %arg21[%mul3A_765, %dma_wait3A_774] : memref<10240x128xf32, #tpu.memory_space<vmem_shared>> -> memref<80x128xf32, #tpu.memory_space<vmem_shared>>
    tpu.wait_dma2 semaphore(%arg15 : memref<!tpu.dma_semaphore, #tpu.memory_space<semaphore_mem>>) src(%dma_wait3A_775 : memref<80x128xf32, #tpu.memory_space<vmem_shared>>) dst(%dma_wait3A_773 : memref<80x128xf32, #tpu.memory_space<vmem>>)
    %dma_start3A_776 = arith.constant 0 : i32
    %dma_start3A_777 = arith.constant 0 : i32
    %dma_start3A_778 = tpu.memref_slice %arg12[%dma_start3A_776, %dma_start3A_777] : memref<80x128xf32, #tpu.memory_space<vmem>> -> memref<80x128xf32, #tpu.memory_space<vmem>>
    %dma_start3A_779 = arith.constant 0 : i32
    %dma_start3A_780 = tpu.memref_slice %arg4[%arg0, %add3A_753, %dma_start3A_779] : memref<2x10240x128xf32, #tpu.memory_space<hbm>> -> memref<1x80x128xf32, #tpu.memory_space<hbm>>
    %dma_start3A_781 = tpu.memref_squeeze %dma_start3A_780 : memref<1x80x128xf32, #tpu.memory_space<hbm>> -> memref<80x128xf32, #tpu.memory_space<hbm>>
    %dma_start3A_782 = arith.constant 0 : i32
    %dma_start3A_783 = tpu.memref_slice %arg4[%arg0, %add3A_753, %dma_start3A_782] : memref<2x10240x128xf32, #tpu.memory_space<hbm>> -> memref<1x80x128xf32, #tpu.memory_space<hbm>>
    %dma_start3A_784 = tpu.memref_squeeze %dma_start3A_783 : memref<1x80x128xf32, #tpu.memory_space<hbm>> -> memref<80x128xf32, #tpu.memory_space<hbm>>
    %dma_start3A_785 = arith.constant 0 : i32
    %dma_start3A_786 = arith.constant 0 : i32
    %dma_start3A_787 = tpu.memref_slice %arg12[%dma_start3A_785, %dma_start3A_786] : memref<80x128xf32, #tpu.memory_space<vmem>> -> memref<80x128xf32, #tpu.memory_space<vmem>>
    tpu.enqueue_dma source(%dma_start3A_787 : memref<80x128xf32, #tpu.memory_space<vmem>>) target(%dma_start3A_784 : memref<80x128xf32, #tpu.memory_space<hbm>>) target_semaphore(%arg18 : memref<!tpu.dma_semaphore, #tpu.memory_space<semaphore_mem>>)
    %mul3A_788 = arith.constant 640 : i32
    %mul3A_789 = arith.muli %arg1, %mul3A_788 : i32
    %add3A_790 = arith.constant 80 : i32
    %add3A_791 = arith.addi %mul3A_789, %add3A_790 : i32
    %dma_start3A_792 = arith.constant 0 : i32
    %dma_start3A_793 = arith.constant 0 : i32
    %dma_start3A_794 = tpu.memref_slice %arg13[%dma_start3A_792, %dma_start3A_793] : memref<80x128xf32, #tpu.memory_space<vmem>> -> memref<80x128xf32, #tpu.memory_space<vmem>>
    %dma_start3A_795 = arith.constant 0 : i32
    %dma_start3A_796 = tpu.memref_slice %arg21[%add3A_791, %dma_start3A_795] : memref<10240x128xf32, #tpu.memory_space<vmem_shared>> -> memref<80x128xf32, #tpu.memory_space<vmem_shared>>
    %dma_start3A_797 = arith.constant 0 : i32
    %dma_start3A_798 = arith.constant 0 : i32
    %dma_start3A_799 = tpu.memref_slice %arg13[%dma_start3A_797, %dma_start3A_798] : memref<80x128xf32, #tpu.memory_space<vmem>> -> memref<80x128xf32, #tpu.memory_space<vmem>>
    %dma_start3A_800 = arith.constant 0 : i32
    %dma_start3A_801 = tpu.memref_slice %arg21[%add3A_791, %dma_start3A_800] : memref<10240x128xf32, #tpu.memory_space<vmem_shared>> -> memref<80x128xf32, #tpu.memory_space<vmem_shared>>
    tpu.enqueue_dma source(%dma_start3A_801 : memref<80x128xf32, #tpu.memory_space<vmem_shared>>) target(%dma_start3A_799 : memref<80x128xf32, #tpu.memory_space<vmem>>) target_semaphore(%arg16 : memref<!tpu.dma_semaphore, #tpu.memory_space<semaphore_mem>>)
    %mul3A_802 = arith.constant 640 : i32
    %mul3A_803 = arith.muli %arg1, %mul3A_802 : i32
    %dma_wait3A_804 = arith.constant 0 : i32
    %dma_wait3A_805 = arith.constant 0 : i32
    %dma_wait3A_806 = tpu.memref_slice %arg13[%dma_wait3A_804, %dma_wait3A_805] : memref<80x128xf32, #tpu.memory_space<vmem>> -> memref<80x128xf32, #tpu.memory_space<vmem>>
    %dma_wait3A_807 = arith.constant 0 : i32
    %dma_wait3A_808 = tpu.memref_slice %arg21[%mul3A_803, %dma_wait3A_807] : memref<10240x128xf32, #tpu.memory_space<vmem_shared>> -> memref<80x128xf32, #tpu.memory_space<vmem_shared>>
    %dma_wait3A_809 = arith.constant 0 : i32
    %dma_wait3A_810 = arith.constant 0 : i32
    %dma_wait3A_811 = tpu.memref_slice %arg13[%dma_wait3A_809, %dma_wait3A_810] : memref<80x128xf32, #tpu.memory_space<vmem>> -> memref<80x128xf32, #tpu.memory_space<vmem>>
    %dma_wait3A_812 = arith.constant 0 : i32
    %dma_wait3A_813 = tpu.memref_slice %arg21[%mul3A_803, %dma_wait3A_812] : memref<10240x128xf32, #tpu.memory_space<vmem_shared>> -> memref<80x128xf32, #tpu.memory_space<vmem_shared>>
    tpu.wait_dma2 semaphore(%arg16 : memref<!tpu.dma_semaphore, #tpu.memory_space<semaphore_mem>>) src(%dma_wait3A_813 : memref<80x128xf32, #tpu.memory_space<vmem_shared>>) dst(%dma_wait3A_811 : memref<80x128xf32, #tpu.memory_space<vmem>>)
    %dma_start3A_814 = arith.constant 0 : i32
    %dma_start3A_815 = arith.constant 0 : i32
    %dma_start3A_816 = tpu.memref_slice %arg13[%dma_start3A_814, %dma_start3A_815] : memref<80x128xf32, #tpu.memory_space<vmem>> -> memref<80x128xf32, #tpu.memory_space<vmem>>
    %dma_start3A_817 = arith.constant 0 : i32
    %dma_start3A_818 = tpu.memref_slice %arg4[%arg0, %add3A_791, %dma_start3A_817] : memref<2x10240x128xf32, #tpu.memory_space<hbm>> -> memref<1x80x128xf32, #tpu.memory_space<hbm>>
    %dma_start3A_819 = tpu.memref_squeeze %dma_start3A_818 : memref<1x80x128xf32, #tpu.memory_space<hbm>> -> memref<80x128xf32, #tpu.memory_space<hbm>>
    %dma_start3A_820 = arith.constant 0 : i32
    %dma_start3A_821 = tpu.memref_slice %arg4[%arg0, %add3A_791, %dma_start3A_820] : memref<2x10240x128xf32, #tpu.memory_space<hbm>> -> memref<1x80x128xf32, #tpu.memory_space<hbm>>
    %dma_start3A_822 = tpu.memref_squeeze %dma_start3A_821 : memref<1x80x128xf32, #tpu.memory_space<hbm>> -> memref<80x128xf32, #tpu.memory_space<hbm>>
    %dma_start3A_823 = arith.constant 0 : i32
    %dma_start3A_824 = arith.constant 0 : i32
    %dma_start3A_825 = tpu.memref_slice %arg13[%dma_start3A_823, %dma_start3A_824] : memref<80x128xf32, #tpu.memory_space<vmem>> -> memref<80x128xf32, #tpu.memory_space<vmem>>
    tpu.enqueue_dma source(%dma_start3A_825 : memref<80x128xf32, #tpu.memory_space<vmem>>) target(%dma_start3A_822 : memref<80x128xf32, #tpu.memory_space<hbm>>) target_semaphore(%arg19 : memref<!tpu.dma_semaphore, #tpu.memory_space<semaphore_mem>>)
    %mul3A_826 = arith.constant 640 : i32
    %mul3A_827 = arith.muli %arg1, %mul3A_826 : i32
    %add3A_828 = arith.constant 160 : i32
    %add3A_829 = arith.addi %mul3A_827, %add3A_828 : i32
    %mul3A_830 = arith.constant 640 : i32
    %mul3A_831 = arith.muli %arg1, %mul3A_830 : i32
    %dma_wait3A_832 = arith.constant 0 : i32
    %dma_wait3A_833 = arith.constant 0 : i32
    %dma_wait3A_834 = tpu.memref_slice %arg12[%dma_wait3A_832, %dma_wait3A_833] : memref<80x128xf32, #tpu.memory_space<vmem>> -> memref<80x128xf32, #tpu.memory_space<vmem>>
    %dma_wait3A_835 = arith.constant 0 : i32
    %dma_wait3A_836 = tpu.memref_slice %arg4[%arg0, %mul3A_831, %dma_wait3A_835] : memref<2x10240x128xf32, #tpu.memory_space<hbm>> -> memref<1x80x128xf32, #tpu.memory_space<hbm>>
    %dma_wait3A_837 = tpu.memref_squeeze %dma_wait3A_836 : memref<1x80x128xf32, #tpu.memory_space<hbm>> -> memref<80x128xf32, #tpu.memory_space<hbm>>
    %dma_wait3A_838 = arith.constant 0 : i32
    %dma_wait3A_839 = tpu.memref_slice %arg4[%arg0, %mul3A_831, %dma_wait3A_838] : memref<2x10240x128xf32, #tpu.memory_space<hbm>> -> memref<1x80x128xf32, #tpu.memory_space<hbm>>
    %dma_wait3A_840 = tpu.memref_squeeze %dma_wait3A_839 : memref<1x80x128xf32, #tpu.memory_space<hbm>> -> memref<80x128xf32, #tpu.memory_space<hbm>>
    %dma_wait3A_841 = arith.constant 0 : i32
    %dma_wait3A_842 = arith.constant 0 : i32
    %dma_wait3A_843 = tpu.memref_slice %arg12[%dma_wait3A_841, %dma_wait3A_842] : memref<80x128xf32, #tpu.memory_space<vmem>> -> memref<80x128xf32, #tpu.memory_space<vmem>>
    tpu.wait_dma2 semaphore(%arg18 : memref<!tpu.dma_semaphore, #tpu.memory_space<semaphore_mem>>) src(%dma_wait3A_843 : memref<80x128xf32, #tpu.memory_space<vmem>>) dst(%dma_wait3A_840 : memref<80x128xf32, #tpu.memory_space<hbm>>)
    %dma_start3A_844 = arith.constant 0 : i32
    %dma_start3A_845 = arith.constant 0 : i32
    %dma_start3A_846 = tpu.memref_slice %arg12[%dma_start3A_844, %dma_start3A_845] : memref<80x128xf32, #tpu.memory_space<vmem>> -> memref<80x128xf32, #tpu.memory_space<vmem>>
    %dma_start3A_847 = arith.constant 0 : i32
    %dma_start3A_848 = tpu.memref_slice %arg21[%add3A_829, %dma_start3A_847] : memref<10240x128xf32, #tpu.memory_space<vmem_shared>> -> memref<80x128xf32, #tpu.memory_space<vmem_shared>>
    %dma_start3A_849 = arith.constant 0 : i32
    %dma_start3A_850 = arith.constant 0 : i32
    %dma_start3A_851 = tpu.memref_slice %arg12[%dma_start3A_849, %dma_start3A_850] : memref<80x128xf32, #tpu.memory_space<vmem>> -> memref<80x128xf32, #tpu.memory_space<vmem>>
    %dma_start3A_852 = arith.constant 0 : i32
    %dma_start3A_853 = tpu.memref_slice %arg21[%add3A_829, %dma_start3A_852] : memref<10240x128xf32, #tpu.memory_space<vmem_shared>> -> memref<80x128xf32, #tpu.memory_space<vmem_shared>>
    tpu.enqueue_dma source(%dma_start3A_853 : memref<80x128xf32, #tpu.memory_space<vmem_shared>>) target(%dma_start3A_851 : memref<80x128xf32, #tpu.memory_space<vmem>>) target_semaphore(%arg15 : memref<!tpu.dma_semaphore, #tpu.memory_space<semaphore_mem>>)
    %mul3A_854 = arith.constant 640 : i32
    %mul3A_855 = arith.muli %arg1, %mul3A_854 : i32
    %dma_wait3A_856 = arith.constant 0 : i32
    %dma_wait3A_857 = arith.constant 0 : i32
    %dma_wait3A_858 = tpu.memref_slice %arg12[%dma_wait3A_856, %dma_wait3A_857] : memref<80x128xf32, #tpu.memory_space<vmem>> -> memref<80x128xf32, #tpu.memory_space<vmem>>
    %dma_wait3A_859 = arith.constant 0 : i32
    %dma_wait3A_860 = tpu.memref_slice %arg21[%mul3A_855, %dma_wait3A_859] : memref<10240x128xf32, #tpu.memory_space<vmem_shared>> -> memref<80x128xf32, #tpu.memory_space<vmem_shared>>
    %dma_wait3A_861 = arith.constant 0 : i32
    %dma_wait3A_862 = arith.constant 0 : i32
    %dma_wait3A_863 = tpu.memref_slice %arg12[%dma_wait3A_861, %dma_wait3A_862] : memref<80x128xf32, #tpu.memory_space<vmem>> -> memref<80x128xf32, #tpu.memory_space<vmem>>
    %dma_wait3A_864 = arith.constant 0 : i32
    %dma_wait3A_865 = tpu.memref_slice %arg21[%mul3A_855, %dma_wait3A_864] : memref<10240x128xf32, #tpu.memory_space<vmem_shared>> -> memref<80x128xf32, #tpu.memory_space<vmem_shared>>
    tpu.wait_dma2 semaphore(%arg15 : memref<!tpu.dma_semaphore, #tpu.memory_space<semaphore_mem>>) src(%dma_wait3A_865 : memref<80x128xf32, #tpu.memory_space<vmem_shared>>) dst(%dma_wait3A_863 : memref<80x128xf32, #tpu.memory_space<vmem>>)
    %dma_start3A_866 = arith.constant 0 : i32
    %dma_start3A_867 = arith.constant 0 : i32
    %dma_start3A_868 = tpu.memref_slice %arg12[%dma_start3A_866, %dma_start3A_867] : memref<80x128xf32, #tpu.memory_space<vmem>> -> memref<80x128xf32, #tpu.memory_space<vmem>>
    %dma_start3A_869 = arith.constant 0 : i32
    %dma_start3A_870 = tpu.memref_slice %arg4[%arg0, %add3A_829, %dma_start3A_869] : memref<2x10240x128xf32, #tpu.memory_space<hbm>> -> memref<1x80x128xf32, #tpu.memory_space<hbm>>
    %dma_start3A_871 = tpu.memref_squeeze %dma_start3A_870 : memref<1x80x128xf32, #tpu.memory_space<hbm>> -> memref<80x128xf32, #tpu.memory_space<hbm>>
    %dma_start3A_872 = arith.constant 0 : i32
    %dma_start3A_873 = tpu.memref_slice %arg4[%arg0, %add3A_829, %dma_start3A_872] : memref<2x10240x128xf32, #tpu.memory_space<hbm>> -> memref<1x80x128xf32, #tpu.memory_space<hbm>>
    %dma_start3A_874 = tpu.memref_squeeze %dma_start3A_873 : memref<1x80x128xf32, #tpu.memory_space<hbm>> -> memref<80x128xf32, #tpu.memory_space<hbm>>
    %dma_start3A_875 = arith.constant 0 : i32
    %dma_start3A_876 = arith.constant 0 : i32
    %dma_start3A_877 = tpu.memref_slice %arg12[%dma_start3A_875, %dma_start3A_876] : memref<80x128xf32, #tpu.memory_space<vmem>> -> memref<80x128xf32, #tpu.memory_space<vmem>>
    tpu.enqueue_dma source(%dma_start3A_877 : memref<80x128xf32, #tpu.memory_space<vmem>>) target(%dma_start3A_874 : memref<80x128xf32, #tpu.memory_space<hbm>>) target_semaphore(%arg18 : memref<!tpu.dma_semaphore, #tpu.memory_space<semaphore_mem>>)
    %mul3A_878 = arith.constant 640 : i32
    %mul3A_879 = arith.muli %arg1, %mul3A_878 : i32
    %add3A_880 = arith.constant 240 : i32
    %add3A_881 = arith.addi %mul3A_879, %add3A_880 : i32
    %mul3A_882 = arith.constant 640 : i32
    %mul3A_883 = arith.muli %arg1, %mul3A_882 : i32
    %dma_wait3A_884 = arith.constant 0 : i32
    %dma_wait3A_885 = arith.constant 0 : i32
    %dma_wait3A_886 = tpu.memref_slice %arg13[%dma_wait3A_884, %dma_wait3A_885] : memref<80x128xf32, #tpu.memory_space<vmem>> -> memref<80x128xf32, #tpu.memory_space<vmem>>
    %dma_wait3A_887 = arith.constant 0 : i32
    %dma_wait3A_888 = tpu.memref_slice %arg4[%arg0, %mul3A_883, %dma_wait3A_887] : memref<2x10240x128xf32, #tpu.memory_space<hbm>> -> memref<1x80x128xf32, #tpu.memory_space<hbm>>
    %dma_wait3A_889 = tpu.memref_squeeze %dma_wait3A_888 : memref<1x80x128xf32, #tpu.memory_space<hbm>> -> memref<80x128xf32, #tpu.memory_space<hbm>>
    %dma_wait3A_890 = arith.constant 0 : i32
    %dma_wait3A_891 = tpu.memref_slice %arg4[%arg0, %mul3A_883, %dma_wait3A_890] : memref<2x10240x128xf32, #tpu.memory_space<hbm>> -> memref<1x80x128xf32, #tpu.memory_space<hbm>>
    %dma_wait3A_892 = tpu.memref_squeeze %dma_wait3A_891 : memref<1x80x128xf32, #tpu.memory_space<hbm>> -> memref<80x128xf32, #tpu.memory_space<hbm>>
    %dma_wait3A_893 = arith.constant 0 : i32
    %dma_wait3A_894 = arith.constant 0 : i32
    %dma_wait3A_895 = tpu.memref_slice %arg13[%dma_wait3A_893, %dma_wait3A_894] : memref<80x128xf32, #tpu.memory_space<vmem>> -> memref<80x128xf32, #tpu.memory_space<vmem>>
    tpu.wait_dma2 semaphore(%arg19 : memref<!tpu.dma_semaphore, #tpu.memory_space<semaphore_mem>>) src(%dma_wait3A_895 : memref<80x128xf32, #tpu.memory_space<vmem>>) dst(%dma_wait3A_892 : memref<80x128xf32, #tpu.memory_space<hbm>>)
    %dma_start3A_896 = arith.constant 0 : i32
    %dma_start3A_897 = arith.constant 0 : i32
    %dma_start3A_898 = tpu.memref_slice %arg13[%dma_start3A_896, %dma_start3A_897] : memref<80x128xf32, #tpu.memory_space<vmem>> -> memref<80x128xf32, #tpu.memory_space<vmem>>
    %dma_start3A_899 = arith.constant 0 : i32
    %dma_start3A_900 = tpu.memref_slice %arg21[%add3A_881, %dma_start3A_899] : memref<10240x128xf32, #tpu.memory_space<vmem_shared>> -> memref<80x128xf32, #tpu.memory_space<vmem_shared>>
    %dma_start3A_901 = arith.constant 0 : i32
    %dma_start3A_902 = arith.constant 0 : i32
    %dma_start3A_903 = tpu.memref_slice %arg13[%dma_start3A_901, %dma_start3A_902] : memref<80x128xf32, #tpu.memory_space<vmem>> -> memref<80x128xf32, #tpu.memory_space<vmem>>
    %dma_start3A_904 = arith.constant 0 : i32
    %dma_start3A_905 = tpu.memref_slice %arg21[%add3A_881, %dma_start3A_904] : memref<10240x128xf32, #tpu.memory_space<vmem_shared>> -> memref<80x128xf32, #tpu.memory_space<vmem_shared>>
    tpu.enqueue_dma source(%dma_start3A_905 : memref<80x128xf32, #tpu.memory_space<vmem_shared>>) target(%dma_start3A_903 : memref<80x128xf32, #tpu.memory_space<vmem>>) target_semaphore(%arg16 : memref<!tpu.dma_semaphore, #tpu.memory_space<semaphore_mem>>)
    %mul3A_906 = arith.constant 640 : i32
    %mul3A_907 = arith.muli %arg1, %mul3A_906 : i32
    %dma_wait3A_908 = arith.constant 0 : i32
    %dma_wait3A_909 = arith.constant 0 : i32
    %dma_wait3A_910 = tpu.memref_slice %arg13[%dma_wait3A_908, %dma_wait3A_909] : memref<80x128xf32, #tpu.memory_space<vmem>> -> memref<80x128xf32, #tpu.memory_space<vmem>>
    %dma_wait3A_911 = arith.constant 0 : i32
    %dma_wait3A_912 = tpu.memref_slice %arg21[%mul3A_907, %dma_wait3A_911] : memref<10240x128xf32, #tpu.memory_space<vmem_shared>> -> memref<80x128xf32, #tpu.memory_space<vmem_shared>>
    %dma_wait3A_913 = arith.constant 0 : i32
    %dma_wait3A_914 = arith.constant 0 : i32
    %dma_wait3A_915 = tpu.memref_slice %arg13[%dma_wait3A_913, %dma_wait3A_914] : memref<80x128xf32, #tpu.memory_space<vmem>> -> memref<80x128xf32, #tpu.memory_space<vmem>>
    %dma_wait3A_916 = arith.constant 0 : i32
    %dma_wait3A_917 = tpu.memref_slice %arg21[%mul3A_907, %dma_wait3A_916] : memref<10240x128xf32, #tpu.memory_space<vmem_shared>> -> memref<80x128xf32, #tpu.memory_space<vmem_shared>>
    tpu.wait_dma2 semaphore(%arg16 : memref<!tpu.dma_semaphore, #tpu.memory_space<semaphore_mem>>) src(%dma_wait3A_917 : memref<80x128xf32, #tpu.memory_space<vmem_shared>>) dst(%dma_wait3A_915 : memref<80x128xf32, #tpu.memory_space<vmem>>)
    %dma_start3A_918 = arith.constant 0 : i32
    %dma_start3A_919 = arith.constant 0 : i32
    %dma_start3A_920 = tpu.memref_slice %arg13[%dma_start3A_918, %dma_start3A_919] : memref<80x128xf32, #tpu.memory_space<vmem>> -> memref<80x128xf32, #tpu.memory_space<vmem>>
    %dma_start3A_921 = arith.constant 0 : i32
    %dma_start3A_922 = tpu.memref_slice %arg4[%arg0, %add3A_881, %dma_start3A_921] : memref<2x10240x128xf32, #tpu.memory_space<hbm>> -> memref<1x80x128xf32, #tpu.memory_space<hbm>>
    %dma_start3A_923 = tpu.memref_squeeze %dma_start3A_922 : memref<1x80x128xf32, #tpu.memory_space<hbm>> -> memref<80x128xf32, #tpu.memory_space<hbm>>
    %dma_start3A_924 = arith.constant 0 : i32
    %dma_start3A_925 = tpu.memref_slice %arg4[%arg0, %add3A_881, %dma_start3A_924] : memref<2x10240x128xf32, #tpu.memory_space<hbm>> -> memref<1x80x128xf32, #tpu.memory_space<hbm>>
    %dma_start3A_926 = tpu.memref_squeeze %dma_start3A_925 : memref<1x80x128xf32, #tpu.memory_space<hbm>> -> memref<80x128xf32, #tpu.memory_space<hbm>>
    %dma_start3A_927 = arith.constant 0 : i32
    %dma_start3A_928 = arith.constant 0 : i32
    %dma_start3A_929 = tpu.memref_slice %arg13[%dma_start3A_927, %dma_start3A_928] : memref<80x128xf32, #tpu.memory_space<vmem>> -> memref<80x128xf32, #tpu.memory_space<vmem>>
    tpu.enqueue_dma source(%dma_start3A_929 : memref<80x128xf32, #tpu.memory_space<vmem>>) target(%dma_start3A_926 : memref<80x128xf32, #tpu.memory_space<hbm>>) target_semaphore(%arg19 : memref<!tpu.dma_semaphore, #tpu.memory_space<semaphore_mem>>)
    %mul3A_930 = arith.constant 640 : i32
    %mul3A_931 = arith.muli %arg1, %mul3A_930 : i32
    %add3A_932 = arith.constant 320 : i32
    %add3A_933 = arith.addi %mul3A_931, %add3A_932 : i32
    %mul3A_934 = arith.constant 640 : i32
    %mul3A_935 = arith.muli %arg1, %mul3A_934 : i32
    %dma_wait3A_936 = arith.constant 0 : i32
    %dma_wait3A_937 = arith.constant 0 : i32
    %dma_wait3A_938 = tpu.memref_slice %arg12[%dma_wait3A_936, %dma_wait3A_937] : memref<80x128xf32, #tpu.memory_space<vmem>> -> memref<80x128xf32, #tpu.memory_space<vmem>>
    %dma_wait3A_939 = arith.constant 0 : i32
    %dma_wait3A_940 = tpu.memref_slice %arg4[%arg0, %mul3A_935, %dma_wait3A_939] : memref<2x10240x128xf32, #tpu.memory_space<hbm>> -> memref<1x80x128xf32, #tpu.memory_space<hbm>>
    %dma_wait3A_941 = tpu.memref_squeeze %dma_wait3A_940 : memref<1x80x128xf32, #tpu.memory_space<hbm>> -> memref<80x128xf32, #tpu.memory_space<hbm>>
    %dma_wait3A_942 = arith.constant 0 : i32
    %dma_wait3A_943 = tpu.memref_slice %arg4[%arg0, %mul3A_935, %dma_wait3A_942] : memref<2x10240x128xf32, #tpu.memory_space<hbm>> -> memref<1x80x128xf32, #tpu.memory_space<hbm>>
    %dma_wait3A_944 = tpu.memref_squeeze %dma_wait3A_943 : memref<1x80x128xf32, #tpu.memory_space<hbm>> -> memref<80x128xf32, #tpu.memory_space<hbm>>
    %dma_wait3A_945 = arith.constant 0 : i32
    %dma_wait3A_946 = arith.constant 0 : i32
    %dma_wait3A_947 = tpu.memref_slice %arg12[%dma_wait3A_945, %dma_wait3A_946] : memref<80x128xf32, #tpu.memory_space<vmem>> -> memref<80x128xf32, #tpu.memory_space<vmem>>
    tpu.wait_dma2 semaphore(%arg18 : memref<!tpu.dma_semaphore, #tpu.memory_space<semaphore_mem>>) src(%dma_wait3A_947 : memref<80x128xf32, #tpu.memory_space<vmem>>) dst(%dma_wait3A_944 : memref<80x128xf32, #tpu.memory_space<hbm>>)
    %dma_start3A_948 = arith.constant 0 : i32
    %dma_start3A_949 = arith.constant 0 : i32
    %dma_start3A_950 = tpu.memref_slice %arg12[%dma_start3A_948, %dma_start3A_949] : memref<80x128xf32, #tpu.memory_space<vmem>> -> memref<80x128xf32, #tpu.memory_space<vmem>>
    %dma_start3A_951 = arith.constant 0 : i32
    %dma_start3A_952 = tpu.memref_slice %arg21[%add3A_933, %dma_start3A_951] : memref<10240x128xf32, #tpu.memory_space<vmem_shared>> -> memref<80x128xf32, #tpu.memory_space<vmem_shared>>
    %dma_start3A_953 = arith.constant 0 : i32
    %dma_start3A_954 = arith.constant 0 : i32
    %dma_start3A_955 = tpu.memref_slice %arg12[%dma_start3A_953, %dma_start3A_954] : memref<80x128xf32, #tpu.memory_space<vmem>> -> memref<80x128xf32, #tpu.memory_space<vmem>>
    %dma_start3A_956 = arith.constant 0 : i32
    %dma_start3A_957 = tpu.memref_slice %arg21[%add3A_933, %dma_start3A_956] : memref<10240x128xf32, #tpu.memory_space<vmem_shared>> -> memref<80x128xf32, #tpu.memory_space<vmem_shared>>
    tpu.enqueue_dma source(%dma_start3A_957 : memref<80x128xf32, #tpu.memory_space<vmem_shared>>) target(%dma_start3A_955 : memref<80x128xf32, #tpu.memory_space<vmem>>) target_semaphore(%arg15 : memref<!tpu.dma_semaphore, #tpu.memory_space<semaphore_mem>>)
    %mul3A_958 = arith.constant 640 : i32
    %mul3A_959 = arith.muli %arg1, %mul3A_958 : i32
    %dma_wait3A_960 = arith.constant 0 : i32
    %dma_wait3A_961 = arith.constant 0 : i32
    %dma_wait3A_962 = tpu.memref_slice %arg12[%dma_wait3A_960, %dma_wait3A_961] : memref<80x128xf32, #tpu.memory_space<vmem>> -> memref<80x128xf32, #tpu.memory_space<vmem>>
    %dma_wait3A_963 = arith.constant 0 : i32
    %dma_wait3A_964 = tpu.memref_slice %arg21[%mul3A_959, %dma_wait3A_963] : memref<10240x128xf32, #tpu.memory_space<vmem_shared>> -> memref<80x128xf32, #tpu.memory_space<vmem_shared>>
    %dma_wait3A_965 = arith.constant 0 : i32
    %dma_wait3A_966 = arith.constant 0 : i32
    %dma_wait3A_967 = tpu.memref_slice %arg12[%dma_wait3A_965, %dma_wait3A_966] : memref<80x128xf32, #tpu.memory_space<vmem>> -> memref<80x128xf32, #tpu.memory_space<vmem>>
    %dma_wait3A_968 = arith.constant 0 : i32
    %dma_wait3A_969 = tpu.memref_slice %arg21[%mul3A_959, %dma_wait3A_968] : memref<10240x128xf32, #tpu.memory_space<vmem_shared>> -> memref<80x128xf32, #tpu.memory_space<vmem_shared>>
    tpu.wait_dma2 semaphore(%arg15 : memref<!tpu.dma_semaphore, #tpu.memory_space<semaphore_mem>>) src(%dma_wait3A_969 : memref<80x128xf32, #tpu.memory_space<vmem_shared>>) dst(%dma_wait3A_967 : memref<80x128xf32, #tpu.memory_space<vmem>>)
    %dma_start3A_970 = arith.constant 0 : i32
    %dma_start3A_971 = arith.constant 0 : i32
    %dma_start3A_972 = tpu.memref_slice %arg12[%dma_start3A_970, %dma_start3A_971] : memref<80x128xf32, #tpu.memory_space<vmem>> -> memref<80x128xf32, #tpu.memory_space<vmem>>
    %dma_start3A_973 = arith.constant 0 : i32
    %dma_start3A_974 = tpu.memref_slice %arg4[%arg0, %add3A_933, %dma_start3A_973] : memref<2x10240x128xf32, #tpu.memory_space<hbm>> -> memref<1x80x128xf32, #tpu.memory_space<hbm>>
    %dma_start3A_975 = tpu.memref_squeeze %dma_start3A_974 : memref<1x80x128xf32, #tpu.memory_space<hbm>> -> memref<80x128xf32, #tpu.memory_space<hbm>>
    %dma_start3A_976 = arith.constant 0 : i32
    %dma_start3A_977 = tpu.memref_slice %arg4[%arg0, %add3A_933, %dma_start3A_976] : memref<2x10240x128xf32, #tpu.memory_space<hbm>> -> memref<1x80x128xf32, #tpu.memory_space<hbm>>
    %dma_start3A_978 = tpu.memref_squeeze %dma_start3A_977 : memref<1x80x128xf32, #tpu.memory_space<hbm>> -> memref<80x128xf32, #tpu.memory_space<hbm>>
    %dma_start3A_979 = arith.constant 0 : i32
    %dma_start3A_980 = arith.constant 0 : i32
    %dma_start3A_981 = tpu.memref_slice %arg12[%dma_start3A_979, %dma_start3A_980] : memref<80x128xf32, #tpu.memory_space<vmem>> -> memref<80x128xf32, #tpu.memory_space<vmem>>
    tpu.enqueue_dma source(%dma_start3A_981 : memref<80x128xf32, #tpu.memory_space<vmem>>) target(%dma_start3A_978 : memref<80x128xf32, #tpu.memory_space<hbm>>) target_semaphore(%arg18 : memref<!tpu.dma_semaphore, #tpu.memory_space<semaphore_mem>>)
    %mul3A_982 = arith.constant 640 : i32
    %mul3A_983 = arith.muli %arg1, %mul3A_982 : i32
    %add3A_984 = arith.constant 400 : i32
    %add3A_985 = arith.addi %mul3A_983, %add3A_984 : i32
    %mul3A_986 = arith.constant 640 : i32
    %mul3A_987 = arith.muli %arg1, %mul3A_986 : i32
    %dma_wait3A_988 = arith.constant 0 : i32
    %dma_wait3A_989 = arith.constant 0 : i32
    %dma_wait3A_990 = tpu.memref_slice %arg13[%dma_wait3A_988, %dma_wait3A_989] : memref<80x128xf32, #tpu.memory_space<vmem>> -> memref<80x128xf32, #tpu.memory_space<vmem>>
    %dma_wait3A_991 = arith.constant 0 : i32
    %dma_wait3A_992 = tpu.memref_slice %arg4[%arg0, %mul3A_987, %dma_wait3A_991] : memref<2x10240x128xf32, #tpu.memory_space<hbm>> -> memref<1x80x128xf32, #tpu.memory_space<hbm>>
    %dma_wait3A_993 = tpu.memref_squeeze %dma_wait3A_992 : memref<1x80x128xf32, #tpu.memory_space<hbm>> -> memref<80x128xf32, #tpu.memory_space<hbm>>
    %dma_wait3A_994 = arith.constant 0 : i32
    %dma_wait3A_995 = tpu.memref_slice %arg4[%arg0, %mul3A_987, %dma_wait3A_994] : memref<2x10240x128xf32, #tpu.memory_space<hbm>> -> memref<1x80x128xf32, #tpu.memory_space<hbm>>
    %dma_wait3A_996 = tpu.memref_squeeze %dma_wait3A_995 : memref<1x80x128xf32, #tpu.memory_space<hbm>> -> memref<80x128xf32, #tpu.memory_space<hbm>>
    %dma_wait3A_997 = arith.constant 0 : i32
    %dma_wait3A_998 = arith.constant 0 : i32
    %dma_wait3A_999 = tpu.memref_slice %arg13[%dma_wait3A_997, %dma_wait3A_998] : memref<80x128xf32, #tpu.memory_space<vmem>> -> memref<80x128xf32, #tpu.memory_space<vmem>>
    tpu.wait_dma2 semaphore(%arg19 : memref<!tpu.dma_semaphore, #tpu.memory_space<semaphore_mem>>) src(%dma_wait3A_999 : memref<80x128xf32, #tpu.memory_space<vmem>>) dst(%dma_wait3A_996 : memref<80x128xf32, #tpu.memory_space<hbm>>)
    %dma_start3A_1000 = arith.constant 0 : i32
    %dma_start3A_1001 = arith.constant 0 : i32
    %dma_start3A_1002 = tpu.memref_slice %arg13[%dma_start3A_1000, %dma_start3A_1001] : memref<80x128xf32, #tpu.memory_space<vmem>> -> memref<80x128xf32, #tpu.memory_space<vmem>>
    %dma_start3A_1003 = arith.constant 0 : i32
    %dma_start3A_1004 = tpu.memref_slice %arg21[%add3A_985, %dma_start3A_1003] : memref<10240x128xf32, #tpu.memory_space<vmem_shared>> -> memref<80x128xf32, #tpu.memory_space<vmem_shared>>
    %dma_start3A_1005 = arith.constant 0 : i32
    %dma_start3A_1006 = arith.constant 0 : i32
    %dma_start3A_1007 = tpu.memref_slice %arg13[%dma_start3A_1005, %dma_start3A_1006] : memref<80x128xf32, #tpu.memory_space<vmem>> -> memref<80x128xf32, #tpu.memory_space<vmem>>
    %dma_start3A_1008 = arith.constant 0 : i32
    %dma_start3A_1009 = tpu.memref_slice %arg21[%add3A_985, %dma_start3A_1008] : memref<10240x128xf32, #tpu.memory_space<vmem_shared>> -> memref<80x128xf32, #tpu.memory_space<vmem_shared>>
    tpu.enqueue_dma source(%dma_start3A_1009 : memref<80x128xf32, #tpu.memory_space<vmem_shared>>) target(%dma_start3A_1007 : memref<80x128xf32, #tpu.memory_space<vmem>>) target_semaphore(%arg16 : memref<!tpu.dma_semaphore, #tpu.memory_space<semaphore_mem>>)
    %mul3A_1010 = arith.constant 640 : i32
    %mul3A_1011 = arith.muli %arg1, %mul3A_1010 : i32
    %dma_wait3A_1012 = arith.constant 0 : i32
    %dma_wait3A_1013 = arith.constant 0 : i32
    %dma_wait3A_1014 = tpu.memref_slice %arg13[%dma_wait3A_1012, %dma_wait3A_1013] : memref<80x128xf32, #tpu.memory_space<vmem>> -> memref<80x128xf32, #tpu.memory_space<vmem>>
    %dma_wait3A_1015 = arith.constant 0 : i32
    %dma_wait3A_1016 = tpu.memref_slice %arg21[%mul3A_1011, %dma_wait3A_1015] : memref<10240x128xf32, #tpu.memory_space<vmem_shared>> -> memref<80x128xf32, #tpu.memory_space<vmem_shared>>
    %dma_wait3A_1017 = arith.constant 0 : i32
    %dma_wait3A_1018 = arith.constant 0 : i32
    %dma_wait3A_1019 = tpu.memref_slice %arg13[%dma_wait3A_1017, %dma_wait3A_1018] : memref<80x128xf32, #tpu.memory_space<vmem>> -> memref<80x128xf32, #tpu.memory_space<vmem>>
    %dma_wait3A_1020 = arith.constant 0 : i32
    %dma_wait3A_1021 = tpu.memref_slice %arg21[%mul3A_1011, %dma_wait3A_1020] : memref<10240x128xf32, #tpu.memory_space<vmem_shared>> -> memref<80x128xf32, #tpu.memory_space<vmem_shared>>
    tpu.wait_dma2 semaphore(%arg16 : memref<!tpu.dma_semaphore, #tpu.memory_space<semaphore_mem>>) src(%dma_wait3A_1021 : memref<80x128xf32, #tpu.memory_space<vmem_shared>>) dst(%dma_wait3A_1019 : memref<80x128xf32, #tpu.memory_space<vmem>>)
    %dma_start3A_1022 = arith.constant 0 : i32
    %dma_start3A_1023 = arith.constant 0 : i32
    %dma_start3A_1024 = tpu.memref_slice %arg13[%dma_start3A_1022, %dma_start3A_1023] : memref<80x128xf32, #tpu.memory_space<vmem>> -> memref<80x128xf32, #tpu.memory_space<vmem>>
    %dma_start3A_1025 = arith.constant 0 : i32
    %dma_start3A_1026 = tpu.memref_slice %arg4[%arg0, %add3A_985, %dma_start3A_1025] : memref<2x10240x128xf32, #tpu.memory_space<hbm>> -> memref<1x80x128xf32, #tpu.memory_space<hbm>>
    %dma_start3A_1027 = tpu.memref_squeeze %dma_start3A_1026 : memref<1x80x128xf32, #tpu.memory_space<hbm>> -> memref<80x128xf32, #tpu.memory_space<hbm>>
    %dma_start3A_1028 = arith.constant 0 : i32
    %dma_start3A_1029 = tpu.memref_slice %arg4[%arg0, %add3A_985, %dma_start3A_1028] : memref<2x10240x128xf32, #tpu.memory_space<hbm>> -> memref<1x80x128xf32, #tpu.memory_space<hbm>>
    %dma_start3A_1030 = tpu.memref_squeeze %dma_start3A_1029 : memref<1x80x128xf32, #tpu.memory_space<hbm>> -> memref<80x128xf32, #tpu.memory_space<hbm>>
    %dma_start3A_1031 = arith.constant 0 : i32
    %dma_start3A_1032 = arith.constant 0 : i32
    %dma_start3A_1033 = tpu.memref_slice %arg13[%dma_start3A_1031, %dma_start3A_1032] : memref<80x128xf32, #tpu.memory_space<vmem>> -> memref<80x128xf32, #tpu.memory_space<vmem>>
    tpu.enqueue_dma source(%dma_start3A_1033 : memref<80x128xf32, #tpu.memory_space<vmem>>) target(%dma_start3A_1030 : memref<80x128xf32, #tpu.memory_space<hbm>>) target_semaphore(%arg19 : memref<!tpu.dma_semaphore, #tpu.memory_space<semaphore_mem>>)
    %mul3A_1034 = arith.constant 640 : i32
    %mul3A_1035 = arith.muli %arg1, %mul3A_1034 : i32
    %add3A_1036 = arith.constant 480 : i32
    %add3A_1037 = arith.addi %mul3A_1035, %add3A_1036 : i32
    %mul3A_1038 = arith.constant 640 : i32
    %mul3A_1039 = arith.muli %arg1, %mul3A_1038 : i32
    %dma_wait3A_1040 = arith.constant 0 : i32
    %dma_wait3A_1041 = arith.constant 0 : i32
    %dma_wait3A_1042 = tpu.memref_slice %arg12[%dma_wait3A_1040, %dma_wait3A_1041] : memref<80x128xf32, #tpu.memory_space<vmem>> -> memref<80x128xf32, #tpu.memory_space<vmem>>
    %dma_wait3A_1043 = arith.constant 0 : i32
    %dma_wait3A_1044 = tpu.memref_slice %arg4[%arg0, %mul3A_1039, %dma_wait3A_1043] : memref<2x10240x128xf32, #tpu.memory_space<hbm>> -> memref<1x80x128xf32, #tpu.memory_space<hbm>>
    %dma_wait3A_1045 = tpu.memref_squeeze %dma_wait3A_1044 : memref<1x80x128xf32, #tpu.memory_space<hbm>> -> memref<80x128xf32, #tpu.memory_space<hbm>>
    %dma_wait3A_1046 = arith.constant 0 : i32
    %dma_wait3A_1047 = tpu.memref_slice %arg4[%arg0, %mul3A_1039, %dma_wait3A_1046] : memref<2x10240x128xf32, #tpu.memory_space<hbm>> -> memref<1x80x128xf32, #tpu.memory_space<hbm>>
    %dma_wait3A_1048 = tpu.memref_squeeze %dma_wait3A_1047 : memref<1x80x128xf32, #tpu.memory_space<hbm>> -> memref<80x128xf32, #tpu.memory_space<hbm>>
    %dma_wait3A_1049 = arith.constant 0 : i32
    %dma_wait3A_1050 = arith.constant 0 : i32
    %dma_wait3A_1051 = tpu.memref_slice %arg12[%dma_wait3A_1049, %dma_wait3A_1050] : memref<80x128xf32, #tpu.memory_space<vmem>> -> memref<80x128xf32, #tpu.memory_space<vmem>>
    tpu.wait_dma2 semaphore(%arg18 : memref<!tpu.dma_semaphore, #tpu.memory_space<semaphore_mem>>) src(%dma_wait3A_1051 : memref<80x128xf32, #tpu.memory_space<vmem>>) dst(%dma_wait3A_1048 : memref<80x128xf32, #tpu.memory_space<hbm>>)
    %dma_start3A_1052 = arith.constant 0 : i32
    %dma_start3A_1053 = arith.constant 0 : i32
    %dma_start3A_1054 = tpu.memref_slice %arg12[%dma_start3A_1052, %dma_start3A_1053] : memref<80x128xf32, #tpu.memory_space<vmem>> -> memref<80x128xf32, #tpu.memory_space<vmem>>
    %dma_start3A_1055 = arith.constant 0 : i32
    %dma_start3A_1056 = tpu.memref_slice %arg21[%add3A_1037, %dma_start3A_1055] : memref<10240x128xf32, #tpu.memory_space<vmem_shared>> -> memref<80x128xf32, #tpu.memory_space<vmem_shared>>
    %dma_start3A_1057 = arith.constant 0 : i32
    %dma_start3A_1058 = arith.constant 0 : i32
    %dma_start3A_1059 = tpu.memref_slice %arg12[%dma_start3A_1057, %dma_start3A_1058] : memref<80x128xf32, #tpu.memory_space<vmem>> -> memref<80x128xf32, #tpu.memory_space<vmem>>
    %dma_start3A_1060 = arith.constant 0 : i32
    %dma_start3A_1061 = tpu.memref_slice %arg21[%add3A_1037, %dma_start3A_1060] : memref<10240x128xf32, #tpu.memory_space<vmem_shared>> -> memref<80x128xf32, #tpu.memory_space<vmem_shared>>
    tpu.enqueue_dma source(%dma_start3A_1061 : memref<80x128xf32, #tpu.memory_space<vmem_shared>>) target(%dma_start3A_1059 : memref<80x128xf32, #tpu.memory_space<vmem>>) target_semaphore(%arg15 : memref<!tpu.dma_semaphore, #tpu.memory_space<semaphore_mem>>)
    %mul3A_1062 = arith.constant 640 : i32
    %mul3A_1063 = arith.muli %arg1, %mul3A_1062 : i32
    %dma_wait3A_1064 = arith.constant 0 : i32
    %dma_wait3A_1065 = arith.constant 0 : i32
    %dma_wait3A_1066 = tpu.memref_slice %arg12[%dma_wait3A_1064, %dma_wait3A_1065] : memref<80x128xf32, #tpu.memory_space<vmem>> -> memref<80x128xf32, #tpu.memory_space<vmem>>
    %dma_wait3A_1067 = arith.constant 0 : i32
    %dma_wait3A_1068 = tpu.memref_slice %arg21[%mul3A_1063, %dma_wait3A_1067] : memref<10240x128xf32, #tpu.memory_space<vmem_shared>> -> memref<80x128xf32, #tpu.memory_space<vmem_shared>>
    %dma_wait3A_1069 = arith.constant 0 : i32
    %dma_wait3A_1070 = arith.constant 0 : i32
    %dma_wait3A_1071 = tpu.memref_slice %arg12[%dma_wait3A_1069, %dma_wait3A_1070] : memref<80x128xf32, #tpu.memory_space<vmem>> -> memref<80x128xf32, #tpu.memory_space<vmem>>
    %dma_wait3A_1072 = arith.constant 0 : i32
    %dma_wait3A_1073 = tpu.memref_slice %arg21[%mul3A_1063, %dma_wait3A_1072] : memref<10240x128xf32, #tpu.memory_space<vmem_shared>> -> memref<80x128xf32, #tpu.memory_space<vmem_shared>>
    tpu.wait_dma2 semaphore(%arg15 : memref<!tpu.dma_semaphore, #tpu.memory_space<semaphore_mem>>) src(%dma_wait3A_1073 : memref<80x128xf32, #tpu.memory_space<vmem_shared>>) dst(%dma_wait3A_1071 : memref<80x128xf32, #tpu.memory_space<vmem>>)
    %dma_start3A_1074 = arith.constant 0 : i32
    %dma_start3A_1075 = arith.constant 0 : i32
    %dma_start3A_1076 = tpu.memref_slice %arg12[%dma_start3A_1074, %dma_start3A_1075] : memref<80x128xf32, #tpu.memory_space<vmem>> -> memref<80x128xf32, #tpu.memory_space<vmem>>
    %dma_start3A_1077 = arith.constant 0 : i32
    %dma_start3A_1078 = tpu.memref_slice %arg4[%arg0, %add3A_1037, %dma_start3A_1077] : memref<2x10240x128xf32, #tpu.memory_space<hbm>> -> memref<1x80x128xf32, #tpu.memory_space<hbm>>
    %dma_start3A_1079 = tpu.memref_squeeze %dma_start3A_1078 : memref<1x80x128xf32, #tpu.memory_space<hbm>> -> memref<80x128xf32, #tpu.memory_space<hbm>>
    %dma_start3A_1080 = arith.constant 0 : i32
    %dma_start3A_1081 = tpu.memref_slice %arg4[%arg0, %add3A_1037, %dma_start3A_1080] : memref<2x10240x128xf32, #tpu.memory_space<hbm>> -> memref<1x80x128xf32, #tpu.memory_space<hbm>>
    %dma_start3A_1082 = tpu.memref_squeeze %dma_start3A_1081 : memref<1x80x128xf32, #tpu.memory_space<hbm>> -> memref<80x128xf32, #tpu.memory_space<hbm>>
    %dma_start3A_1083 = arith.constant 0 : i32
    %dma_start3A_1084 = arith.constant 0 : i32
    %dma_start3A_1085 = tpu.memref_slice %arg12[%dma_start3A_1083, %dma_start3A_1084] : memref<80x128xf32, #tpu.memory_space<vmem>> -> memref<80x128xf32, #tpu.memory_space<vmem>>
    tpu.enqueue_dma source(%dma_start3A_1085 : memref<80x128xf32, #tpu.memory_space<vmem>>) target(%dma_start3A_1082 : memref<80x128xf32, #tpu.memory_space<hbm>>) target_semaphore(%arg18 : memref<!tpu.dma_semaphore, #tpu.memory_space<semaphore_mem>>)
    %mul3A_1086 = arith.constant 640 : i32
    %mul3A_1087 = arith.muli %arg1, %mul3A_1086 : i32
    %add3A_1088 = arith.constant 560 : i32
    %add3A_1089 = arith.addi %mul3A_1087, %add3A_1088 : i32
    %mul3A_1090 = arith.constant 640 : i32
    %mul3A_1091 = arith.muli %arg1, %mul3A_1090 : i32
    %dma_wait3A_1092 = arith.constant 0 : i32
    %dma_wait3A_1093 = arith.constant 0 : i32
    %dma_wait3A_1094 = tpu.memref_slice %arg13[%dma_wait3A_1092, %dma_wait3A_1093] : memref<80x128xf32, #tpu.memory_space<vmem>> -> memref<80x128xf32, #tpu.memory_space<vmem>>
    %dma_wait3A_1095 = arith.constant 0 : i32
    %dma_wait3A_1096 = tpu.memref_slice %arg4[%arg0, %mul3A_1091, %dma_wait3A_1095] : memref<2x10240x128xf32, #tpu.memory_space<hbm>> -> memref<1x80x128xf32, #tpu.memory_space<hbm>>
    %dma_wait3A_1097 = tpu.memref_squeeze %dma_wait3A_1096 : memref<1x80x128xf32, #tpu.memory_space<hbm>> -> memref<80x128xf32, #tpu.memory_space<hbm>>
    %dma_wait3A_1098 = arith.constant 0 : i32
    %dma_wait3A_1099 = tpu.memref_slice %arg4[%arg0, %mul3A_1091, %dma_wait3A_1098] : memref<2x10240x128xf32, #tpu.memory_space<hbm>> -> memref<1x80x128xf32, #tpu.memory_space<hbm>>
    %dma_wait3A_1100 = tpu.memref_squeeze %dma_wait3A_1099 : memref<1x80x128xf32, #tpu.memory_space<hbm>> -> memref<80x128xf32, #tpu.memory_space<hbm>>
    %dma_wait3A_1101 = arith.constant 0 : i32
    %dma_wait3A_1102 = arith.constant 0 : i32
    %dma_wait3A_1103 = tpu.memref_slice %arg13[%dma_wait3A_1101, %dma_wait3A_1102] : memref<80x128xf32, #tpu.memory_space<vmem>> -> memref<80x128xf32, #tpu.memory_space<vmem>>
    tpu.wait_dma2 semaphore(%arg19 : memref<!tpu.dma_semaphore, #tpu.memory_space<semaphore_mem>>) src(%dma_wait3A_1103 : memref<80x128xf32, #tpu.memory_space<vmem>>) dst(%dma_wait3A_1100 : memref<80x128xf32, #tpu.memory_space<hbm>>)
    %dma_start3A_1104 = arith.constant 0 : i32
    %dma_start3A_1105 = arith.constant 0 : i32
    %dma_start3A_1106 = tpu.memref_slice %arg13[%dma_start3A_1104, %dma_start3A_1105] : memref<80x128xf32, #tpu.memory_space<vmem>> -> memref<80x128xf32, #tpu.memory_space<vmem>>
    %dma_start3A_1107 = arith.constant 0 : i32
    %dma_start3A_1108 = tpu.memref_slice %arg21[%add3A_1089, %dma_start3A_1107] : memref<10240x128xf32, #tpu.memory_space<vmem_shared>> -> memref<80x128xf32, #tpu.memory_space<vmem_shared>>
    %dma_start3A_1109 = arith.constant 0 : i32
    %dma_start3A_1110 = arith.constant 0 : i32
    %dma_start3A_1111 = tpu.memref_slice %arg13[%dma_start3A_1109, %dma_start3A_1110] : memref<80x128xf32, #tpu.memory_space<vmem>> -> memref<80x128xf32, #tpu.memory_space<vmem>>
    %dma_start3A_1112 = arith.constant 0 : i32
    %dma_start3A_1113 = tpu.memref_slice %arg21[%add3A_1089, %dma_start3A_1112] : memref<10240x128xf32, #tpu.memory_space<vmem_shared>> -> memref<80x128xf32, #tpu.memory_space<vmem_shared>>
    tpu.enqueue_dma source(%dma_start3A_1113 : memref<80x128xf32, #tpu.memory_space<vmem_shared>>) target(%dma_start3A_1111 : memref<80x128xf32, #tpu.memory_space<vmem>>) target_semaphore(%arg16 : memref<!tpu.dma_semaphore, #tpu.memory_space<semaphore_mem>>)
    %mul3A_1114 = arith.constant 640 : i32
    %mul3A_1115 = arith.muli %arg1, %mul3A_1114 : i32
    %dma_wait3A_1116 = arith.constant 0 : i32
    %dma_wait3A_1117 = arith.constant 0 : i32
    %dma_wait3A_1118 = tpu.memref_slice %arg13[%dma_wait3A_1116, %dma_wait3A_1117] : memref<80x128xf32, #tpu.memory_space<vmem>> -> memref<80x128xf32, #tpu.memory_space<vmem>>
    %dma_wait3A_1119 = arith.constant 0 : i32
    %dma_wait3A_1120 = tpu.memref_slice %arg21[%mul3A_1115, %dma_wait3A_1119] : memref<10240x128xf32, #tpu.memory_space<vmem_shared>> -> memref<80x128xf32, #tpu.memory_space<vmem_shared>>
    %dma_wait3A_1121 = arith.constant 0 : i32
    %dma_wait3A_1122 = arith.constant 0 : i32
    %dma_wait3A_1123 = tpu.memref_slice %arg13[%dma_wait3A_1121, %dma_wait3A_1122] : memref<80x128xf32, #tpu.memory_space<vmem>> -> memref<80x128xf32, #tpu.memory_space<vmem>>
    %dma_wait3A_1124 = arith.constant 0 : i32
    %dma_wait3A_1125 = tpu.memref_slice %arg21[%mul3A_1115, %dma_wait3A_1124] : memref<10240x128xf32, #tpu.memory_space<vmem_shared>> -> memref<80x128xf32, #tpu.memory_space<vmem_shared>>
    tpu.wait_dma2 semaphore(%arg16 : memref<!tpu.dma_semaphore, #tpu.memory_space<semaphore_mem>>) src(%dma_wait3A_1125 : memref<80x128xf32, #tpu.memory_space<vmem_shared>>) dst(%dma_wait3A_1123 : memref<80x128xf32, #tpu.memory_space<vmem>>)
    %dma_start3A_1126 = arith.constant 0 : i32
    %dma_start3A_1127 = arith.constant 0 : i32
    %dma_start3A_1128 = tpu.memref_slice %arg13[%dma_start3A_1126, %dma_start3A_1127] : memref<80x128xf32, #tpu.memory_space<vmem>> -> memref<80x128xf32, #tpu.memory_space<vmem>>
    %dma_start3A_1129 = arith.constant 0 : i32
    %dma_start3A_1130 = tpu.memref_slice %arg4[%arg0, %add3A_1089, %dma_start3A_1129] : memref<2x10240x128xf32, #tpu.memory_space<hbm>> -> memref<1x80x128xf32, #tpu.memory_space<hbm>>
    %dma_start3A_1131 = tpu.memref_squeeze %dma_start3A_1130 : memref<1x80x128xf32, #tpu.memory_space<hbm>> -> memref<80x128xf32, #tpu.memory_space<hbm>>
    %dma_start3A_1132 = arith.constant 0 : i32
    %dma_start3A_1133 = tpu.memref_slice %arg4[%arg0, %add3A_1089, %dma_start3A_1132] : memref<2x10240x128xf32, #tpu.memory_space<hbm>> -> memref<1x80x128xf32, #tpu.memory_space<hbm>>
    %dma_start3A_1134 = tpu.memref_squeeze %dma_start3A_1133 : memref<1x80x128xf32, #tpu.memory_space<hbm>> -> memref<80x128xf32, #tpu.memory_space<hbm>>
    %dma_start3A_1135 = arith.constant 0 : i32
    %dma_start3A_1136 = arith.constant 0 : i32
    %dma_start3A_1137 = tpu.memref_slice %arg13[%dma_start3A_1135, %dma_start3A_1136] : memref<80x128xf32, #tpu.memory_space<vmem>> -> memref<80x128xf32, #tpu.memory_space<vmem>>
    tpu.enqueue_dma source(%dma_start3A_1137 : memref<80x128xf32, #tpu.memory_space<vmem>>) target(%dma_start3A_1134 : memref<80x128xf32, #tpu.memory_space<hbm>>) target_semaphore(%arg19 : memref<!tpu.dma_semaphore, #tpu.memory_space<semaphore_mem>>)
    %mul3A_1138 = arith.constant 640 : i32
    %mul3A_1139 = arith.muli %arg1, %mul3A_1138 : i32
    %dma_wait3A_1140 = arith.constant 0 : i32
    %dma_wait3A_1141 = arith.constant 0 : i32
    %dma_wait3A_1142 = tpu.memref_slice %arg12[%dma_wait3A_1140, %dma_wait3A_1141] : memref<80x128xf32, #tpu.memory_space<vmem>> -> memref<80x128xf32, #tpu.memory_space<vmem>>
    %dma_wait3A_1143 = arith.constant 0 : i32
    %dma_wait3A_1144 = tpu.memref_slice %arg4[%arg0, %mul3A_1139, %dma_wait3A_1143] : memref<2x10240x128xf32, #tpu.memory_space<hbm>> -> memref<1x80x128xf32, #tpu.memory_space<hbm>>
    %dma_wait3A_1145 = tpu.memref_squeeze %dma_wait3A_1144 : memref<1x80x128xf32, #tpu.memory_space<hbm>> -> memref<80x128xf32, #tpu.memory_space<hbm>>
    %dma_wait3A_1146 = arith.constant 0 : i32
    %dma_wait3A_1147 = tpu.memref_slice %arg4[%arg0, %mul3A_1139, %dma_wait3A_1146] : memref<2x10240x128xf32, #tpu.memory_space<hbm>> -> memref<1x80x128xf32, #tpu.memory_space<hbm>>
    %dma_wait3A_1148 = tpu.memref_squeeze %dma_wait3A_1147 : memref<1x80x128xf32, #tpu.memory_space<hbm>> -> memref<80x128xf32, #tpu.memory_space<hbm>>
    %dma_wait3A_1149 = arith.constant 0 : i32
    %dma_wait3A_1150 = arith.constant 0 : i32
    %dma_wait3A_1151 = tpu.memref_slice %arg12[%dma_wait3A_1149, %dma_wait3A_1150] : memref<80x128xf32, #tpu.memory_space<vmem>> -> memref<80x128xf32, #tpu.memory_space<vmem>>
    tpu.wait_dma2 semaphore(%arg18 : memref<!tpu.dma_semaphore, #tpu.memory_space<semaphore_mem>>) src(%dma_wait3A_1151 : memref<80x128xf32, #tpu.memory_space<vmem>>) dst(%dma_wait3A_1148 : memref<80x128xf32, #tpu.memory_space<hbm>>)
    %mul3A_1152 = arith.constant 640 : i32
    %mul3A_1153 = arith.muli %arg1, %mul3A_1152 : i32
    %dma_wait3A_1154 = arith.constant 0 : i32
    %dma_wait3A_1155 = arith.constant 0 : i32
    %dma_wait3A_1156 = tpu.memref_slice %arg13[%dma_wait3A_1154, %dma_wait3A_1155] : memref<80x128xf32, #tpu.memory_space<vmem>> -> memref<80x128xf32, #tpu.memory_space<vmem>>
    %dma_wait3A_1157 = arith.constant 0 : i32
    %dma_wait3A_1158 = tpu.memref_slice %arg4[%arg0, %mul3A_1153, %dma_wait3A_1157] : memref<2x10240x128xf32, #tpu.memory_space<hbm>> -> memref<1x80x128xf32, #tpu.memory_space<hbm>>
    %dma_wait3A_1159 = tpu.memref_squeeze %dma_wait3A_1158 : memref<1x80x128xf32, #tpu.memory_space<hbm>> -> memref<80x128xf32, #tpu.memory_space<hbm>>
    %dma_wait3A_1160 = arith.constant 0 : i32
    %dma_wait3A_1161 = tpu.memref_slice %arg4[%arg0, %mul3A_1153, %dma_wait3A_1160] : memref<2x10240x128xf32, #tpu.memory_space<hbm>> -> memref<1x80x128xf32, #tpu.memory_space<hbm>>
    %dma_wait3A_1162 = tpu.memref_squeeze %dma_wait3A_1161 : memref<1x80x128xf32, #tpu.memory_space<hbm>> -> memref<80x128xf32, #tpu.memory_space<hbm>>
    %dma_wait3A_1163 = arith.constant 0 : i32
    %dma_wait3A_1164 = arith.constant 0 : i32
    %dma_wait3A_1165 = tpu.memref_slice %arg13[%dma_wait3A_1163, %dma_wait3A_1164] : memref<80x128xf32, #tpu.memory_space<vmem>> -> memref<80x128xf32, #tpu.memory_space<vmem>>
    tpu.wait_dma2 semaphore(%arg19 : memref<!tpu.dma_semaphore, #tpu.memory_space<semaphore_mem>>) src(%dma_wait3A_1165 : memref<80x128xf32, #tpu.memory_space<vmem>>) dst(%dma_wait3A_1162 : memref<80x128xf32, #tpu.memory_space<hbm>>)
    return
  }
}

module attributes {stable_mosaic.version = 14 : i64} {
  func.func @_mm_body(%arg0: memref<10000x128xf32, #tpu.memory_space<vmem>>, %arg1: memref<128x128xf32, #tpu.memory_space<vmem>>, %arg2: memref<10000x128xf32, #tpu.memory_space<vmem>>) attributes {dimension_semantics = [], scalar_prefetch = 0 : i64, scratch_operands = 0 : i64, tpu.core_type = #tpu.core_type<tc>} {
    %get3A = arith.constant 0 : index
    %get3A_0 = arith.constant 0 : index
    %get3A_1 = vector.load %arg0[%get3A, %get3A_0] : memref<10000x128xf32, #tpu.memory_space<vmem>>, vector<10000x128xf32>
    %get3A_2 = arith.constant 0 : index
    %get3A_3 = arith.constant 0 : index
    %get3A_4 = vector.load %arg1[%get3A_2, %get3A_3] : memref<128x128xf32, #tpu.memory_space<vmem>>, vector<128x128xf32>
    %dot_general3A = arith.constant dense<0.000000e+00> : vector<10000x128xf32>
    %dot_general3A_5 = tpu.matmul %get3A_1, %get3A_4, %dot_general3A {dimension_numbers = #tpu.dot_dimension_numbers<[1], [0], [0], [1], [0, 0, 1, 1], [], []>, transpose_lhs_hint = false} : vector<10000x128xf32>, vector<128x128xf32>, vector<10000x128xf32> -> vector<10000x128xf32>
    %swap3A = arith.constant 0 : index
    %swap3A_6 = arith.constant 0 : index
    %swap3A_7 = vector.load %arg2[%swap3A, %swap3A_6] : memref<10000x128xf32, #tpu.memory_space<vmem>>, vector<10000x128xf32>
    tpu.vector_store %arg2[%swap3A, %swap3A_6], %dot_general3A_5 {strides = array<i32>} : memref<10000x128xf32, #tpu.memory_space<vmem>>, vector<10000x128xf32>,
    return
  }
}

module attributes {stable_mosaic.version = 14 : i64} {
  func.func @_scale_body(%arg0: memref<2x10240x16xf32, #tpu.memory_space<vmem>>, %arg1: memref<10000x128xf32, #tpu.memory_space<vmem>>, %arg2: memref<10000x128xf32, #tpu.memory_space<vmem>>, %arg3: memref<10000x1xf32, #tpu.memory_space<vmem>>) attributes {dimension_semantics = [], scalar_prefetch = 0 : i64, scratch_operands = 0 : i64, tpu.core_type = #tpu.core_type<tc>} {
    %get3A = arith.constant 0 : index
    %get3A_0 = arith.constant 0 : index
    %get3A_1 = arith.constant 0 : index
    %get3A_2 = vector.load %arg0[%get3A, %get3A_0, %get3A_1] : memref<2x10240x16xf32, #tpu.memory_space<vmem>>, vector<1x10240x16xf32>
    %get3A_3 = vector.shape_cast %get3A_2 : vector<1x10240x16xf32> to vector<10240x16xf32>
    %slice3A = vector.extract_strided_slice %get3A_3 {offsets = [0, 0], sizes = [10000, 1], strides = [1, 1]} : vector<10240x16xf32> to vector<10000x1xf32>
    %get3A_4 = arith.constant 1 : index
    %get3A_5 = arith.constant 0 : index
    %get3A_6 = arith.constant 0 : index
    %get3A_7 = vector.load %arg0[%get3A_4, %get3A_5, %get3A_6] : memref<2x10240x16xf32, #tpu.memory_space<vmem>>, vector<1x10240x16xf32>
    %get3A_8 = vector.shape_cast %get3A_7 : vector<1x10240x16xf32> to vector<10240x16xf32>
    %slice3A_9 = vector.extract_strided_slice %get3A_8 {offsets = [0, 0], sizes = [10000, 1], strides = [1, 1]} : vector<10240x16xf32> to vector<10000x1xf32>
    %add3A = arith.addf %slice3A, %slice3A_9 : vector<10000x1xf32>
    %add3A_10 = arith.constant 1.000000e+00 : f32
    %add3A_11 = vector.broadcast %add3A_10 : f32 to vector<10000x1xf32>
    %add3A_12 = arith.addf %add3A, %add3A_11 : vector<10000x1xf32>
    %rsqrt3A = math.rsqrt %add3A_12 : vector<10000x1xf32>
    %get3A_13 = arith.constant 0 : index
    %get3A_14 = arith.constant 0 : index
    %get3A_15 = vector.load %arg1[%get3A_13, %get3A_14] : memref<10000x128xf32, #tpu.memory_space<vmem>>, vector<10000x128xf32>
    %mul3A = vector.broadcast %rsqrt3A : vector<10000x1xf32> to vector<10000x128xf32>
    %mul3A_16 = arith.mulf %get3A_15, %mul3A : vector<10000x128xf32>
    %swap3A = arith.constant 0 : index
    %swap3A_17 = arith.constant 0 : index
    %swap3A_18 = vector.load %arg2[%swap3A, %swap3A_17] : memref<10000x128xf32, #tpu.memory_space<vmem>>, vector<10000x128xf32>
    tpu.vector_store %arg2[%swap3A, %swap3A_17], %mul3A_16 {strides = array<i32>} : memref<10000x128xf32, #tpu.memory_space<vmem>>, vector<10000x128xf32>,
    %swap3A_19 = arith.constant 0 : index
    %swap3A_20 = arith.constant 0 : index
    %swap3A_21 = vector.load %arg3[%swap3A_19, %swap3A_20] : memref<10000x1xf32, #tpu.memory_space<vmem>>, vector<10000x1xf32>
    tpu.vector_store %arg3[%swap3A_19, %swap3A_20], %rsqrt3A {strides = array<i32>} : memref<10000x1xf32, #tpu.memory_space<vmem>>, vector<10000x1xf32>,
    return
  }
}

module attributes {stable_mosaic.version = 14 : i64} {
  func.func @_out_body(%arg0: memref<2x10240x128xf32, #tpu.memory_space<vmem>>, %arg1: memref<10000x128xf32, #tpu.memory_space<vmem>>, %arg2: memref<10000x1xf32, #tpu.memory_space<vmem>>, %arg3: memref<1x128xf32, #tpu.memory_space<vmem>>, %arg4: memref<10000x128xf32, #tpu.memory_space<vmem>>) attributes {dimension_semantics = [], scalar_prefetch = 0 : i64, scratch_operands = 0 : i64, tpu.core_type = #tpu.core_type<tc>} {
    %get3A = arith.constant 0 : index
    %get3A_0 = arith.constant 0 : index
    %get3A_1 = arith.constant 0 : index
    %get3A_2 = vector.load %arg0[%get3A, %get3A_0, %get3A_1] : memref<2x10240x128xf32, #tpu.memory_space<vmem>>, vector<1x10240x128xf32>
    %get3A_3 = vector.shape_cast %get3A_2 : vector<1x10240x128xf32> to vector<10240x128xf32>
    %slice3A = vector.extract_strided_slice %get3A_3 {offsets = [0, 0], sizes = [10000, 128], strides = [1, 1]} : vector<10240x128xf32> to vector<10000x128xf32>
    %get3A_4 = arith.constant 1 : index
    %get3A_5 = arith.constant 0 : index
    %get3A_6 = arith.constant 0 : index
    %get3A_7 = vector.load %arg0[%get3A_4, %get3A_5, %get3A_6] : memref<2x10240x128xf32, #tpu.memory_space<vmem>>, vector<1x10240x128xf32>
    %get3A_8 = vector.shape_cast %get3A_7 : vector<1x10240x128xf32> to vector<10240x128xf32>
    %slice3A_9 = vector.extract_strided_slice %get3A_8 {offsets = [0, 0], sizes = [10000, 128], strides = [1, 1]} : vector<10240x128xf32> to vector<10000x128xf32>
    %add3A = arith.addf %slice3A, %slice3A_9 : vector<10000x128xf32>
    %get3A_10 = arith.constant 0 : index
    %get3A_11 = arith.constant 0 : index
    %get3A_12 = vector.load %arg1[%get3A_10, %get3A_11] : memref<10000x128xf32, #tpu.memory_space<vmem>>, vector<10000x128xf32>
    %add3A_13 = arith.addf %add3A, %get3A_12 : vector<10000x128xf32>
    %get3A_14 = arith.constant 0 : index
    %get3A_15 = arith.constant 0 : index
    %get3A_16 = vector.load %arg2[%get3A_14, %get3A_15] : memref<10000x1xf32, #tpu.memory_space<vmem>>, vector<10000x1xf32>
    %mul3A = vector.broadcast %get3A_16 : vector<10000x1xf32> to vector<10000x128xf32>
    %mul3A_17 = arith.mulf %add3A_13, %mul3A : vector<10000x128xf32>
    %get3A_18 = arith.constant 0 : index
    %get3A_19 = arith.constant 0 : index
    %get3A_20 = vector.load %arg3[%get3A_18, %get3A_19] : memref<1x128xf32, #tpu.memory_space<vmem>>, vector<1x128xf32>
    %add3A_21 = vector.broadcast %get3A_20 : vector<1x128xf32> to vector<10000x128xf32>
    %add3A_22 = arith.addf %mul3A_17, %add3A_21 : vector<10000x128xf32>
    %swap3A = arith.constant 0 : index
    %swap3A_23 = arith.constant 0 : index
    %swap3A_24 = vector.load %arg4[%swap3A, %swap3A_23] : memref<10000x128xf32, #tpu.memory_space<vmem>>, vector<10000x128xf32>
    tpu.vector_store %arg4[%swap3A, %swap3A_23], %add3A_22 {strides = array<i32>} : memref<10000x128xf32, #tpu.memory_space<vmem>>, vector<10000x128xf32>,
    return
  }
}

</mosaic_0001>

<sc_bundles>
// kernel: _run.10.cloned.1.call-start
scs
__scs_entry_jumppad:
0x0: {  	(pc) =	sbr.rel $0x88, $3  }
0x1: {  	(tag) =	ssettag $0x0;
	lr =	simm.s32 $0x1  }
0x2: {  	[smem:$0x3F9D] =	sst lr;
	_ =	strace $0xD0000000  }
0x3: {  	_ = 	snop  }
0x4: {  	_ = 	snop  }
0x5: {  	_ = 	snop  }
0x6: {  	_ = 	snop  }
0x7: {  	_ = 	snop  }
__scs_overlays_trampoline_lowered:
0x8: {  	[smem:$0x3FAC] =	sst s0  }
0x9: {  	[smem:$0x3FAD] =	sst s1  }
0xa: {  	[smem:$0x3FAE] =	sst s2  }
0xb: {  	[smem:$0x3FAF] =	sst s3  }
0xc: {  	[smem:$0x3FB0] =	sst s4  }
0xd: {  	[smem:$0x3FB1] =	sst s5  }
0xe: {  	[smem:$0x3FB2] =	sst s6  }
0xf: {  	[smem:$0x3FB3] =	sst s7  }
0x10: {  	[smem:$0x3FB4] =	sst s8  }
0x11: {  	[smem:$0x3FB5] =	sst s9;
	s0 =	simm.s32 @!p0 $0x0  }
0x12: {  	s1 =	sld [smem:$0x3F9B];
	s0 =	simm.s32 @p0 $0x1  }
0x13: {  	[smem:$0x3FB6] =	sst s0;
	s0 =	simm.s32 @!p1 $0x0  }
0x14: {  	s2 =	sld [smem:$0x3F9A];
	s0 =	simm.s32 @p1 $0x1  }
0x15: {  	[smem:$0x3FB7] =	sst s0;
	s0 =	simm.s32 @!p2 $0x0  }
0x16: {  	s3 =	sld [smem:$0x3FDB];
	s0 =	simm.s32 @p2 $0x1  }
0x17: {  	s4 =	simm.s32 $0x1BF5;
	[smem:$0x3FB9] =	sst s0  }
0x18: {  	s0 =	sld [smem:$0x3F9C];
	_ =	swait.ge [sflag:s4], $0x0  }
0x19: {  	s7 =	sld [smem:$0x3F9D]  }
0x1a: {  	s8 =	sadd.s32 $0xFFFFE003, lr  }
0x1b: {  	s9 =	sadd.s32 $0xFFFFFEF7, lr;
	s5 =	simm.s32 $0xFFFFFFFF;
	p2 =	slt.u32 s8, $0xFFFFF086  }
0x1c: {  	p1 =	slt.u32 s9, $0xF7A;
	s5 =	simm.s32 @!p2 $0x0  }
0x1d: {  	s5 =	simm.s32 @p1 $0x1;
	p0 =	seq.s32 s7, s2  }
0x1e: {  	s7 =	smul.u32 @!p0 $0xF7A, s2;
	p2 =	seq.s32 @!p0 s5, $0x0  }
0x1f: {  	s9 =	smul.u32 $0xF7A, s1;
	s8 =	simm.s32 @!p0 $0x1BF5;
	p2 =	por !p2, p0  }
0x20: {  	[sflag:s8] =	ssyncset.s32 @!p0 $0xFFFFF086;
	s6 =	sadd.s32 @!p0 s3, s7;
	s7 =	simm.s32 @!p0 $0x108  }
0x21: {  	s3 =	sadd.s32 s3, s9;
	s6 =	sadd.s32 @!p0 $0x88, s6;
	s7 =	simm.s32 @p2 $0x1082  }
0x22: {  	[simem:s7], [sflag:s8] =	dma.local @!p0 [hbm:s6], $0xF7A  }
0x23: {  	s9 =	sor.u32 $0xD0000000, s2;
	s6 =	simm.s32 $0x108;
	_ =	swait.ge @!p0 [sflag:s8], $0x0  }
0x24: {  	s3 =	sadd.s32 $0x88, s3;
	s6 =	simm.s32 @!p1 $0x1082;
	[sflag:s4] =	ssyncset.s32 $0xFFFFF086  }
0x25: {  	[simem:s6], [sflag:s4] =	dma.local [hbm:s3], $0xF7A  }
0x26: {  	[smem:$0x3F9D] =	sst s1;
	(tag) =	ssettag s2;
	_ =	strace s9  }
0x27: {  	s1 =	sld [smem:$0x3FAD]  }
0x28: {  	s2 =	sld [smem:$0x3FAE]  }
0x29: {  	s4 =	sld [smem:$0x3FB0]  }
0x2a: {  	p0 =	seq.s32 s5, $0x0;
	s5 =	sld [smem:$0x3FB1]  }
0x2b: {  	s6 =	sld [smem:$0x3FB2]  }
0x2c: {  	s7 =	sld [smem:$0x3FB3]  }
0x2d: {  	s3 =	simm.s32 $0x108;
	s8 =	sld [smem:$0x3FB4]  }
0x2e: {  	s3 =	simm.s32 @!p0 $0x1082;
	s9 =	sld [smem:$0x3FB5]  }
0x2f: {  	lr =	sadd.s32 s0, s3;
	s0 =	sld [smem:$0x3FAC]  }
0x30: {  	s3 =	sld [smem:$0x3FAF]  }
0x31: {  	[smem:$0x3FB8] =	sst s10  }
0x32: {  	s10 =	sld [smem:$0x3FB6];
	_ =	sdelay $0x3  }
0x33: {  	p0 =	seq.s32 s10, $0x1;
	s10 =	sld [smem:$0x3FB8];
	_ =	sdelay $0x3  }
0x34: {  	[smem:$0x3FB8] =	sst s10  }
0x35: {  	s10 =	sld [smem:$0x3FB7];
	_ =	sdelay $0x3  }
0x36: {  	p1 =	seq.s32 s10, $0x1;
	s10 =	sld [smem:$0x3FB8];
	_ =	sdelay $0x3  }
0x37: {  	[smem:$0x3FB8] =	sst s10  }
0x38: {  	s10 =	sld [smem:$0x3FB9]  }
0x39: {  	_ = 	snop;
	(pc) =	sbr.ind lr, $3  }
0x3a: {  	_ = 	snop  }
0x3b: {  	_ = 	snop  }
0x3c: {  	p2 =	seq.s32 s10, $0x1;
	s10 =	sld [smem:$0x3FB8]  }
0x3d: {  	_ =	shalt  }
0x3e: {  	_ =	shalt  }
0x3f: {  	_ =	shalt  }
0x40: {  	_ =	shalt  }
0x41: {  	_ =	shalt  }
0x42: {  	_ =	shalt  }
0x43: {  	_ =	shalt  }
0x44: {  	_ =	shalt  }
0x45: {  	_ =	shalt  }
0x46: {  	_ =	shalt  }
0x47: {  	_ =	shalt  }
0x48: {  	_ =	shalt  }
0x49: {  	_ =	shalt  }
0x4a: {  	_ =	shalt  }
0x4b: {  	_ =	shalt  }
0x4c: {  	_ =	shalt  }
0x4d: {  	_ =	shalt  }
0x4e: {  	_ =	shalt  }
0x4f: {  	_ =	shalt  }
0x50: {  	_ =	shalt  }
0x51: {  	_ =	shalt  }
0x52: {  	_ =	shalt  }
0x53: {  	_ =	shalt  }
0x54: {  	_ =	shalt  }
0x55: {  	_ =	shalt  }
0x56: {  	_ =	shalt  }
0x57: {  	_ =	shalt  }
0x58: {  	_ =	shalt  }
0x59: {  	_ =	shalt  }
0x5a: {  	_ =	shalt  }
0x5b: {  	_ =	shalt  }
0x5c: {  	_ =	shalt  }
0x5d: {  	_ =	shalt  }
0x5e: {  	_ =	shalt  }
0x5f: {  	_ =	shalt  }
0x60: {  	_ =	shalt  }
0x61: {  	_ =	shalt  }
0x62: {  	_ =	shalt  }
0x63: {  	_ =	shalt  }
0x64: {  	_ =	shalt  }
0x65: {  	_ =	shalt  }
0x66: {  	_ =	shalt  }
0x67: {  	_ =	shalt  }
0x68: {  	_ =	shalt  }
0x69: {  	_ =	shalt  }
0x6a: {  	_ =	shalt  }
0x6b: {  	_ =	shalt  }
0x6c: {  	_ =	shalt  }
0x6d: {  	_ =	shalt  }
0x6e: {  	_ =	shalt  }
0x6f: {  	_ =	shalt  }
0x70: {  	_ =	shalt  }
0x71: {  	_ =	shalt  }
0x72: {  	_ =	shalt  }
0x73: {  	_ =	shalt  }
0x74: {  	_ =	shalt  }
0x75: {  	_ =	shalt  }
0x76: {  	_ =	shalt  }
0x77: {  	_ =	shalt  }
0x78: {  	_ =	shalt  }
0x79: {  	_ =	shalt  }
0x7a: {  	_ =	shalt  }
0x7b: {  	_ =	shalt  }
0x7c: {  	_ =	shalt  }
0x7d: {  	_ =	shalt  }
0x7e: {  	_ =	shalt  }
0x7f: {  	_ =	shalt  }
0x80: {  	_ =	shalt  }
0x81: {  	_ =	shalt  }
0x82: {  	_ =	shalt  }
0x83: {  	_ =	shalt  }
0x84: {  	_ =	shalt  }
0x85: {  	_ =	shalt  }
0x86: {  	_ =	shalt  }
0x87: {  	_ =	shalt  }
.Lfunc_end0:
.L_simem_size_0:
called_computation.1_lowered:
.L_overlay_start_0:
0x88: {  	s2 =	sld [smem:$0x3FD9]  }
0x89: {  	s3 =	sld [smem:$0x3FFE];
	_ =	sdelay $0x1  }
0x8a: {  	s1 =	srdreg.scid  }
0x8b: {  	s0 =	sand.u32 $0x1, s1  }
0x8c: {  	s17 =	sshll.u32 s0, $0xA;
	s2 =	sadd.s32 s3, s2  }
0x8d: {  	s2 =	sadd.s32 s2, s17  }
0x8e: {  	[smem:$0x3FC4] =	sst s2  }
0x8f: {  	_ = 	snop  }
0x90: {  	s2 =	sld [smem:$0x3FD0];
	(tm) =	ssettm $0x1  }
0x91: {  	s18 =	sld [smem:$0x3FFB];
	_ =	sdelay $0x3  }
0x92: {  	_ =	strace s18  }
0x93: {  	s3 =	sld [smem:$0x3FFC];
	_ =	sdelay $0x3  }
0x94: {  	_ =	strace s3  }
0x95: {  	s3 =	sld [smem:$0x3FFD];
	_ =	sdelay $0x3  }
0x96: {  	_ =	strace s3  }
0x97: {  	_ =	strace $0x8FFFFFFF  }
0x98: {  	s19 =	sld [smem:$0x3FDB];
	_ =	sdelay $0x1  }
0x99: {  	s4 =	simm.s32 $_scs_section_size  }
0x9a: {  	s5 =	simm.s32 $_size__tile_overlayer_lowered;
	s6 =	simm.s32 $_tile_overlayer_lowered  }
0x9b: {  	s22 =	simm.s32 $0x1BFF;
	s21 =	sshll.u32 s6, $0x1;
	s3 =	sadd.s32 s4, s19  }
0x9c: {  	s7 =	simm.s32 $0x0;
	s20 =	sshll.u32 s5, $0x1;
	s5 =	sadd.s32 s21, s3  }
0x9d: {  	[timem:s7], [sflag:s22] =	dma.local [hbm:s5], s20  }
0x9e: {  	_ =	swait.ge [sflag:s22], s20  }
0x9f: {  	s4 =	ssub.s32 $0x0, s20;
	[sflag:s22] =	ssyncset.done $0x0  }
0xa0: {  	[sflag:s22] =	ssyncadd.s32 s4;
	_ =	sdelay $0x1  }
0xa1: {  	s23 =	simm.s32 $0x1B8B  }
0xa2: {  	_ =	swait.ge [sflag:s23], $0x1  }
0xa3: {  	[sflag:s23] =	ssyncset.done $0x0  }
0xa4: {  	s25 =	simm.s32 $0x1B8E;
	s24 =	sld [smem:$0x3FFE];
	[sflag:s23] =	ssyncadd.s32 $0xFFFFFFFF  }
0xa5: {  	s26 =	simm.s32 $execute0_lowered;
	[smem:$0x3FD2] =	sst s25  }
0xa6: {  	s5 =	sshll.u32 s26, $0x1;
	_ =	strace $0x80000049;
	[dreg:$0x1] =	wrdreg $0xFFFFFFFF  }
0xa7: {  	s28 =	simm.s32 $_size_execute0_lowered;
	s3 =	sadd.s32 s3, s5;
	[dreg:$0x0] =	wrdreg $0x0  }
0xa8: {  	s5 =	sshll.u32 s28, $0x1;
	[dreg:$0x2] =	wrdreg s3  }
0xa9: {  	[dreg:$0x3] =	wrdreg s5  }
0xaa: {  	[dreg:$0x4] =	wrdreg $0xC0  }
0xab: {  	_ =	task [dreg:s7], $0x5FFFF  }
0xac: {  	[dreg:$0x1] =	wrdreg $0xFFFFFFFF  }
0xad: {  	[dreg:$0x0] =	wrdreg $0x60  }
0xae: {  	[dreg:$0x2] =	wrdreg s2  }
0xaf: {  	[dreg:$0x3] =	wrdreg s24  }
0xb0: {  	[dreg:$0x4] =	wrdreg $0xA0F00  }
0xb1: {  	[dreg:$0x5] =	wrdreg $0x9  }
0xb2: {  	_ =	task.clear_ibuf [dreg:s7], $0x6FFFF;
	_ =	strace $0x90000049  }
0xb3: {  	s29 =	simm.s32 $0x9;
	_ =	strace $0x8000004B  }
0xb4: {  	_ =	swait.ge [sflag:s29], $0x1  }
0xb5: {  	[sflag:s29] =	ssyncadd.s32 $0xFFFFFFFF  }
0xb6: {  	_ =	strace $0x9000004B  }
0xb7: {  	_ =	sfence  }
0xb8: {  	s30 =	sld [smem:$0x0];
	_ =	sdelay $0x2  }
0xb9: {  	s31 =	sshll.u32 s1, $0xD;
	s1 =	sshrl.u32 s1, $0x2  }
0xba: {  	s3 =	sand.u32 $0x4000, s31;
	s1 =	sadd.s32 s1, s30  }
0xbb: {  	s0 =	sor.u32 s3, s0;
	s1 =	sshll.u32 s1, $0x11  }
0xbc: {  	s0 =	sor.u32 s1, s0  }
0xbd: {  	s0 =	sadd.s32 $0x8F2B, s0  }
0xbe: {  	[sflag:s0] =	ssyncadd.remote.s32 $0x1  }
0xbf: {  	_ =	sfence.sel $0xFFFF  }
0xc0: {  	[dreg:$0x0] =	wrdreg $0xFFFFFFFF;
	(pc) =	sbr.abs _section_cstart, $3  }
0xc1: {  	[dreg:$0x1] =	wrdreg $0xFFFFFFFF  }
0xc2: {  	_ =	task.clear_ibuf [dreg:s7], $0x2FFFF;
	_ =	strace $0x9FFFFFFF  }
0xc3: {  	(tm) =	ssettm $0x7FFFFFFF  }
tec
execute0_lowered:
.L_overlay_start_1:
0x0: {  	(tag) =	ssettag $0x1  }
0x1: {  	s1 =	rddreg [dreg:$0x0]  }
0x2: {  	s0 =	rddreg [dreg:$0x1];
	s2 =	srdreg.scid  }
0x3: {  	s8 =	stileid.u32;
	s3 =	rddreg [dreg:$0x2];
	s22 =	simm.s32 $0x0  }
0x4: {  	s28 =	simm.s32 $0x2710;
	s29 =	simm.s32 $0x2760;
	s30 =	simm.s32 $0x50F0  }
0x5: {  	s31 =	simm.s32 $0x2800;
	s2 =	sand.u32 $0x1, s2;
	s5 =	sshll.u32 s8, $0x1  }
0x6: {  	[smem:$0x7FF] =	sst s22;
	s13 =	smul.u32 $0x14000, s8;
	s5 =	sor.u32 s2, s5  }
0x7: {  	s6 =	ssub.s32 $0x2, s2;
	_ =	strace $0x8000004A;
	s2 =	smul.u32 $0x140000, s2  }
0x8: {  	s5 =	smul.u32 $0x4E2, s5;
	s7 =	sshrl.u32 s6, $0x1;
	s23 =	sadd.s32 s13, s3  }
0x9: {  	s4 =	sor.u32 $0x2800, s13;
	s15 =	sadd.s32 $0x5000, s13;
	s16 =	sadd.s32 $0x7800, s13  }
0xa: {  	s17 =	sadd.s32 $0xA000, s13;
	s18 =	sadd.s32 $0xC800, s13;
	s19 =	sadd.s32 $0xF000, s13  }
0xb: {  	s20 =	sadd.s32 $0x11800, s13;
	s14 =	ssub.s32 s6, s7;
	s7 =	sadd.s32 s4, s3  }
0xc: {  	s8 =	sadd.s32 s15, s3;
	s9 =	sadd.s32 s16, s3;
	s10 =	sadd.s32 s17, s3  }
0xd: {  	s11 =	sadd.s32 s18, s3;
	s12 =	sadd.s32 s19, s3;
	s21 =	sadd.s32 s13, s2  }
0xe: {  	s13 =	sadd.s32 s20, s3;
	s24 =	sadd.s32 s2, s16;
	s25 =	sadd.s32 s2, s17  }
0xf: {  	s18 =	sadd.s32 s2, s18;
	s19 =	sadd.s32 s2, s19;
	s5 =	sadd.s32 s5, s0  }
0x10: {  	s0 =	sadd.s32 $0x15800, s0;
	s21 =	sshrl.u32 s21, $0x3;
	s5 =	sadd.s32 $0xBA00, s5  }
0x11: {  	[dreg:$0x4] =	wrdreg s5;
	s5 =	sadd.s32 s2, s4;
	s4 =	sadd.s32 s0, s21  }
0x12: {  	s21 =	sadd.s32 s2, s15;
	s2 =	sadd.s32 s2, s20;
	s15 =	simm.s32 $0x4  }
0x13: {  	s20 =	simm.s32 $0x0;
	s5 =	sshrl.u32 s5, $0x3;
	[dreg:$0x5] =	wrdreg s4  }
0x14: {  	s4 =	sshrl.u32 s24, $0x3;
	s24 =	sshrl.u32 s19, $0x3;
	s2 =	sshrl.u32 s2, $0x3  }
0x15: {  	s19 =	simm.s32 $0x6;
	s6 =	sadd.s32 s0, s5;
	s5 =	sshrl.u32 s21, $0x3  }
0x16: {  	s16 =	sadd.s32 s0, s4;
	[dreg:$0x6] =	wrdreg s6;
	s26 =	sadd.s32 s0, s5  }
0x17: {  	s6 =	sshrl.u32 s25, $0x3;
	[dreg:$0x8] =	wrdreg s16;
	s5 =	sshrl.u32 s18, $0x3  }
0x18: {  	s25 =	sadd.s32 s0, s24;
	s24 =	simm.s32 $0x28F0;
	[dreg:$0x7] =	wrdreg s26  }
0x19: {  	s16 =	simm.s32 $0x3;
	s17 =	sadd.s32 s0, s6;
	[dreg:$0xb] =	wrdreg s25  }
0x1a: {  	s18 =	simm.s32 $0x5;
	s21 =	sadd.s32 s0, s5;
	[dreg:$0x9] =	wrdreg s17  }
0x1b: {  	s0 =	sadd.s32 s0, s2;
	s26 =	smax.u32 s14, $0x1;
	[dreg:$0xa] =	wrdreg s21  }
0x1c: {  	s25 =	simm.s32 $0x1;
	s2 =	simm.s32 $0x27B0;
	[dreg:$0xc] =	wrdreg s0  }
0x1d: {  	s5 =	simm.s32 $0x2;
	s14 =	simm.s32 $0x2850;
	[dreg:$0xd] =	wrdreg s26  }
0x1e: {  	v0 =	vimm.f32 $0.0e+00;
	s26 =	simm.s32 $0x50;
	s0 =	simm.s32 $0x78F0;
	s17 =	simm.s32 $0x28A0  }
.LBB2_1:
0x1f: {  	s4 =	smov.u32 s13  }
0x20: {  	s13 =	smov.u32 s12;
	s12 =	smov.u32 s11;
	s11 =	smov.u32 s10  }
0x21: {  	s10 =	smov.u32 s9;
	s9 =	smov.u32 s8;
	s8 =	smov.u32 s7  }
0x22: {  	s7 =	smov.u32 s23;
	s6 =	rddreg [dreg:$0x4];
	s23 =	simm.s32 $0x7  }
0x23: {  	[tilespmem:s22], [sflag:$0x7] =	stream.linear.gather [hbm4b:s6+s22], $0x2710, $0x38;
	[tilespmem:$0x1E0F0] =	vst v63  }
0x24: {  	_ =	swait.ge [sflag:s23], $0x2710  }
0x25: {  	s21 =	sand.u32 $0xFE00, s22;
	s22 =	simm.s32 $0x0;
	[sflag:s23] =	ssyncset.done $0x0  }
0x26: {  	s6 =	sshrl.u32 s21, $0x2;
	[sflag:s23] =	ssyncadd.s32 $0xFFFFD8F0;
	s23 =	sand.u32 $0x70, s22  }
0x27: {  	s21 =	simm.s32 $0x40;
	s22 =	simm.s32 $0x0;
	s23 =	sor.u32 s23, s6  }
.LBB2_2:
0x28: {  	p0 =	sne.s32 s21, $0x9FC0  }
0x29: {  	[tilespmem:s23+$0x28F0] =	vst v0;
	s22 =	sadd.s32 $0x10, s22;
	s23 =	smov.u32 s21;
	s21 =	sadd.s32 $0x40, s21  }
.Ltmp0:
0x2a: {  	(pc) =	sbr.rel @p0 .LBB2_2-.Ltmp0, $4  }
0x2b: {  	_ = 	snop  }
0x2c: {  	s23 =	sand.u32 $0xFE00, s23  }
0x2d: {  	s6 =	sand.u32 $0x70, s22;
	s23 =	sshrl.u32 s23, $0x2  }
0x2e: {  	s23 =	sor.u32 s6, s23  }
0x2f: {  	[tilespmem:s23+$0x28F0] =	vst v0  }
0x30: {  	[spmem:s7] =	stream.linear.scatter [tilespmem:s24], [sflag:$0x1], $0x2800, $0x38;
	[tilespmem:$0x1E0F0] =	vst v63  }
0x31: {  	_ = 	snop  }
0x32: {  	[spmem:s8] =	stream.linear.scatter [tilespmem:s24], [sflag:$0x1], $0x2800, $0x38;
	[tilespmem:$0x1E0F0] =	vst v63  }
0x33: {  	_ = 	snop  }
0x34: {  	[spmem:s9] =	stream.linear.scatter [tilespmem:s24], [sflag:$0x1], $0x2800, $0x38;
	[tilespmem:$0x1E0F0] =	vst v63  }
0x35: {  	_ = 	snop  }
0x36: {  	[spmem:s10] =	stream.linear.scatter [tilespmem:s24], [sflag:$0x1], $0x2800, $0x38;
	[tilespmem:$0x1E0F0] =	vst v63  }
0x37: {  	_ = 	snop  }
0x38: {  	[spmem:s11] =	stream.linear.scatter [tilespmem:s24], [sflag:$0x1], $0x2800, $0x38;
	[tilespmem:$0x1E0F0] =	vst v63  }
0x39: {  	_ = 	snop  }
0x3a: {  	[spmem:s12] =	stream.linear.scatter [tilespmem:s24], [sflag:$0x1], $0x2800, $0x38;
	[tilespmem:$0x1E0F0] =	vst v63  }
0x3b: {  	_ = 	snop  }
0x3c: {  	[spmem:s13] =	stream.linear.scatter [tilespmem:s24], [sflag:$0x1], $0x2800, $0x38;
	[tilespmem:$0x1E0F0] =	vst v63  }
0x3d: {  	_ = 	snop  }
0x3e: {  	[spmem:s4] =	stream.linear.scatter [tilespmem:s24], [sflag:$0x1], $0x2800, $0x38;
	[tilespmem:$0x1E0F0] =	vst v63  }
0x3f: {  	_ =	swait.ge [sflag:s25], $0x2800  }
0x40: {  	[sflag:s25] =	ssyncset.done $0x0  }
0x41: {  	[sflag:s25] =	ssyncadd.s32 $0xFFFFD800  }
0x42: {  	_ =	swait.ge [sflag:s25], $0x2800  }
0x43: {  	[sflag:s25] =	ssyncset.done $0x0  }
0x44: {  	[sflag:s25] =	ssyncadd.s32 $0xFFFFD800  }
0x45: {  	_ =	swait.ge [sflag:s25], $0x2800  }
0x46: {  	[sflag:s25] =	ssyncset.done $0x0  }
0x47: {  	[sflag:s25] =	ssyncadd.s32 $0xFFFFD800  }
0x48: {  	_ =	swait.ge [sflag:s25], $0x2800  }
0x49: {  	[sflag:s25] =	ssyncset.done $0x0  }
0x4a: {  	[sflag:s25] =	ssyncadd.s32 $0xFFFFD800  }
0x4b: {  	_ =	swait.ge [sflag:s25], $0x2800  }
0x4c: {  	[sflag:s25] =	ssyncset.done $0x0  }
0x4d: {  	[sflag:s25] =	ssyncadd.s32 $0xFFFFD800  }
0x4e: {  	_ =	swait.ge [sflag:s25], $0x2800  }
0x4f: {  	[sflag:s25] =	ssyncset.done $0x0  }
0x50: {  	[sflag:s25] =	ssyncadd.s32 $0xFFFFD800  }
0x51: {  	_ =	swait.ge [sflag:s25], $0x2800  }
0x52: {  	[sflag:s25] =	ssyncset.done $0x0  }
0x53: {  	[sflag:s25] =	ssyncadd.s32 $0xFFFFD800  }
0x54: {  	_ =	swait.ge [sflag:s25], $0x2800  }
0x55: {  	[sflag:s25] =	ssyncset.done $0x0  }
0x56: {  	[sflag:s25] =	ssyncadd.s32 $0xFFFFD800  }
0x57: {  	[bflag:$0x0] =	sbarrier.arrive $0xFFFF  }
0x58: {  	v1 =	vld [tilespmem:$0x0];
	_ =	sdelay $0x1  }
0x59: {  	v2 =	vld [tilespmem:$0x10];
	_ =	sdelay $0x1  }
0x5a: {  	v3 =	vld [tilespmem:$0x20]  }
0x5b: {  	v4 =	vand.u32 $0xFFFF, v1  }
0x5c: {  	v59 =	vld [tilespmem:$0x30];
	v1 =	vshrl.u32 v1, $0x10;
	[tilespmem:$0x2710] =	vst v4  }
0x5d: {  	[tilespmem:$0x2800] =	vst v1;
	v1 =	vand.u32 $0xFFFF, v2  }
0x5e: {  	[tilespmem:$0x2720] =	vst v1;
	v1 =	vshrl.u32 v2, $0x10;
	v2 =	vld [tilespmem:$0x40]  }
0x5f: {  	[tilespmem:$0x2810] =	vst v1;
	v1 =	vand.u32 $0xFFFF, v3  }
0x60: {  	[tilespmem:$0x2730] =	vst v1;
	v1 =	vshrl.u32 v3, $0x10  }
0x61: {  	[tilespmem:$0x2820] =	vst v1;
	v1 =	vand.u32 $0xFFFF, v59  }
0x62: {  	[tilespmem:$0x2740] =	vst v1;
	v1 =	vshrl.u32 v59, $0x10  }
0x63: {  	[tilespmem:$0x2830] =	vst v1;
	v1 =	vand.u32 $0xFFFF, v2  }
0x64: {  	[tilespmem:$0x2750] =	vst v1;
	v1 =	vshrl.u32 v2, $0x10  }
0x65: {  	[tilespmem:$0x2840] =	vst v1  }
0x66: {  	[tilespmem:s24], [sflag:$0x1] =	stream.indirect.gather [hbm4b:s1+s26], $0x80, s28, s26, $0xb8;
	[tilespmem:$0x1E0F0] =	vst v63  }
0x67: {  	v1 =	vld [tilespmem:$0x50];
	_ =	sdelay $0x1  }
0x68: {  	v2 =	vld [tilespmem:$0x60];
	_ =	sdelay $0x1  }
0x69: {  	v3 =	vld [tilespmem:$0x70]  }
0x6a: {  	v60 =	vand.u32 $0xFFFF, v1  }
0x6b: {  	v61 =	vld [tilespmem:$0x80];
	v1 =	vshrl.u32 v1, $0x10;
	[tilespmem:$0x2760] =	vst v60  }
0x6c: {  	[tilespmem:$0x2850] =	vst v1;
	v1 =	vand.u32 $0xFFFF, v2  }
0x6d: {  	[tilespmem:$0x2770] =	vst v1;
	v1 =	vshrl.u32 v2, $0x10;
	v2 =	vld [tilespmem:$0x90]  }
0x6e: {  	[tilespmem:$0x2860] =	vst v1;
	v1 =	vand.u32 $0xFFFF, v3  }
0x6f: {  	[tilespmem:$0x2780] =	vst v1;
	v1 =	vshrl.u32 v3, $0x10  }
0x70: {  	[tilespmem:$0x2870] =	vst v1;
	v1 =	vand.u32 $0xFFFF, v61  }
0x71: {  	[tilespmem:$0x2790] =	vst v1;
	v1 =	vshrl.u32 v61, $0x10  }
0x72: {  	[tilespmem:$0x2880] =	vst v1;
	v1 =	vand.u32 $0xFFFF, v2  }
0x73: {  	[tilespmem:$0x27A0] =	vst v1;
	v1 =	vshrl.u32 v2, $0x10  }
0x74: {  	[tilespmem:$0x2890] =	vst v1  }
0x75: {  	[tilespmem:s30], [sflag:$0x2] =	stream.indirect.gather [hbm4b:s1+s26], $0x80, s29, s26, $0xb8;
	[tilespmem:$0x1E0F0] =	vst v63  }
0x76: {  	_ =	swait.ge [sflag:s25], $0x2800  }
0x77: {  	[sflag:s25] =	ssyncset.done $0x0  }
0x78: {  	[sflag:s25] =	ssyncadd.s32 $0xFFFFD800  }
0x79: {  	[spmem:s3] =	stream.indirect.scatter.add.f32 [tilespmem:s24], [sflag:$0x4], $0x80, s31, s26, $0xb8;
	[tilespmem:$0x1E0F0] =	vst v63  }
0x7a: {  	v1 =	vld [tilespmem:$0xA0];
	_ =	sdelay $0x1  }
0x7b: {  	v2 =	vld [tilespmem:$0xB0];
	_ =	sdelay $0x1  }
0x7c: {  	v3 =	vld [tilespmem:$0xC0]  }
0x7d: {  	v62 =	vand.u32 $0xFFFF, v1  }
0x7e: {  	v63 =	vld [tilespmem:$0xD0];
	v1 =	vshrl.u32 v1, $0x10;
	[tilespmem:$0x27B0] =	vst v62  }
0x7f: {  	[tilespmem:$0x28A0] =	vst v1;
	v1 =	vand.u32 $0xFFFF, v2  }
0x80: {  	[tilespmem:$0x27C0] =	vst v1;
	v1 =	vshrl.u32 v2, $0x10;
	v2 =	vld [tilespmem:$0xE0]  }
0x81: {  	[tilespmem:$0x28B0] =	vst v1;
	v1 =	vand.u32 $0xFFFF, v3  }
0x82: {  	[tilespmem:$0x27D0] =	vst v1;
	v1 =	vshrl.u32 v3, $0x10  }
0x83: {  	[tilespmem:$0x28C0] =	vst v1;
	v1 =	vand.u32 $0xFFFF, v63  }
0x84: {  	[tilespmem:$0x27E0] =	vst v1;
	v1 =	vshrl.u32 v63, $0x10  }
0x85: {  	[tilespmem:$0x28D0] =	vst v1;
	v1 =	vand.u32 $0xFFFF, v2  }
0x86: {  	[tilespmem:$0x27F0] =	vst v1;
	v1 =	vshrl.u32 v2, $0x10  }
0x87: {  	[tilespmem:$0x28E0] =	vst v1  }
0x88: {  	[tilespmem:s0], [sflag:$0x3] =	stream.indirect.gather [hbm4b:s1+s26], $0x80, s2, s26, $0xb8;
	[tilespmem:$0x1E0F0] =	vst v63  }
0x89: {  	_ =	swait.ge [sflag:s5], $0x2800  }
0x8a: {  	[sflag:s5] =	ssyncset.done $0x0  }
0x8b: {  	[sflag:s5] =	ssyncadd.s32 $0xFFFFD800  }
0x8c: {  	[spmem:s3] =	stream.indirect.scatter.add.f32 [tilespmem:s30], [sflag:$0x5], $0x80, s14, s26, $0xb8;
	[tilespmem:$0x1E0F0] =	vst v63  }
0x8d: {  	_ =	swait.ge [sflag:s15], $0x2800  }
0x8e: {  	[sflag:s15] =	ssyncset.done $0x0  }
0x8f: {  	s21 =	simm.s32 $0x1D0;
	[sflag:s15] =	ssyncadd.s32 $0xFFFFD800  }
0x90: {  	v1 =	vld [tilespmem:s21+$0xFFFFFF20];
	_ =	sdelay $0x4  }
0x91: {  	v2 =	vand.u32 $0xFFFF, v1  }
0x92: {  	v1 =	vshrl.u32 v1, $0x10;
	[tilespmem:$0x2710] =	vst v2  }
0x93: {  	[tilespmem:$0x2800] =	vst v1  }
0x94: {  	v1 =	vld [tilespmem:s21+$0xFFFFFF30];
	_ =	sdelay $0x4  }
0x95: {  	v2 =	vand.u32 $0xFFFF, v1  }
0x96: {  	v1 =	vshrl.u32 v1, $0x10;
	[tilespmem:$0x2720] =	vst v2  }
0x97: {  	[tilespmem:$0x2810] =	vst v1  }
0x98: {  	v1 =	vld [tilespmem:s21+$0xFFFFFF40];
	_ =	sdelay $0x4  }
0x99: {  	v2 =	vand.u32 $0xFFFF, v1  }
0x9a: {  	v1 =	vshrl.u32 v1, $0x10;
	[tilespmem:$0x2730] =	vst v2  }
0x9b: {  	[tilespmem:$0x2820] =	vst v1  }
0x9c: {  	v1 =	vld [tilespmem:s21+$0xFFFFFF50];
	_ =	sdelay $0x4  }
0x9d: {  	v2 =	vand.u32 $0xFFFF, v1  }
0x9e: {  	v1 =	vshrl.u32 v1, $0x10;
	[tilespmem:$0x2740] =	vst v2  }
0x9f: {  	[tilespmem:$0x2830] =	vst v1  }
0xa0: {  	v1 =	vld [tilespmem:s21+$0xFFFFFF60];
	_ =	sdelay $0x4  }
0xa1: {  	v2 =	vand.u32 $0xFFFF, v1  }
0xa2: {  	v1 =	vshrl.u32 v1, $0x10;
	[tilespmem:$0x2750] =	vst v2  }
0xa3: {  	[tilespmem:$0x2840] =	vst v1  }
0xa4: {  	[tilespmem:s24], [sflag:$0x1] =	stream.indirect.gather [hbm4b:s1+s26], $0x80, s28, s26, $0xb8;
	[tilespmem:$0x1E0F0] =	vst v63  }
0xa5: {  	_ =	swait.ge [sflag:s16], $0x2800  }
0xa6: {  	[sflag:s16] =	ssyncset.done $0x0  }
0xa7: {  	[sflag:s16] =	ssyncadd.s32 $0xFFFFD800  }
0xa8: {  	[spmem:s3] =	stream.indirect.scatter.add.f32 [tilespmem:s0], [sflag:$0x6], $0x80, s17, s26, $0xb8;
	[tilespmem:$0x1E0F0] =	vst v63  }
0xa9: {  	_ =	swait.ge [sflag:s18], $0x2800  }
0xaa: {  	[sflag:s18] =	ssyncset.done $0x0  }
0xab: {  	[sflag:s18] =	ssyncadd.s32 $0xFFFFD800  }
0xac: {  	v1 =	vld [tilespmem:s21+$0xFFFFFF70];
	_ =	sdelay $0x4  }
0xad: {  	v2 =	vand.u32 $0xFFFF, v1  }
0xae: {  	v1 =	vshrl.u32 v1, $0x10;
	[tilespmem:$0x2760] =	vst v2  }
0xaf: {  	[tilespmem:$0x2850] =	vst v1  }
0xb0: {  	v1 =	vld [tilespmem:s21+$0xFFFFFF80];
	_ =	sdelay $0x4  }
0xb1: {  	v2 =	vand.u32 $0xFFFF, v1  }
0xb2: {  	v1 =	vshrl.u32 v1, $0x10;
	[tilespmem:$0x2770] =	vst v2  }
0xb3: {  	[tilespmem:$0x2860] =	vst v1  }
0xb4: {  	v1 =	vld [tilespmem:s21+$0xFFFFFF90];
	_ =	sdelay $0x4  }
0xb5: {  	v2 =	vand.u32 $0xFFFF, v1  }
0xb6: {  	v1 =	vshrl.u32 v1, $0x10;
	[tilespmem:$0x2780] =	vst v2  }
0xb7: {  	[tilespmem:$0x2870] =	vst v1  }
0xb8: {  	v1 =	vld [tilespmem:s21+$0xFFFFFFA0];
	_ =	sdelay $0x4  }
0xb9: {  	v2 =	vand.u32 $0xFFFF, v1  }
0xba: {  	v1 =	vshrl.u32 v1, $0x10;
	[tilespmem:$0x2790] =	vst v2  }
0xbb: {  	[tilespmem:$0x2880] =	vst v1  }
0xbc: {  	v1 =	vld [tilespmem:s21+$0xFFFFFFB0];
	_ =	sdelay $0x4  }
0xbd: {  	v2 =	vand.u32 $0xFFFF, v1  }
0xbe: {  	v1 =	vshrl.u32 v1, $0x10;
	[tilespmem:$0x27A0] =	vst v2  }
0xbf: {  	[tilespmem:$0x2890] =	vst v1  }
0xc0: {  	[tilespmem:s30], [sflag:$0x2] =	stream.indirect.gather [hbm4b:s1+s26], $0x80, s29, s26, $0xb8;
	[tilespmem:$0x1E0F0] =	vst v63  }
0xc1: {  	_ =	swait.ge [sflag:s25], $0x2800  }
0xc2: {  	[sflag:s25] =	ssyncset.done $0x0  }
0xc3: {  	[sflag:s25] =	ssyncadd.s32 $0xFFFFD800  }
0xc4: {  	[spmem:s3] =	stream.indirect.scatter.add.f32 [tilespmem:s24], [sflag:$0x4], $0x80, s31, s26, $0xb8;
	[tilespmem:$0x1E0F0] =	vst v63  }
0xc5: {  	_ =	swait.ge [sflag:s19], $0x2800  }
0xc6: {  	[sflag:s19] =	ssyncset.done $0x0  }
0xc7: {  	[sflag:s19] =	ssyncadd.s32 $0xFFFFD800  }
0xc8: {  	v1 =	vld [tilespmem:s21+$0xFFFFFFC0];
	_ =	sdelay $0x4  }
0xc9: {  	v2 =	vand.u32 $0xFFFF, v1  }
0xca: {  	v1 =	vshrl.u32 v1, $0x10;
	[tilespmem:$0x27B0] =	vst v2  }
0xcb: {  	[tilespmem:$0x28A0] =	vst v1  }
0xcc: {  	v1 =	vld [tilespmem:s21+$0xFFFFFFD0];
	_ =	sdelay $0x4  }
0xcd: {  	v2 =	vand.u32 $0xFFFF, v1  }
0xce: {  	v1 =	vshrl.u32 v1, $0x10;
	[tilespmem:$0x27C0] =	vst v2  }
0xcf: {  	[tilespmem:$0x28B0] =	vst v1  }
0xd0: {  	v1 =	vld [tilespmem:s21+$0xFFFFFFE0];
	_ =	sdelay $0x4  }
0xd1: {  	v2 =	vand.u32 $0xFFFF, v1  }
0xd2: {  	s23 =	smov.u32 s7;
	s22 =	simm.s32 $0xB00;
	s7 =	smov.u32 s8;
	v1 =	vshrl.u32 v1, $0x10;
	[tilespmem:$0x27D0] =	vst v2  }
0xd3: {  	s8 =	smov.u32 s9;
	s9 =	smov.u32 s10;
	s10 =	smov.u32 s11;
	[tilespmem:$0x28C0] =	vst v1  }
0xd4: {  	s11 =	smov.u32 s12;
	s12 =	smov.u32 s13;
	s13 =	smov.u32 s4;
	v1 =	vld [tilespmem:s21+$0xFFFFFFF0]  }
.LBB2_4:
0xd5: {  	_ =	sdelay $0x3  }
0xd6: {  	p0 =	sne.s32 s22, $0x9980;
	s6 =	smov.u32 s22;
	s22 =	sadd.s32 $0x3C0, s22;
	v2 =	vand.u32 $0xFFFF, v1;
	v1 =	vshrl.u32 v1, $0x10  }
0xd7: {  	[tilespmem:$0x27E0] =	vst v2  }
0xd8: {  	[tilespmem:$0x28D0] =	vst v1  }
0xd9: {  	v1 =	vld [tilespmem:s21+$0x0];
	_ =	sdelay $0x4  }
0xda: {  	v2 =	vand.u32 $0xFFFF, v1;
	v1 =	vshrl.u32 v1, $0x10  }
0xdb: {  	[tilespmem:$0x27F0] =	vst v2  }
0xdc: {  	[tilespmem:$0x28E0] =	vst v1  }
0xdd: {  	[tilespmem:s0], [sflag:$0x3] =	stream.indirect.gather [hbm4b:s1+s26], $0x80, s2, s26, $0xb8;
	[tilespmem:$0x1E0F0] =	vst v63  }
0xde: {  	_ =	swait.ge [sflag:s5], $0x2800  }
0xdf: {  	[sflag:s5] =	ssyncset.done $0x0  }
0xe0: {  	[sflag:s5] =	ssyncadd.s32 $0xFFFFD800  }
0xe1: {  	[spmem:s3] =	stream.indirect.scatter.add.f32 [tilespmem:s30], [sflag:$0x5], $0x80, s14, s26, $0xb8;
	[tilespmem:$0x1E0F0] =	vst v63  }
0xe2: {  	_ =	swait.ge [sflag:s15], $0x2800  }
0xe3: {  	[sflag:s15] =	ssyncset.done $0x0  }
0xe4: {  	s21 =	sshra.s32 s6, $0x2;
	[sflag:s15] =	ssyncadd.s32 $0xFFFFD800  }
0xe5: {  	v1 =	vld [tilespmem:s21+$0xFFFFFF20];
	_ =	sdelay $0x4  }
0xe6: {  	v2 =	vand.u32 $0xFFFF, v1;
	v1 =	vshrl.u32 v1, $0x10  }
0xe7: {  	[tilespmem:$0x2710] =	vst v2  }
0xe8: {  	[tilespmem:$0x2800] =	vst v1  }
0xe9: {  	v1 =	vld [tilespmem:s21+$0xFFFFFF30];
	_ =	sdelay $0x4  }
0xea: {  	v2 =	vand.u32 $0xFFFF, v1;
	v1 =	vshrl.u32 v1, $0x10  }
0xeb: {  	[tilespmem:$0x2720] =	vst v2  }
0xec: {  	[tilespmem:$0x2810] =	vst v1  }
0xed: {  	v1 =	vld [tilespmem:s21+$0xFFFFFF40];
	_ =	sdelay $0x4  }
0xee: {  	v2 =	vand.u32 $0xFFFF, v1;
	v1 =	vshrl.u32 v1, $0x10  }
0xef: {  	[tilespmem:$0x2730] =	vst v2  }
0xf0: {  	[tilespmem:$0x2820] =	vst v1  }
0xf1: {  	v1 =	vld [tilespmem:s21+$0xFFFFFF50];
	_ =	sdelay $0x4  }
0xf2: {  	v2 =	vand.u32 $0xFFFF, v1;
	v1 =	vshrl.u32 v1, $0x10  }
0xf3: {  	[tilespmem:$0x2740] =	vst v2  }
0xf4: {  	[tilespmem:$0x2830] =	vst v1  }
0xf5: {  	v1 =	vld [tilespmem:s21+$0xFFFFFF60];
	_ =	sdelay $0x4  }
0xf6: {  	v2 =	vand.u32 $0xFFFF, v1;
	v1 =	vshrl.u32 v1, $0x10  }
0xf7: {  	[tilespmem:$0x2750] =	vst v2  }
0xf8: {  	[tilespmem:$0x2840] =	vst v1  }
0xf9: {  	[tilespmem:s24], [sflag:$0x1] =	stream.indirect.gather [hbm4b:s1+s26], $0x80, s28, s26, $0xb8;
	[tilespmem:$0x1E0F0] =	vst v63  }
0xfa: {  	_ =	swait.ge [sflag:s16], $0x2800  }
0xfb: {  	[sflag:s16] =	ssyncset.done $0x0  }
0xfc: {  	[sflag:s16] =	ssyncadd.s32 $0xFFFFD800  }
0xfd: {  	[spmem:s3] =	stream.indirect.scatter.add.f32 [tilespmem:s0], [sflag:$0x6], $0x80, s17, s26, $0xb8;
	[tilespmem:$0x1E0F0] =	vst v63  }
0xfe: {  	_ =	swait.ge [sflag:s18], $0x2800  }
0xff: {  	[sflag:s18] =	ssyncset.done $0x0  }
0x100: {  	[sflag:s18] =	ssyncadd.s32 $0xFFFFD800  }
0x101: {  	v1 =	vld [tilespmem:s21+$0xFFFFFF70];
	_ =	sdelay $0x4  }
0x102: {  	v2 =	vand.u32 $0xFFFF, v1;
	v1 =	vshrl.u32 v1, $0x10  }
0x103: {  	[tilespmem:$0x2760] =	vst v2  }
0x104: {  	[tilespmem:$0x2850] =	vst v1  }
0x105: {  	v1 =	vld [tilespmem:s21+$0xFFFFFF80];
	_ =	sdelay $0x4  }
0x106: {  	v2 =	vand.u32 $0xFFFF, v1;
	v1 =	vshrl.u32 v1, $0x10  }
0x107: {  	[tilespmem:$0x2770] =	vst v2  }
0x108: {  	[tilespmem:$0x2860] =	vst v1  }
0x109: {  	v1 =	vld [tilespmem:s21+$0xFFFFFF90];
	_ =	sdelay $0x4  }
0x10a: {  	v2 =	vand.u32 $0xFFFF, v1;
	v1 =	vshrl.u32 v1, $0x10  }
0x10b: {  	[tilespmem:$0x2780] =	vst v2  }
0x10c: {  	[tilespmem:$0x2870] =	vst v1  }
0x10d: {  	v1 =	vld [tilespmem:s21+$0xFFFFFFA0];
	_ =	sdelay $0x4  }
0x10e: {  	v2 =	vand.u32 $0xFFFF, v1;
	v1 =	vshrl.u32 v1, $0x10  }
0x10f: {  	[tilespmem:$0x2790] =	vst v2  }
0x110: {  	[tilespmem:$0x2880] =	vst v1  }
0x111: {  	v1 =	vld [tilespmem:s21+$0xFFFFFFB0];
	_ =	sdelay $0x4  }
0x112: {  	v2 =	vand.u32 $0xFFFF, v1;
	v1 =	vshrl.u32 v1, $0x10  }
0x113: {  	[tilespmem:$0x27A0] =	vst v2  }
0x114: {  	[tilespmem:$0x2890] =	vst v1  }
0x115: {  	[tilespmem:s30], [sflag:$0x2] =	stream.indirect.gather [hbm4b:s1+s26], $0x80, s29, s26, $0xb8;
	[tilespmem:$0x1E0F0] =	vst v63  }
0x116: {  	_ =	swait.ge [sflag:s25], $0x2800  }
0x117: {  	[sflag:s25] =	ssyncset.done $0x0  }
0x118: {  	[sflag:s25] =	ssyncadd.s32 $0xFFFFD800  }
0x119: {  	[spmem:s3] =	stream.indirect.scatter.add.f32 [tilespmem:s24], [sflag:$0x4], $0x80, s31, s26, $0xb8;
	[tilespmem:$0x1E0F0] =	vst v63  }
0x11a: {  	_ =	swait.ge [sflag:s19], $0x2800  }
0x11b: {  	[sflag:s19] =	ssyncset.done $0x0  }
0x11c: {  	[sflag:s19] =	ssyncadd.s32 $0xFFFFD800  }
0x11d: {  	v1 =	vld [tilespmem:s21+$0xFFFFFFC0];
	_ =	sdelay $0x4  }
0x11e: {  	v2 =	vand.u32 $0xFFFF, v1;
	v1 =	vshrl.u32 v1, $0x10  }
0x11f: {  	[tilespmem:$0x27B0] =	vst v2  }
0x120: {  	[tilespmem:$0x28A0] =	vst v1  }
0x121: {  	v1 =	vld [tilespmem:s21+$0xFFFFFFD0];
	_ =	sdelay $0x4  }
0x122: {  	v2 =	vand.u32 $0xFFFF, v1;
	v1 =	vshrl.u32 v1, $0x10  }
0x123: {  	[tilespmem:$0x27C0] =	vst v2  }
0x124: {  	[tilespmem:$0x28B0] =	vst v1  }
0x125: {  	v1 =	vld [tilespmem:s21+$0xFFFFFFE0];
	_ =	sdelay $0x3  }
.Ltmp1:
0x126: {  	(pc) =	sbr.rel @p0 .LBB2_4-.Ltmp1, $4  }
0x127: {  	v2 =	vand.u32 $0xFFFF, v1;
	v1 =	vshrl.u32 v1, $0x10  }
0x128: {  	[tilespmem:$0x27D0] =	vst v2  }
0x129: {  	[tilespmem:$0x28C0] =	vst v1  }
0x12a: {  	v1 =	vld [tilespmem:s21+$0xFFFFFFF0]  }
0x12b: {  	_ =	sdelay $0x3  }
0x12c: {  	v2 =	vand.u32 $0xFFFF, v1  }
0x12d: {  	v1 =	vshrl.u32 v1, $0x10;
	[tilespmem:$0x27E0] =	vst v2  }
0x12e: {  	[tilespmem:$0x28D0] =	vst v1  }
0x12f: {  	v1 =	vld [tilespmem:s21+$0x0];
	_ =	sdelay $0x4  }
0x130: {  	v2 =	vand.u32 $0xFFFF, v1  }
0x131: {  	v1 =	vshrl.u32 v1, $0x10;
	[tilespmem:$0x27F0] =	vst v2  }
0x132: {  	[tilespmem:$0x28E0] =	vst v1  }
0x133: {  	[tilespmem:s0], [sflag:$0x3] =	stream.indirect.gather [hbm4b:s1+s26], $0x80, s2, s26, $0xb8;
	[tilespmem:$0x1E0F0] =	vst v63  }
0x134: {  	_ =	swait.ge [sflag:s5], $0x2800  }
0x135: {  	[sflag:s5] =	ssyncset.done $0x0  }
0x136: {  	[sflag:s5] =	ssyncadd.s32 $0xFFFFD800  }
0x137: {  	[spmem:s3] =	stream.indirect.scatter.add.f32 [tilespmem:s30], [sflag:$0x5], $0x80, s14, s26, $0xb8;
	[tilespmem:$0x1E0F0] =	vst v63  }
0x138: {  	_ =	swait.ge [sflag:s15], $0x2800  }
0x139: {  	[sflag:s15] =	ssyncset.done $0x0  }
0x13a: {  	[sflag:s15] =	ssyncadd.s32 $0xFFFFD800  }
0x13b: {  	v1 =	vld [tilespmem:$0x2670];
	_ =	sdelay $0x1  }
0x13c: {  	v2 =	vld [tilespmem:$0x2680];
	_ =	sdelay $0x1  }
0x13d: {  	v3 =	vld [tilespmem:$0x2690]  }
0x13e: {  	v4 =	vand.u32 $0xFFFF, v1  }
0x13f: {  	v61 =	vld [tilespmem:$0x26A0];
	v1 =	vshrl.u32 v1, $0x10;
	[tilespmem:$0x2710] =	vst v4  }
0x140: {  	[tilespmem:$0x2800] =	vst v1;
	v1 =	vand.u32 $0xFFFF, v2  }
0x141: {  	[tilespmem:$0x2720] =	vst v1;
	v1 =	vshrl.u32 v2, $0x10;
	v2 =	vld [tilespmem:$0x26B0]  }
0x142: {  	[tilespmem:$0x2810] =	vst v1;
	v1 =	vand.u32 $0xFFFF, v3  }
0x143: {  	[tilespmem:$0x2730] =	vst v1;
	v1 =	vshrl.u32 v3, $0x10  }
0x144: {  	[tilespmem:$0x2820] =	vst v1;
	v1 =	vand.u32 $0xFFFF, v61  }
0x145: {  	[tilespmem:$0x2740] =	vst v1;
	v1 =	vshrl.u32 v61, $0x10  }
0x146: {  	[tilespmem:$0x2830] =	vst v1;
	v1 =	vand.u32 $0xFFFF, v2  }
0x147: {  	[tilespmem:$0x2750] =	vst v1;
	v1 =	vshrl.u32 v2, $0x10  }
0x148: {  	[tilespmem:$0x2840] =	vst v1  }
0x149: {  	[tilespmem:s24], [sflag:$0x1] =	stream.indirect.gather [hbm4b:s1+s26], $0x80, s28, s26, $0xb8;
	[tilespmem:$0x1E0F0] =	vst v63  }
0x14a: {  	_ =	swait.ge [sflag:s16], $0x2800  }
0x14b: {  	[sflag:s16] =	ssyncset.done $0x0  }
0x14c: {  	[sflag:s16] =	ssyncadd.s32 $0xFFFFD800  }
0x14d: {  	[spmem:s3] =	stream.indirect.scatter.add.f32 [tilespmem:s0], [sflag:$0x6], $0x80, s17, s26, $0xb8;
	[tilespmem:$0x1E0F0] =	vst v63  }
0x14e: {  	_ =	swait.ge [sflag:s18], $0x2800  }
0x14f: {  	[sflag:s18] =	ssyncset.done $0x0  }
0x150: {  	[sflag:s18] =	ssyncadd.s32 $0xFFFFD800  }
0x151: {  	v1 =	vld [tilespmem:$0x26C0];
	_ =	sdelay $0x1  }
0x152: {  	v2 =	vld [tilespmem:$0x26D0];
	_ =	sdelay $0x1  }
0x153: {  	v3 =	vld [tilespmem:$0x26E0]  }
0x154: {  	v62 =	vand.u32 $0xFFFF, v1  }
0x155: {  	v63 =	vld [tilespmem:$0x26F0];
	v1 =	vshrl.u32 v1, $0x10;
	[tilespmem:$0x2760] =	vst v62  }
0x156: {  	[tilespmem:$0x2850] =	vst v1;
	v1 =	vand.u32 $0xFFFF, v2  }
0x157: {  	[tilespmem:$0x2770] =	vst v1;
	v1 =	vshrl.u32 v2, $0x10;
	v2 =	vld [tilespmem:$0x2700]  }
0x158: {  	[tilespmem:$0x2860] =	vst v1;
	v1 =	vand.u32 $0xFFFF, v3  }
0x159: {  	[tilespmem:$0x2780] =	vst v1;
	v1 =	vshrl.u32 v3, $0x10  }
0x15a: {  	[tilespmem:$0x2870] =	vst v1;
	v1 =	vand.u32 $0xFFFF, v63  }
0x15b: {  	[tilespmem:$0x2790] =	vst v1;
	v1 =	vshrl.u32 v63, $0x10  }
0x15c: {  	[tilespmem:$0x2880] =	vst v1;
	v1 =	vand.u32 $0xFFFF, v2  }
0x15d: {  	[tilespmem:$0x27A0] =	vst v1;
	v1 =	vshrl.u32 v2, $0x10  }
0x15e: {  	[tilespmem:$0x2890] =	vst v1  }
0x15f: {  	[tilespmem:s30], [sflag:$0x2] =	stream.indirect.gather [hbm4b:s1+s26], $0x80, s29, s26, $0xb8;
	[tilespmem:$0x1E0F0] =	vst v63  }
0x160: {  	_ =	swait.ge [sflag:s25], $0x2800  }
0x161: {  	[sflag:s25] =	ssyncset.done $0x0  }
0x162: {  	[sflag:s25] =	ssyncadd.s32 $0xFFFFD800  }
0x163: {  	[spmem:s3] =	stream.indirect.scatter.add.f32 [tilespmem:s24], [sflag:$0x4], $0x80, s31, s26, $0xb8;
	[tilespmem:$0x1E0F0] =	vst v63  }
0x164: {  	_ =	swait.ge [sflag:s5], $0x2800  }
0x165: {  	[sflag:s5] =	ssyncset.done $0x0  }
0x166: {  	[sflag:s5] =	ssyncadd.s32 $0xFFFFD800  }
0x167: {  	[spmem:s3] =	stream.indirect.scatter.add.f32 [tilespmem:s30], [sflag:$0x5], $0x80, s14, s26, $0xb8;
	[tilespmem:$0x1E0F0] =	vst v63  }
0x168: {  	_ =	swait.ge [sflag:s15], $0x2800  }
0x169: {  	[sflag:s15] =	ssyncset.done $0x0  }
0x16a: {  	[sflag:s15] =	ssyncadd.s32 $0xFFFFD800  }
0x16b: {  	_ =	swait.ge [sflag:s18], $0x2800  }
0x16c: {  	[sflag:s18] =	ssyncset.done $0x0  }
0x16d: {  	[sflag:s18] =	ssyncadd.s32 $0xFFFFD800  }
0x16e: {  	_ =	swait.ge [sflag:s19], $0x2800  }
0x16f: {  	[sflag:s19] =	ssyncset.done $0x0  }
0x170: {  	[sflag:s19] =	ssyncadd.s32 $0xFFFFD800  }
0x171: {  	[bflag:$0x0] =	sbarrier.arrive $0xFFFF  }
0x172: {  	[tilespmem:s24], [sflag:$0x1] =	stream.linear.gather [spmem:s23], $0x2800, $0x38;
	[tilespmem:$0x1E0F0] =	vst v63  }
0x173: {  	_ =	swait.ge [sflag:s25], $0x2800  }
0x174: {  	[sflag:s25] =	ssyncset.done $0x0  }
0x175: {  	s22 =	simm.s32 $0x0;
	s4 =	rddreg [dreg:$0x5];
	[sflag:s25] =	ssyncadd.s32 $0xFFFFD800  }
0x176: {  	[hbm4b:s4+s22] =	stream.linear.scatter [tilespmem:s24], [sflag:$0x4], $0x2800, $0x38;
	[tilespmem:$0x1E0F0] =	vst v63  }
0x177: {  	_ = 	snop  }
0x178: {  	[tilespmem:s30], [sflag:$0x2] =	stream.linear.gather [spmem:s7], $0x2800, $0x38;
	[tilespmem:$0x1E0F0] =	vst v63  }
0x179: {  	_ =	swait.ge [sflag:s5], $0x2800  }
0x17a: {  	[sflag:s5] =	ssyncset.done $0x0  }
0x17b: {  	s6 =	rddreg [dreg:$0x6];
	[sflag:s5] =	ssyncadd.s32 $0xFFFFD800  }
0x17c: {  	[hbm4b:s6+s22] =	stream.linear.scatter [tilespmem:s30], [sflag:$0x5], $0x2800, $0x38;
	[tilespmem:$0x1E0F0] =	vst v63  }
0x17d: {  	_ =	swait.ge [sflag:s15], $0x2800  }
0x17e: {  	[sflag:s15] =	ssyncset.done $0x0  }
0x17f: {  	[sflag:s15] =	ssyncadd.s32 $0xFFFFD800  }
0x180: {  	[tilespmem:s24], [sflag:$0x1] =	stream.linear.gather [spmem:s8], $0x2800, $0x38;
	[tilespmem:$0x1E0F0] =	vst v63  }
0x181: {  	_ =	swait.ge [sflag:s25], $0x2800  }
0x182: {  	[sflag:s25] =	ssyncset.done $0x0  }
0x183: {  	s21 =	rddreg [dreg:$0x7];
	[sflag:s25] =	ssyncadd.s32 $0xFFFFD800  }
0x184: {  	[hbm4b:s21+s22] =	stream.linear.scatter [tilespmem:s24], [sflag:$0x4], $0x2800, $0x38;
	[tilespmem:$0x1E0F0] =	vst v63  }
0x185: {  	_ =	swait.ge [sflag:s18], $0x2800  }
0x186: {  	[sflag:s18] =	ssyncset.done $0x0  }
0x187: {  	[sflag:s18] =	ssyncadd.s32 $0xFFFFD800  }
0x188: {  	[tilespmem:s30], [sflag:$0x2] =	stream.linear.gather [spmem:s9], $0x2800, $0x38;
	[tilespmem:$0x1E0F0] =	vst v63  }
0x189: {  	_ =	swait.ge [sflag:s5], $0x2800  }
0x18a: {  	[sflag:s5] =	ssyncset.done $0x0  }
0x18b: {  	s6 =	rddreg [dreg:$0x8];
	[sflag:s5] =	ssyncadd.s32 $0xFFFFD800  }
0x18c: {  	[hbm4b:s6+s22] =	stream.linear.scatter [tilespmem:s30], [sflag:$0x5], $0x2800, $0x38;
	[tilespmem:$0x1E0F0] =	vst v63  }
0x18d: {  	_ =	swait.ge [sflag:s15], $0x2800  }
0x18e: {  	[sflag:s15] =	ssyncset.done $0x0  }
0x18f: {  	[sflag:s15] =	ssyncadd.s32 $0xFFFFD800  }
0x190: {  	[tilespmem:s24], [sflag:$0x1] =	stream.linear.gather [spmem:s10], $0x2800, $0x38;
	[tilespmem:$0x1E0F0] =	vst v63  }
0x191: {  	_ =	swait.ge [sflag:s25], $0x2800  }
0x192: {  	[sflag:s25] =	ssyncset.done $0x0  }
0x193: {  	s21 =	rddreg [dreg:$0x9];
	[sflag:s25] =	ssyncadd.s32 $0xFFFFD800  }
0x194: {  	[hbm4b:s21+s22] =	stream.linear.scatter [tilespmem:s24], [sflag:$0x4], $0x2800, $0x38;
	[tilespmem:$0x1E0F0] =	vst v63  }
0x195: {  	_ =	swait.ge [sflag:s18], $0x2800  }
0x196: {  	[sflag:s18] =	ssyncset.done $0x0  }
0x197: {  	[sflag:s18] =	ssyncadd.s32 $0xFFFFD800  }
0x198: {  	[tilespmem:s30], [sflag:$0x2] =	stream.linear.gather [spmem:s11], $0x2800, $0x38;
	[tilespmem:$0x1E0F0] =	vst v63  }
0x199: {  	_ =	swait.ge [sflag:s5], $0x2800  }
0x19a: {  	[sflag:s5] =	ssyncset.done $0x0  }
0x19b: {  	s6 =	rddreg [dreg:$0xa];
	[sflag:s5] =	ssyncadd.s32 $0xFFFFD800  }
0x19c: {  	[hbm4b:s6+s22] =	stream.linear.scatter [tilespmem:s30], [sflag:$0x5], $0x2800, $0x38;
	[tilespmem:$0x1E0F0] =	vst v63  }
0x19d: {  	_ =	swait.ge [sflag:s15], $0x2800  }
0x19e: {  	[sflag:s15] =	ssyncset.done $0x0  }
0x19f: {  	[sflag:s15] =	ssyncadd.s32 $0xFFFFD800  }
0x1a0: {  	[tilespmem:s24], [sflag:$0x1] =	stream.linear.gather [spmem:s12], $0x2800, $0x38;
	[tilespmem:$0x1E0F0] =	vst v63  }
0x1a1: {  	_ =	swait.ge [sflag:s25], $0x2800  }
0x1a2: {  	[sflag:s25] =	ssyncset.done $0x0  }
0x1a3: {  	s21 =	rddreg [dreg:$0xb];
	[sflag:s25] =	ssyncadd.s32 $0xFFFFD800  }
0x1a4: {  	[hbm4b:s21+s22] =	stream.linear.scatter [tilespmem:s24], [sflag:$0x4], $0x2800, $0x38;
	[tilespmem:$0x1E0F0] =	vst v63  }
0x1a5: {  	_ =	swait.ge [sflag:s18], $0x2800  }
0x1a6: {  	[sflag:s18] =	ssyncset.done $0x0  }
0x1a7: {  	[sflag:s18] =	ssyncadd.s32 $0xFFFFD800  }
0x1a8: {  	[tilespmem:s30], [sflag:$0x2] =	stream.linear.gather [spmem:s13], $0x2800, $0x38;
	[tilespmem:$0x1E0F0] =	vst v63  }
0x1a9: {  	_ =	swait.ge [sflag:s5], $0x2800  }
0x1aa: {  	[sflag:s5] =	ssyncset.done $0x0  }
0x1ab: {  	s6 =	rddreg [dreg:$0xc];
	[sflag:s5] =	ssyncadd.s32 $0xFFFFD800  }
0x1ac: {  	[hbm4b:s6+s22] =	stream.linear.scatter [tilespmem:s30], [sflag:$0x5], $0x2800, $0x38;
	[tilespmem:$0x1E0F0] =	vst v63  }
0x1ad: {  	_ =	swait.ge [sflag:s15], $0x2800  }
0x1ae: {  	[sflag:s15] =	ssyncset.done $0x0  }
0x1af: {  	[sflag:s15] =	ssyncadd.s32 $0xFFFFD800  }
0x1b0: {  	_ =	swait.ge [sflag:s18], $0x2800  }
0x1b1: {  	s20 =	sadd.s32 $0x1, s20;
	s21 =	rddreg [dreg:$0xd]  }
0x1b2: {  	p0 =	sne.s32 s20, s21  }
.Ltmp2:
0x1b3: {  	_ = 	snop;
	(pc) =	sbr.rel @p0 .LBB2_1-.Ltmp2, $3  }
0x1b4: {  	_ =	sdelay $0x1  }
0x1b5: {  	[sflag:s18] =	ssyncset.done $0x0  }
0x1b6: {  	[sflag:s18] =	ssyncadd.s32 $0xFFFFD800  }
0x1b7: {  	_ =	sfence.sel $0x180000  }
0x1b8: {  	[bflag:$0x0] =	sbarrier.arrive $0xFFFF  }
0x1b9: {  	_ =	strace $0x9000004A  }
0x1ba: {  	s0 =	stileid.u32;
	[bflag:$0x2] =	sbarrier.arrive $0xFFFF  }
0x1bb: {  	p0 =	sne.s32 s0, $0x0;
	s0 =	rddreg [dreg:$0x3]  }
0x1bc: {  	s0 =	sadd.s32 @!p0 $0x100000, s0  }
0x1bd: {  	[sflag:s0] =	ssyncadd.tile.s32 @!p0 $0x1;
	_ =	shalt  }
.Lfunc_end2:
_tile_overlayer_lowered:
.L_overlay_start_2:
0x1be: {  	(tag) =	ssettag $0x2  }
0x1bf: {  	s0 =	rddreg [dreg:$0x0];
	s2 =	stileid.u32  }
0x1c0: {  	s1 =	rddreg [dreg:$0x1];
	p0 =	sne.s32 s2, $0x0  }
0x1c1: {  	s3 =	rddreg [dreg:$0x2];
	[bflag:$0x3] =	sbarrier.arrive $0xFFFF;
	s2 =	simm.s32 @!p0 $0x1C07  }
0x1c2: {  	[timem:s3], [sflag:s2] =	dma.local @!p0 [hbm:s0], s1  }
0x1c3: {  	s0 =	simm.s32 @!p0 $0x7  }
0x1c4: {  	_ =	swait.ge @!p0 [sflag:s0], s1  }
0x1c5: {  	s1 =	ssub.s32 @!p0 $0x0, s1;
	[sflag:s0] =	ssyncset.done @!p0 $0x0  }
0x1c6: {  	[sflag:s0] =	ssyncadd.s32 @!p0 s1  }
0x1c7: {  	[bflag:$0x3] =	sbarrier.arrive $0xFFFF  }
0x1c8: {  	_ =	shalt  }

// kernel: _run.7.cloned.1.call-start
scs
__scs_entry_jumppad:
0x0: {  	(pc) =	sbr.rel $0x88, $3  }
0x1: {  	(tag) =	ssettag $0x0;
	lr =	simm.s32 $0x1  }
0x2: {  	[smem:$0x3F9D] =	sst lr;
	_ =	strace $0xD0000000  }
0x3: {  	_ = 	snop  }
0x4: {  	_ = 	snop  }
0x5: {  	_ = 	snop  }
0x6: {  	_ = 	snop  }
0x7: {  	_ = 	snop  }
__scs_overlays_trampoline_lowered:
0x8: {  	[smem:$0x3FAC] =	sst s0  }
0x9: {  	[smem:$0x3FAD] =	sst s1  }
0xa: {  	[smem:$0x3FAE] =	sst s2  }
0xb: {  	[smem:$0x3FAF] =	sst s3  }
0xc: {  	[smem:$0x3FB0] =	sst s4  }
0xd: {  	[smem:$0x3FB1] =	sst s5  }
0xe: {  	[smem:$0x3FB2] =	sst s6  }
0xf: {  	[smem:$0x3FB3] =	sst s7  }
0x10: {  	[smem:$0x3FB4] =	sst s8  }
0x11: {  	[smem:$0x3FB5] =	sst s9;
	s0 =	simm.s32 @!p0 $0x0  }
0x12: {  	s1 =	sld [smem:$0x3F9B];
	s0 =	simm.s32 @p0 $0x1  }
0x13: {  	[smem:$0x3FB6] =	sst s0;
	s0 =	simm.s32 @!p1 $0x0  }
0x14: {  	s2 =	sld [smem:$0x3F9A];
	s0 =	simm.s32 @p1 $0x1  }
0x15: {  	[smem:$0x3FB7] =	sst s0;
	s0 =	simm.s32 @!p2 $0x0  }
0x16: {  	s3 =	sld [smem:$0x3FDB];
	s0 =	simm.s32 @p2 $0x1  }
0x17: {  	s4 =	simm.s32 $0x1BF5;
	[smem:$0x3FB9] =	sst s0  }
0x18: {  	s0 =	sld [smem:$0x3F9C];
	_ =	swait.ge [sflag:s4], $0x0  }
0x19: {  	s7 =	sld [smem:$0x3F9D]  }
0x1a: {  	s8 =	sadd.s32 $0xFFFFE003, lr  }
0x1b: {  	s9 =	sadd.s32 $0xFFFFFEF7, lr;
	s5 =	simm.s32 $0xFFFFFFFF;
	p2 =	slt.u32 s8, $0xFFFFF086  }
0x1c: {  	p1 =	slt.u32 s9, $0xF7A;
	s5 =	simm.s32 @!p2 $0x0  }
0x1d: {  	s5 =	simm.s32 @p1 $0x1;
	p0 =	seq.s32 s7, s2  }
0x1e: {  	s7 =	smul.u32 @!p0 $0xF7A, s2;
	p2 =	seq.s32 @!p0 s5, $0x0  }
0x1f: {  	s9 =	smul.u32 $0xF7A, s1;
	s8 =	simm.s32 @!p0 $0x1BF5;
	p2 =	por !p2, p0  }
0x20: {  	[sflag:s8] =	ssyncset.s32 @!p0 $0xFFFFF086;
	s6 =	sadd.s32 @!p0 s3, s7;
	s7 =	simm.s32 @!p0 $0x108  }
0x21: {  	s3 =	sadd.s32 s3, s9;
	s6 =	sadd.s32 @!p0 $0x88, s6;
	s7 =	simm.s32 @p2 $0x1082  }
0x22: {  	[simem:s7], [sflag:s8] =	dma.local @!p0 [hbm:s6], $0xF7A  }
0x23: {  	s9 =	sor.u32 $0xD0000000, s2;
	s6 =	simm.s32 $0x108;
	_ =	swait.ge @!p0 [sflag:s8], $0x0  }
0x24: {  	s3 =	sadd.s32 $0x88, s3;
	s6 =	simm.s32 @!p1 $0x1082;
	[sflag:s4] =	ssyncset.s32 $0xFFFFF086  }
0x25: {  	[simem:s6], [sflag:s4] =	dma.local [hbm:s3], $0xF7A  }
0x26: {  	[smem:$0x3F9D] =	sst s1;
	(tag) =	ssettag s2;
	_ =	strace s9  }
0x27: {  	s1 =	sld [smem:$0x3FAD]  }
0x28: {  	s2 =	sld [smem:$0x3FAE]  }
0x29: {  	s4 =	sld [smem:$0x3FB0]  }
0x2a: {  	p0 =	seq.s32 s5, $0x0;
	s5 =	sld [smem:$0x3FB1]  }
0x2b: {  	s6 =	sld [smem:$0x3FB2]  }
0x2c: {  	s7 =	sld [smem:$0x3FB3]  }
0x2d: {  	s3 =	simm.s32 $0x108;
	s8 =	sld [smem:$0x3FB4]  }
0x2e: {  	s3 =	simm.s32 @!p0 $0x1082;
	s9 =	sld [smem:$0x3FB5]  }
0x2f: {  	lr =	sadd.s32 s0, s3;
	s0 =	sld [smem:$0x3FAC]  }
0x30: {  	s3 =	sld [smem:$0x3FAF]  }
0x31: {  	[smem:$0x3FB8] =	sst s10  }
0x32: {  	s10 =	sld [smem:$0x3FB6];
	_ =	sdelay $0x3  }
0x33: {  	p0 =	seq.s32 s10, $0x1;
	s10 =	sld [smem:$0x3FB8];
	_ =	sdelay $0x3  }
0x34: {  	[smem:$0x3FB8] =	sst s10  }
0x35: {  	s10 =	sld [smem:$0x3FB7];
	_ =	sdelay $0x3  }
0x36: {  	p1 =	seq.s32 s10, $0x1;
	s10 =	sld [smem:$0x3FB8];
	_ =	sdelay $0x3  }
0x37: {  	[smem:$0x3FB8] =	sst s10  }
0x38: {  	s10 =	sld [smem:$0x3FB9]  }
0x39: {  	_ = 	snop;
	(pc) =	sbr.ind lr, $3  }
0x3a: {  	_ = 	snop  }
0x3b: {  	_ = 	snop  }
0x3c: {  	p2 =	seq.s32 s10, $0x1;
	s10 =	sld [smem:$0x3FB8]  }
0x3d: {  	_ =	shalt  }
0x3e: {  	_ =	shalt  }
0x3f: {  	_ =	shalt  }
0x40: {  	_ =	shalt  }
0x41: {  	_ =	shalt  }
0x42: {  	_ =	shalt  }
0x43: {  	_ =	shalt  }
0x44: {  	_ =	shalt  }
0x45: {  	_ =	shalt  }
0x46: {  	_ =	shalt  }
0x47: {  	_ =	shalt  }
0x48: {  	_ =	shalt  }
0x49: {  	_ =	shalt  }
0x4a: {  	_ =	shalt  }
0x4b: {  	_ =	shalt  }
0x4c: {  	_ =	shalt  }
0x4d: {  	_ =	shalt  }
0x4e: {  	_ =	shalt  }
0x4f: {  	_ =	shalt  }
0x50: {  	_ =	shalt  }
0x51: {  	_ =	shalt  }
0x52: {  	_ =	shalt  }
0x53: {  	_ =	shalt  }
0x54: {  	_ =	shalt  }
0x55: {  	_ =	shalt  }
0x56: {  	_ =	shalt  }
0x57: {  	_ =	shalt  }
0x58: {  	_ =	shalt  }
0x59: {  	_ =	shalt  }
0x5a: {  	_ =	shalt  }
0x5b: {  	_ =	shalt  }
0x5c: {  	_ =	shalt  }
0x5d: {  	_ =	shalt  }
0x5e: {  	_ =	shalt  }
0x5f: {  	_ =	shalt  }
0x60: {  	_ =	shalt  }
0x61: {  	_ =	shalt  }
0x62: {  	_ =	shalt  }
0x63: {  	_ =	shalt  }
0x64: {  	_ =	shalt  }
0x65: {  	_ =	shalt  }
0x66: {  	_ =	shalt  }
0x67: {  	_ =	shalt  }
0x68: {  	_ =	shalt  }
0x69: {  	_ =	shalt  }
0x6a: {  	_ =	shalt  }
0x6b: {  	_ =	shalt  }
0x6c: {  	_ =	shalt  }
0x6d: {  	_ =	shalt  }
0x6e: {  	_ =	shalt  }
0x6f: {  	_ =	shalt  }
0x70: {  	_ =	shalt  }
0x71: {  	_ =	shalt  }
0x72: {  	_ =	shalt  }
0x73: {  	_ =	shalt  }
0x74: {  	_ =	shalt  }
0x75: {  	_ =	shalt  }
0x76: {  	_ =	shalt  }
0x77: {  	_ =	shalt  }
0x78: {  	_ =	shalt  }
0x79: {  	_ =	shalt  }
0x7a: {  	_ =	shalt  }
0x7b: {  	_ =	shalt  }
0x7c: {  	_ =	shalt  }
0x7d: {  	_ =	shalt  }
0x7e: {  	_ =	shalt  }
0x7f: {  	_ =	shalt  }
0x80: {  	_ =	shalt  }
0x81: {  	_ =	shalt  }
0x82: {  	_ =	shalt  }
0x83: {  	_ =	shalt  }
0x84: {  	_ =	shalt  }
0x85: {  	_ =	shalt  }
0x86: {  	_ =	shalt  }
0x87: {  	_ =	shalt  }
.Lfunc_end0:
.L_simem_size_0:
called_computation_lowered:
.L_overlay_start_0:
0x88: {  	s2 =	sld [smem:$0x3FD9]  }
0x89: {  	s3 =	sld [smem:$0x3FFE];
	_ =	sdelay $0x1  }
0x8a: {  	s1 =	srdreg.scid  }
0x8b: {  	s0 =	sand.u32 $0x1, s1  }
0x8c: {  	s17 =	sshll.u32 s0, $0xA;
	s2 =	sadd.s32 s3, s2  }
0x8d: {  	s2 =	sadd.s32 s2, s17  }
0x8e: {  	[smem:$0x3FC4] =	sst s2  }
0x8f: {  	_ = 	snop  }
0x90: {  	s2 =	sld [smem:$0x3FD0];
	(tm) =	ssettm $0x1  }
0x91: {  	s18 =	sld [smem:$0x3FFB];
	_ =	sdelay $0x3  }
0x92: {  	_ =	strace s18  }
0x93: {  	s3 =	sld [smem:$0x3FFC];
	_ =	sdelay $0x3  }
0x94: {  	_ =	strace s3  }
0x95: {  	s3 =	sld [smem:$0x3FFD];
	_ =	sdelay $0x3  }
0x96: {  	_ =	strace s3  }
0x97: {  	_ =	strace $0x8FFFFFFF  }
0x98: {  	s19 =	sld [smem:$0x3FDB];
	_ =	sdelay $0x1  }
0x99: {  	s4 =	simm.s32 $_scs_section_size  }
0x9a: {  	s5 =	simm.s32 $_size__tile_overlayer_lowered;
	s6 =	simm.s32 $_tile_overlayer_lowered  }
0x9b: {  	s22 =	simm.s32 $0x1BFF;
	s21 =	sshll.u32 s6, $0x1;
	s3 =	sadd.s32 s4, s19  }
0x9c: {  	s7 =	simm.s32 $0x0;
	s20 =	sshll.u32 s5, $0x1;
	s5 =	sadd.s32 s21, s3  }
0x9d: {  	[timem:s7], [sflag:s22] =	dma.local [hbm:s5], s20  }
0x9e: {  	_ =	swait.ge [sflag:s22], s20  }
0x9f: {  	s4 =	ssub.s32 $0x0, s20;
	[sflag:s22] =	ssyncset.done $0x0  }
0xa0: {  	[sflag:s22] =	ssyncadd.s32 s4;
	_ =	sdelay $0x1  }
0xa1: {  	s23 =	simm.s32 $0x1B8B  }
0xa2: {  	_ =	swait.ge [sflag:s23], $0x1  }
0xa3: {  	[sflag:s23] =	ssyncset.done $0x0  }
0xa4: {  	s25 =	simm.s32 $0x1B8E;
	s24 =	sld [smem:$0x3FFE];
	[sflag:s23] =	ssyncadd.s32 $0xFFFFFFFF  }
0xa5: {  	s26 =	simm.s32 $execute0_lowered;
	[smem:$0x3FD2] =	sst s25  }
0xa6: {  	s5 =	sshll.u32 s26, $0x1;
	_ =	strace $0x80000046;
	[dreg:$0x1] =	wrdreg $0xFFFFFFFF  }
0xa7: {  	s28 =	simm.s32 $_size_execute0_lowered;
	s3 =	sadd.s32 s3, s5;
	[dreg:$0x0] =	wrdreg $0x0  }
0xa8: {  	s5 =	sshll.u32 s28, $0x1;
	[dreg:$0x2] =	wrdreg s3  }
0xa9: {  	[dreg:$0x3] =	wrdreg s5  }
0xaa: {  	[dreg:$0x4] =	wrdreg $0xC0  }
0xab: {  	_ =	task [dreg:s7], $0x5FFFF  }
0xac: {  	[dreg:$0x1] =	wrdreg $0xFFFFFFFF  }
0xad: {  	[dreg:$0x0] =	wrdreg $0x60  }
0xae: {  	[dreg:$0x2] =	wrdreg s24  }
0xaf: {  	[dreg:$0x3] =	wrdreg s2  }
0xb0: {  	[dreg:$0x4] =	wrdreg $0x54100  }
0xb1: {  	[dreg:$0x5] =	wrdreg $0x9  }
0xb2: {  	_ =	task.clear_ibuf [dreg:s7], $0x6FFFF;
	_ =	strace $0x90000046  }
0xb3: {  	s29 =	simm.s32 $0x9;
	_ =	strace $0x80000048  }
0xb4: {  	_ =	swait.ge [sflag:s29], $0x1  }
0xb5: {  	[sflag:s29] =	ssyncadd.s32 $0xFFFFFFFF  }
0xb6: {  	_ =	strace $0x90000048  }
0xb7: {  	_ =	sfence  }
0xb8: {  	s30 =	sld [smem:$0x0];
	_ =	sdelay $0x2  }
0xb9: {  	s31 =	sshll.u32 s1, $0xD;
	s1 =	sshrl.u32 s1, $0x2  }
0xba: {  	s3 =	sand.u32 $0x4000, s31;
	s1 =	sadd.s32 s1, s30  }
0xbb: {  	s0 =	sor.u32 s3, s0;
	s1 =	sshll.u32 s1, $0x11  }
0xbc: {  	s0 =	sor.u32 s1, s0  }
0xbd: {  	s0 =	sadd.s32 $0x8F2B, s0  }
0xbe: {  	[sflag:s0] =	ssyncadd.remote.s32 $0x1  }
0xbf: {  	_ =	sfence.sel $0xFFFF  }
0xc0: {  	[dreg:$0x0] =	wrdreg $0xFFFFFFFF;
	(pc) =	sbr.abs _section_cstart, $3  }
0xc1: {  	[dreg:$0x1] =	wrdreg $0xFFFFFFFF  }
0xc2: {  	_ =	task.clear_ibuf [dreg:s7], $0x2FFFF;
	_ =	strace $0x9FFFFFFF  }
0xc3: {  	(tm) =	ssettm $0x7FFFFFFF  }
tec
execute0_lowered:
.L_overlay_start_1:
0x0: {  	(tag) =	ssettag $0x1  }
0x1: {  	s4 =	rddreg [dreg:$0x0]  }
0x2: {  	s1 =	srdreg.scid;
	s6 =	rddreg [dreg:$0x1]  }
0x3: {  	s0 =	stileid.u32;
	s2 =	rddreg [dreg:$0x2]  }
0x4: {  	s3 =	simm.s32 $0x0;
	s11 =	simm.s32 $0x2710;
	s12 =	simm.s32 $0xA0  }
0x5: {  	s13 =	simm.s32 $0xF0;
	s14 =	simm.s32 $0x140;
	s15 =	simm.s32 $0x190  }
0x6: {  	s16 =	simm.s32 $0x1E0;
	s17 =	simm.s32 $0x230;
	s18 =	simm.s32 $0x280  }
0x7: {  	s19 =	simm.s32 $0x2D0;
	s20 =	simm.s32 $0x320;
	s21 =	simm.s32 $0x370  }
0x8: {  	s22 =	simm.s32 $0x1;
	s23 =	simm.s32 $0x0;
	s5 =	sand.u32 $0x1, s1  }
0x9: {  	s28 =	sshll.u32 s0, $0x1;
	s8 =	smul.u32 $0x2800, s0;
	[smem:$0x7FF] =	sst s3  }
0xa: {  	s1 =	sor.u32 s5, s28;
	s9 =	ssub.s32 $0x2, s5;
	s5 =	smul.u32 $0x28000, s5  }
0xb: {  	s7 =	smul.u32 $0x4E2, s1;
	s1 =	rddreg [dreg:$0x3];
	s10 =	sshrl.u32 s9, $0x1  }
0xc: {  	_ =	strace $0x80000047;
	s29 =	ssub.s32 s9, s10;
	s30 =	sadd.s32 s8, s5  }
0xd: {  	s5 =	sadd.s32 s8, s2;
	s8 =	simm.s32 $0x2;
	s9 =	simm.s32 $0x2C10  }
0xe: {  	s10 =	simm.s32 $0x50;
	s4 =	sadd.s32 s7, s4;
	s31 =	sshrl.u32 s30, $0x3  }
0xf: {  	v0 =	vimm.f32 $1.000000000e+00;
	v1 =	vimm.f32 $0.0e+00;
	s7 =	smax.u32 s29, $0x1;
	s4 =	sadd.s32 $0x1C00, s4;
	s6 =	sadd.s32 s6, s31  }
.LBB2_1:
0x10: {  	[tilespmem:s3], [sflag:$0x2] =	stream.linear.gather [hbm4b:s4+s3], $0x2710, $0x38;
	[tilespmem:$0x7C10] =	vst v63  }
0x11: {  	_ =	swait.ge [sflag:s8], $0x2710  }
0x12: {  	[sflag:s8] =	ssyncset.done $0x0  }
0x13: {  	s24 =	simm.s32 $0x0;
	[sflag:s8] =	ssyncadd.s32 $0xFFFFD8F0  }
.LBB2_2:
0x14: {  	p0 =	sne.s32 s24, $0x13C0  }
.Ltmp0:
0x15: {  	_ = 	snop;
	(pc) =	sbr.rel @p0 .LBB2_2-.Ltmp0, $3  }
0x16: {  	_ =	sdelay $0x1  }
0x17: {  	s25 =	sshra.s32 s24, $0x2  }
0x18: {  	s24 =	sadd.s32 $0x40, s24;
	[tilespmem:s25+$0x2710] =	vst v0  }
0x19: {  	s24 =	simm.s32 $0x40;
	s25 =	simm.s32 $0x0  }
.LBB2_4:
0x1a: {  	p0 =	sne.s32 s24, $0x9FC0;
	[tilespmem:s25+$0x2C10] =	vst v1;
	s25 =	smov.u32 s24;
	s24 =	sadd.s32 $0x40, s24  }
.Ltmp1:
0x1b: {  	(pc) =	sbr.rel @p0 .LBB2_4-.Ltmp1, $2  }
0x1c: {  	_ =	sdelay $0x2  }
0x1d: {  	s25 =	sshra.s32 s25, $0x2  }
0x1e: {  	[tilespmem:s25+$0x2C10] =	vst v1  }
0x1f: {  	[spmem:s5] =	stream.linear.scatter [tilespmem:s9], [sflag:$0x2], $0x2800, $0x38;
	[tilespmem:$0x7C10] =	vst v63  }
0x20: {  	_ =	swait.ge [sflag:s8], $0x2800  }
0x21: {  	[sflag:s8] =	ssyncset.done $0x0  }
0x22: {  	[sflag:s8] =	ssyncadd.s32 $0xFFFFD800  }
0x23: {  	[bflag:$0x0] =	sbarrier.arrive $0xFFFF  }
0x24: {  	[spmem:s2] =	stream.indirect.scatter.add.f32 [tilespmem:s11], [sflag:$0x1], $0x10, s3, s10, $0xb8;
	[tilespmem:$0x7C10] =	vst v63  }
0x25: {  	_ = 	snop  }
0x26: {  	[spmem:s2] =	stream.indirect.scatter.add.f32 [tilespmem:s11], [sflag:$0x1], $0x10, s10, s10, $0xb8;
	[tilespmem:$0x7C10] =	vst v63  }
0x27: {  	_ = 	snop  }
0x28: {  	[spmem:s2] =	stream.indirect.scatter.add.f32 [tilespmem:s11], [sflag:$0x1], $0x10, s12, s10, $0xb8;
	[tilespmem:$0x7C10] =	vst v63  }
0x29: {  	_ = 	snop  }
0x2a: {  	[spmem:s2] =	stream.indirect.scatter.add.f32 [tilespmem:s11], [sflag:$0x1], $0x10, s13, s10, $0xb8;
	[tilespmem:$0x7C10] =	vst v63  }
0x2b: {  	_ = 	snop  }
0x2c: {  	[spmem:s2] =	stream.indirect.scatter.add.f32 [tilespmem:s11], [sflag:$0x1], $0x10, s14, s10, $0xb8;
	[tilespmem:$0x7C10] =	vst v63  }
0x2d: {  	_ = 	snop  }
0x2e: {  	[spmem:s2] =	stream.indirect.scatter.add.f32 [tilespmem:s11], [sflag:$0x1], $0x10, s15, s10, $0xb8;
	[tilespmem:$0x7C10] =	vst v63  }
0x2f: {  	_ = 	snop  }
0x30: {  	[spmem:s2] =	stream.indirect.scatter.add.f32 [tilespmem:s11], [sflag:$0x1], $0x10, s16, s10, $0xb8;
	[tilespmem:$0x7C10] =	vst v63  }
0x31: {  	_ = 	snop  }
0x32: {  	[spmem:s2] =	stream.indirect.scatter.add.f32 [tilespmem:s11], [sflag:$0x1], $0x10, s17, s10, $0xb8;
	[tilespmem:$0x7C10] =	vst v63  }
0x33: {  	_ = 	snop  }
0x34: {  	[spmem:s2] =	stream.indirect.scatter.add.f32 [tilespmem:s11], [sflag:$0x1], $0x10, s18, s10, $0xb8;
	[tilespmem:$0x7C10] =	vst v63  }
0x35: {  	_ = 	snop  }
0x36: {  	[spmem:s2] =	stream.indirect.scatter.add.f32 [tilespmem:s11], [sflag:$0x1], $0x10, s19, s10, $0xb8;
	[tilespmem:$0x7C10] =	vst v63  }
0x37: {  	_ = 	snop  }
0x38: {  	[spmem:s2] =	stream.indirect.scatter.add.f32 [tilespmem:s11], [sflag:$0x1], $0x10, s20, s10, $0xb8;
	[tilespmem:$0x7C10] =	vst v63  }
0x39: {  	_ = 	snop  }
0x3a: {  	[spmem:s2] =	stream.indirect.scatter.add.f32 [tilespmem:s11], [sflag:$0x1], $0x10, s21, s10, $0xb8;
	[tilespmem:$0x7C10] =	vst v63  }
0x3b: {  	_ =	swait.ge [sflag:s22], $0x500  }
0x3c: {  	[sflag:s22] =	ssyncset.done $0x0  }
0x3d: {  	s24 =	simm.s32 $0x1040;
	s25 =	simm.s32 $0x3C0;
	[sflag:s22] =	ssyncadd.s32 $0xFFFFFB00  }
.LBB2_6:
0x3e: {  	[spmem:s2] =	stream.indirect.scatter.add.f32 [tilespmem:s11], [sflag:$0x1], $0x10, s25, s10, $0xb8;
	[tilespmem:$0x7C10] =	vst v63  }
0x3f: {  	s25 =	smov.u32 s24;
	p0 =	sne.s32 s24, $0x9B00  }
.Ltmp2:
0x40: {  	s24 =	sadd.s32 $0x140, s24;
	(pc) =	sbr.rel @p0 .LBB2_6-.Ltmp2, $4  }
0x41: {  	_ = 	snop  }
0x42: {  	_ =	swait.ge [sflag:s22], $0x500  }
0x43: {  	[sflag:s22] =	ssyncset.done $0x0  }
0x44: {  	s25 =	sshra.s32 s25, $0x2;
	[sflag:s22] =	ssyncadd.s32 $0xFFFFFB00  }
0x45: {  	[spmem:s2] =	stream.indirect.scatter.add.f32 [tilespmem:s11], [sflag:$0x1], $0x10, s25, s10, $0xb8;
	[tilespmem:$0x7C10] =	vst v63  }
0x46: {  	_ =	swait.ge [sflag:s22], $0x500  }
0x47: {  	[sflag:s22] =	ssyncset.done $0x0  }
0x48: {  	[sflag:s22] =	ssyncadd.s32 $0xFFFFFB00  }
0x49: {  	_ =	swait.ge [sflag:s22], $0x500  }
0x4a: {  	[sflag:s22] =	ssyncset.done $0x0  }
0x4b: {  	[sflag:s22] =	ssyncadd.s32 $0xFFFFFB00  }
0x4c: {  	_ =	swait.ge [sflag:s22], $0x500  }
0x4d: {  	[sflag:s22] =	ssyncset.done $0x0  }
0x4e: {  	[sflag:s22] =	ssyncadd.s32 $0xFFFFFB00  }
0x4f: {  	_ =	swait.ge [sflag:s22], $0x500  }
0x50: {  	[sflag:s22] =	ssyncset.done $0x0  }
0x51: {  	[sflag:s22] =	ssyncadd.s32 $0xFFFFFB00  }
0x52: {  	_ =	swait.ge [sflag:s22], $0x500  }
0x53: {  	[sflag:s22] =	ssyncset.done $0x0  }
0x54: {  	[sflag:s22] =	ssyncadd.s32 $0xFFFFFB00  }
0x55: {  	_ =	swait.ge [sflag:s22], $0x500  }
0x56: {  	[sflag:s22] =	ssyncset.done $0x0  }
0x57: {  	[sflag:s22] =	ssyncadd.s32 $0xFFFFFB00  }
0x58: {  	_ =	swait.ge [sflag:s22], $0x500  }
0x59: {  	[sflag:s22] =	ssyncset.done $0x0  }
0x5a: {  	[sflag:s22] =	ssyncadd.s32 $0xFFFFFB00  }
0x5b: {  	_ =	swait.ge [sflag:s22], $0x500  }
0x5c: {  	[sflag:s22] =	ssyncset.done $0x0  }
0x5d: {  	[sflag:s22] =	ssyncadd.s32 $0xFFFFFB00  }
0x5e: {  	_ =	swait.ge [sflag:s22], $0x500  }
0x5f: {  	[sflag:s22] =	ssyncset.done $0x0  }
0x60: {  	[sflag:s22] =	ssyncadd.s32 $0xFFFFFB00  }
0x61: {  	_ =	swait.ge [sflag:s22], $0x500  }
0x62: {  	[sflag:s22] =	ssyncset.done $0x0  }
0x63: {  	[sflag:s22] =	ssyncadd.s32 $0xFFFFFB00  }
0x64: {  	_ =	swait.ge [sflag:s22], $0x500  }
0x65: {  	[sflag:s22] =	ssyncset.done $0x0  }
0x66: {  	[sflag:s22] =	ssyncadd.s32 $0xFFFFFB00  }
0x67: {  	_ =	swait.ge [sflag:s22], $0x500  }
0x68: {  	[sflag:s22] =	ssyncset.done $0x0  }
0x69: {  	[sflag:s22] =	ssyncadd.s32 $0xFFFFFB00  }
0x6a: {  	[bflag:$0x0] =	sbarrier.arrive $0xFFFF  }
0x6b: {  	[tilespmem:s9], [sflag:$0x2] =	stream.linear.gather [spmem:s5], $0x2800, $0x38;
	[tilespmem:$0x7C10] =	vst v63  }
0x6c: {  	s23 =	sadd.s32 $0x1, s23;
	_ =	swait.ge [sflag:s8], $0x2800  }
0x6d: {  	p0 =	sne.s32 s23, s7;
	[sflag:s8] =	ssyncset.done $0x0  }
.Ltmp3:
0x6e: {  	[sflag:s8] =	ssyncadd.s32 $0xFFFFD800;
	(pc) =	sbr.rel @p0 .LBB2_1-.Ltmp3, $4  }
0x6f: {  	[hbm4b:s6+s3] =	stream.linear.scatter [tilespmem:s9], [sflag:$0x2], $0x2800, $0x38;
	[tilespmem:$0x7C10] =	vst v63  }
0x70: {  	_ =	swait.ge [sflag:s8], $0x2800  }
0x71: {  	[sflag:s8] =	ssyncset.done $0x0  }
0x72: {  	[sflag:s8] =	ssyncadd.s32 $0xFFFFD800  }
0x73: {  	_ =	sfence.sel $0x180000  }
0x74: {  	[bflag:$0x0] =	sbarrier.arrive $0xFFFF  }
0x75: {  	p0 =	sne.s32 s0, $0x0;
	_ =	strace $0x90000047  }
0x76: {  	s0 =	sadd.s32 @!p0 $0x100000, s1;
	[bflag:$0x2] =	sbarrier.arrive $0xFFFF  }
0x77: {  	[sflag:s0] =	ssyncadd.tile.s32 @!p0 $0x1;
	_ =	shalt  }
.Lfunc_end2:
_tile_overlayer_lowered:
.L_overlay_start_2:
0x78: {  	(tag) =	ssettag $0x2  }
0x79: {  	s0 =	rddreg [dreg:$0x0];
	s2 =	stileid.u32  }
0x7a: {  	s1 =	rddreg [dreg:$0x1];
	p0 =	sne.s32 s2, $0x0  }
0x7b: {  	s3 =	rddreg [dreg:$0x2];
	[bflag:$0x3] =	sbarrier.arrive $0xFFFF;
	s2 =	simm.s32 @!p0 $0x1C02  }
0x7c: {  	[timem:s3], [sflag:s2] =	dma.local @!p0 [hbm:s0], s1  }
0x7d: {  	s0 =	simm.s32 @!p0 $0x2  }
0x7e: {  	_ =	swait.ge @!p0 [sflag:s0], s1  }
0x7f: {  	s1 =	ssub.s32 @!p0 $0x0, s1;
	[sflag:s0] =	ssyncset.done @!p0 $0x0  }
0x80: {  	[sflag:s0] =	ssyncadd.s32 @!p0 s1  }
0x81: {  	[bflag:$0x3] =	sbarrier.arrive $0xFFFF  }
0x82: {  	_ =	shalt  }

</sc_bundles>
